<compile_context>
chip_gen: v7x
topology: tpu7x:2x2x1
jax: 0.10.2.dev20260603
libtpu: 0.0.44.dev20260713+nightly
codegen_flags: <defaults>
</compile_context>

<pallas_src>
import functools

import jax
import jax.numpy as jnp
from jax import lax
from jax.experimental import pallas as pl
from jax.experimental.pallas import tpu as pltpu
from jax.experimental.pallas import tpu_sc as plsc

_PAD = 1024
_LANES = 16
_NSTAGE = 2
_NOUT = 4


def _make_sc_lookup(N, K, d, T, n_workers, C):
    rows_per_w = N // n_workers
    nc = rows_per_w // C
    assert nc % _NOUT == 0 and nc >= 2 * _NOUT
    mesh = plsc.VectorSubcoreMesh(core_axis_name="c", subcore_axis_name="s")
    num_cores = mesh.num_cores

    @functools.partial(
        pl.kernel,
        out_type=jax.ShapeDtypeStruct((N, d), jnp.float32),
        mesh=mesh,
        scratch_types=[
            pltpu.VMEM((nc, C * K), jnp.int32),
            pltpu.VMEM((_NSTAGE, C * K, d), jnp.float32),
            pltpu.VMEM((_NOUT, C, d), jnp.float32),
            [pltpu.SemaphoreType.DMA] * _NSTAGE,
            [pltpu.SemaphoreType.DMA] * _NOUT,
            [pltpu.SemaphoreType.DMA] * _NOUT,
        ],
    )
    def sc_kernel(tab_hbm, idx_hbm, pos_hbm, out_hbm, idx_v, stage_v, out_v,
                  sem_g, sem_p, sem_w):
        wid = lax.axis_index("s") * num_cores + lax.axis_index("c")
        w_base = wid * rows_per_w
        c_base = wid * nc

        def fire_gather(c, slot):
            pltpu.async_copy(tab_hbm.at[idx_v.at[c]], stage_v.at[slot],
                             sem_g[slot])

        def fire_pos(c, slot):
            t0 = lax.rem(w_base + c * C, T)
            pltpu.async_copy(pos_hbm.at[pl.ds(t0, C)], out_v.at[slot],
                             sem_p[slot])

        def wait_gather(slot):
            pltpu.make_async_copy(tab_hbm.at[idx_v.at[0]], stage_v.at[slot],
                                  sem_g[slot]).wait()

        def wait_pos(slot):
            pltpu.make_async_copy(pos_hbm.at[pl.ds(0, C)], out_v.at[slot],
                                  sem_p[slot]).wait()

        def fire_write(c, slot):
            pltpu.async_copy(out_v.at[slot],
                             out_hbm.at[pl.ds(w_base + c * C, C)], sem_w[slot])

        def wait_write(slot):
            pltpu.make_async_copy(out_v.at[slot], out_hbm.at[pl.ds(0, C)],
                                  sem_w[slot]).wait()

        pltpu.sync_copy(idx_hbm.at[pl.ds(c_base, nc)], idx_v)

        for c0 in range(_NSTAGE):
            fire_gather(c0, c0 % _NSTAGE)
            fire_pos(c0, c0 % _NOUT)

        def outer_body(i, carry):
            g = i * _NOUT
            for b in range(_NOUT):
                c = g + b
                sb = b % _NSTAGE
                wait_gather(sb)
                wait_pos(b)

                @plsc.parallel_loop(0, d // _LANES, unroll=2)
                def col_body(j):
                    ds = pl.ds(j * _LANES, _LANES)
                    for r in range(C):
                        s = [stage_v[sb, r * K + k, ds] for k in range(K)]
                        t = [s[0] + s[1], s[2] + s[3], s[4] + s[5], s[6] + s[7]]
                        plsc.addupdate(out_v.at[b, r, ds],
                                       (t[0] + t[1]) + (t[2] + t[3]))
                fire_write(c, b)

                nxt = c + _NSTAGE

                @pl.when(nxt < nc)
                def _():
                    fire_gather(nxt, sb)

                    @pl.when(nxt >= _NOUT)
                    def _():
                        wait_write((b + _NSTAGE) % _NOUT)

                    fire_pos(nxt, (b + _NSTAGE) % _NOUT)

            return carry

        lax.fori_loop(0, nc // _NOUT, outer_body, 0)
        for slot in range(_NOUT):
            wait_write(slot)

    return sc_kernel


@jax.jit
def kernel(codes, tables, pos_emb):
    B, K, T = codes.shape
    vocab, d = tables.shape[1], tables.shape[2]
    N = B * T
    C = 4
    tab = tables.at[:, _PAD, :].set(0.0).reshape(K * vocab, d)
    offs = (jnp.arange(K, dtype=jnp.int32) * vocab)[None, None, :]
    idx = (codes.transpose(0, 2, 1) + offs).reshape(N // C, C * K)
    sc = _make_sc_lookup(N, K, d, T, n_workers=32, C=C)
    out = sc(tab, idx, pos_emb)
    return out.reshape(B, T, d)

# --- scband reference (transcript-rebuilt; emitter-appended) ---
"""Pipeline reference for scband-rvqembedding-31215822307427 (READ-ONLY COPY).

The authoritative reference and input builder live on the scoring server;
editing this copy changes nothing except your own understanding.
"""

import jax, jax.numpy as jnp
import numpy as np

PAD = 1024

def setup_inputs(seed: int = 0) -> dict:
    key = jax.random.key(seed)
    K, vocab, d, max_pos = 8, 1025, 1024, 8192
    B, T = 8, 2048
    k1, k2, k3 = jax.random.split(key, 3)
    codes = jax.random.randint(k1, (B, K, T), 0, vocab, dtype=jnp.int32)
    tables = 0.02 * jax.random.normal(k2, (K, vocab, d), dtype=jnp.float32)
    pos_emb = 0.02 * jax.random.normal(k3, (max_pos, d), dtype=jnp.float32)
    return {"codes": codes, "tables": tables, "pos_emb": pos_emb}

def reference(codes, tables, pos_emb):
    # codes: (B, K, T) int; tables: (K, vocab, d); pos_emb: (max_pos, d)
    B, K, T = codes.shape
    d = tables.shape[-1]
    # emulate padding_idx: pad row contributes zeros
    tables_eff = tables.at[:, PAD, :].set(0.0)
    x = jnp.zeros((B, T, d), dtype=jnp.float32)
    for k in range(K):
        x = x + jnp.take(tables_eff[k], codes[:, k, :], axis=0)
    positions = jnp.arange(T)
    x = x + jnp.take(pos_emb, positions, axis=0)[None, :, :]
    return x

if __name__ == "__main__":
    import jax
    _d = setup_inputs()
    print(jax.jit(kernel)(*tuple(_d.values())))

</pallas_src>

<mosaic_0001>
#map = affine_map<(d0, d1) -> (0, 0)>
module attributes {stable_mosaic.version = 14 : i64} {
  func.func @sc_kernel(%arg0: i32, %arg1: i32, %arg2: memref<8200x1024xf32, #tpu.memory_space<hbm>>, %arg3: memref<4096x32xi32, #tpu.memory_space<hbm>>, %arg4: memref<8192x1024xf32, #tpu.memory_space<hbm>>, %arg5: memref<16384x1024xf32, #tpu.memory_space<hbm>>, %arg6: memref<128x32xi32, #tpu.memory_space<vmem>>, %arg7: memref<2x32x1024xf32, #tpu.memory_space<vmem>>, %arg8: memref<4x4x1024xf32, #tpu.memory_space<vmem>>, %arg9: memref<!tpu.dma_semaphore, #tpu.memory_space<semaphore_mem>>, %arg10: memref<!tpu.dma_semaphore, #tpu.memory_space<semaphore_mem>>, %arg11: memref<!tpu.dma_semaphore, #tpu.memory_space<semaphore_mem>>, %arg12: memref<!tpu.dma_semaphore, #tpu.memory_space<semaphore_mem>>, %arg13: memref<!tpu.dma_semaphore, #tpu.memory_space<semaphore_mem>>, %arg14: memref<!tpu.dma_semaphore, #tpu.memory_space<semaphore_mem>>, %arg15: memref<!tpu.dma_semaphore, #tpu.memory_space<semaphore_mem>>, %arg16: memref<!tpu.dma_semaphore, #tpu.memory_space<semaphore_mem>>, %arg17: memref<!tpu.dma_semaphore, #tpu.memory_space<semaphore_mem>>, %arg18: memref<!tpu.dma_semaphore, #tpu.memory_space<semaphore_mem>>) attributes {dimension_semantics = [#tpu.dimension_semantics<core_parallel>, #tpu.dimension_semantics<subcore_parallel>], iteration_bounds = array<i64: 2, 16>, scalar_prefetch = 0 : i64, scratch_operands = 13 : i64, tpu.core_type = #tpu.core_type<sc_vector_subcore>, window_params = [{transform_indices = #map}, {transform_indices = #map}, {transform_indices = #map}, {transform_indices = #map}]} {
    %mul3A = arith.constant 2 : i32
    %mul3A_0 = arith.muli %arg1, %mul3A : i32
    %add3A = arith.addi %mul3A_0, %arg0 : i32
    %mul3A_1 = arith.constant 512 : i32
    %mul3A_2 = arith.muli %add3A, %mul3A_1 : i32
    %mul3A_3 = arith.constant 128 : i32
    %mul3A_4 = arith.muli %add3A, %mul3A_3 : i32
    "tpu.region"() ({
      %run_scoped3A = tpu.sem_alloc : memref<!tpu.dma_semaphore, #tpu.memory_space<semaphore_mem>>
      %dma_start3A_125 = arith.constant 0 : i32
      %dma_start3A_126 = tpu.memref_slice %arg3[%mul3A_4, %dma_start3A_125] : memref<4096x32xi32, #tpu.memory_space<hbm>> -> memref<128x32xi32, #tpu.memory_space<hbm>>
      %dma_start3A_127 = arith.constant 0 : i32
      %dma_start3A_128 = tpu.memref_slice %arg3[%mul3A_4, %dma_start3A_127] : memref<4096x32xi32, #tpu.memory_space<hbm>> -> memref<128x32xi32, #tpu.memory_space<hbm>>
      tpu.enqueue_dma source(%dma_start3A_128 : memref<128x32xi32, #tpu.memory_space<hbm>>) target(%arg6 : memref<128x32xi32, #tpu.memory_space<vmem>>) target_semaphore(%run_scoped3A : memref<!tpu.dma_semaphore, #tpu.memory_space<semaphore_mem>>)
      %dma_wait3A_129 = arith.constant 0 : i32
      %dma_wait3A_130 = tpu.memref_slice %arg3[%mul3A_4, %dma_wait3A_129] : memref<4096x32xi32, #tpu.memory_space<hbm>> -> memref<128x32xi32, #tpu.memory_space<hbm>>
      %dma_wait3A_131 = arith.constant 0 : i32
      %dma_wait3A_132 = tpu.memref_slice %arg3[%mul3A_4, %dma_wait3A_131] : memref<4096x32xi32, #tpu.memory_space<hbm>> -> memref<128x32xi32, #tpu.memory_space<hbm>>
      tpu.wait_dma2 semaphore(%run_scoped3A : memref<!tpu.dma_semaphore, #tpu.memory_space<semaphore_mem>>) src(%dma_wait3A_132 : memref<128x32xi32, #tpu.memory_space<hbm>>) dst(%arg6 : memref<128x32xi32, #tpu.memory_space<vmem>>)
      tpu.yield
    }) : () -> ()
    %dma_start3A = arith.constant 0 : i32
    %dma_start3A_5 = arith.constant 0 : i32
    %dma_start3A_6 = arith.constant 0 : i32
    %dma_start3A_7 = arith.constant 0 : i32
    %dma_start3A_8 = tpu.memref_slice %arg7[%dma_start3A_5, %dma_start3A_6, %dma_start3A_7] : memref<2x32x1024xf32, #tpu.memory_space<vmem>> -> memref<1x32x1024xf32, #tpu.memory_space<vmem>>
    %dma_start3A_9 = tpu.memref_squeeze %dma_start3A_8 : memref<1x32x1024xf32, #tpu.memory_space<vmem>> -> memref<32x1024xf32, #tpu.memory_space<vmem>>
    %dma_start3A_10 = arith.constant 0 : i32
    %dma_start3A_11 = tpu.memref_slice %arg6[%dma_start3A, %dma_start3A_10] : memref<128x32xi32, #tpu.memory_space<vmem>> -> memref<1x32xi32, #tpu.memory_space<vmem>>
    %dma_start3A_12 = tpu.memref_squeeze %dma_start3A_11 : memref<1x32xi32, #tpu.memory_space<vmem>> -> memref<32xi32, #tpu.memory_space<vmem>>
    %dma_start3A_13 = arith.constant 0 : i32
    %dma_start3A_14 = arith.constant 0 : i32
    %dma_start3A_15 = tpu.memref_slice %arg2[%dma_start3A_13, %dma_start3A_14] : memref<8200x1024xf32, #tpu.memory_space<hbm>> -> memref<8200x1024xf32, #tpu.memory_space<hbm>>
    tpu.enqueue_indirect_dma source(%dma_start3A_15 : memref<8200x1024xf32, #tpu.memory_space<hbm>>) target(%dma_start3A_9 : memref<32x1024xf32, #tpu.memory_space<vmem>>) offsets(%dma_start3A_12 : memref<32xi32, #tpu.memory_space<vmem>>) semaphore(%arg9 : memref<!tpu.dma_semaphore, #tpu.memory_space<semaphore_mem>>)
    %add3A_16 = arith.constant 0 : i32
    %add3A_17 = arith.addi %mul3A_2, %add3A_16 : i32
    %rem3A = arith.constant 2048 : i32
    %rem3A_18 = arith.remsi %add3A_17, %rem3A : i32
    %dma_start3A_19 = arith.constant 0 : i32
    %dma_start3A_20 = arith.constant 0 : i32
    %dma_start3A_21 = arith.constant 0 : i32
    %dma_start3A_22 = tpu.memref_slice %arg8[%dma_start3A_19, %dma_start3A_20, %dma_start3A_21] : memref<4x4x1024xf32, #tpu.memory_space<vmem>> -> memref<1x4x1024xf32, #tpu.memory_space<vmem>>
    %dma_start3A_23 = tpu.memref_squeeze %dma_start3A_22 : memref<1x4x1024xf32, #tpu.memory_space<vmem>> -> memref<4x1024xf32, #tpu.memory_space<vmem>>
    %dma_start3A_24 = arith.constant 0 : i32
    %dma_start3A_25 = tpu.memref_slice %arg4[%rem3A_18, %dma_start3A_24] : memref<8192x1024xf32, #tpu.memory_space<hbm>> -> memref<4x1024xf32, #tpu.memory_space<hbm>>
    %dma_start3A_26 = arith.constant 0 : i32
    %dma_start3A_27 = arith.constant 0 : i32
    %dma_start3A_28 = tpu.memref_slice %arg8[%dma_start3A_19, %dma_start3A_26, %dma_start3A_27] : memref<4x4x1024xf32, #tpu.memory_space<vmem>> -> memref<1x4x1024xf32, #tpu.memory_space<vmem>>
    %dma_start3A_29 = tpu.memref_squeeze %dma_start3A_28 : memref<1x4x1024xf32, #tpu.memory_space<vmem>> -> memref<4x1024xf32, #tpu.memory_space<vmem>>
    %dma_start3A_30 = arith.constant 0 : i32
    %dma_start3A_31 = tpu.memref_slice %arg4[%rem3A_18, %dma_start3A_30] : memref<8192x1024xf32, #tpu.memory_space<hbm>> -> memref<4x1024xf32, #tpu.memory_space<hbm>>
    tpu.enqueue_dma source(%dma_start3A_31 : memref<4x1024xf32, #tpu.memory_space<hbm>>) target(%dma_start3A_29 : memref<4x1024xf32, #tpu.memory_space<vmem>>) target_semaphore(%arg11 : memref<!tpu.dma_semaphore, #tpu.memory_space<semaphore_mem>>)
    %dma_start3A_32 = arith.constant 1 : i32
    %dma_start3A_33 = arith.constant 1 : i32
    %dma_start3A_34 = arith.constant 0 : i32
    %dma_start3A_35 = arith.constant 0 : i32
    %dma_start3A_36 = tpu.memref_slice %arg7[%dma_start3A_33, %dma_start3A_34, %dma_start3A_35] : memref<2x32x1024xf32, #tpu.memory_space<vmem>> -> memref<1x32x1024xf32, #tpu.memory_space<vmem>>
    %dma_start3A_37 = tpu.memref_squeeze %dma_start3A_36 : memref<1x32x1024xf32, #tpu.memory_space<vmem>> -> memref<32x1024xf32, #tpu.memory_space<vmem>>
    %dma_start3A_38 = arith.constant 0 : i32
    %dma_start3A_39 = tpu.memref_slice %arg6[%dma_start3A_32, %dma_start3A_38] : memref<128x32xi32, #tpu.memory_space<vmem>> -> memref<1x32xi32, #tpu.memory_space<vmem>>
    %dma_start3A_40 = tpu.memref_squeeze %dma_start3A_39 : memref<1x32xi32, #tpu.memory_space<vmem>> -> memref<32xi32, #tpu.memory_space<vmem>>
    %dma_start3A_41 = arith.constant 0 : i32
    %dma_start3A_42 = arith.constant 0 : i32
    %dma_start3A_43 = tpu.memref_slice %arg2[%dma_start3A_41, %dma_start3A_42] : memref<8200x1024xf32, #tpu.memory_space<hbm>> -> memref<8200x1024xf32, #tpu.memory_space<hbm>>
    tpu.enqueue_indirect_dma source(%dma_start3A_43 : memref<8200x1024xf32, #tpu.memory_space<hbm>>) target(%dma_start3A_37 : memref<32x1024xf32, #tpu.memory_space<vmem>>) offsets(%dma_start3A_40 : memref<32xi32, #tpu.memory_space<vmem>>) semaphore(%arg10 : memref<!tpu.dma_semaphore, #tpu.memory_space<semaphore_mem>>)
    %add3A_44 = arith.constant 4 : i32
    %add3A_45 = arith.addi %mul3A_2, %add3A_44 : i32
    %rem3A_46 = arith.constant 2048 : i32
    %rem3A_47 = arith.remsi %add3A_45, %rem3A_46 : i32
    %dma_start3A_48 = arith.constant 1 : i32
    %dma_start3A_49 = arith.constant 0 : i32
    %dma_start3A_50 = arith.constant 0 : i32
    %dma_start3A_51 = tpu.memref_slice %arg8[%dma_start3A_48, %dma_start3A_49, %dma_start3A_50] : memref<4x4x1024xf32, #tpu.memory_space<vmem>> -> memref<1x4x1024xf32, #tpu.memory_space<vmem>>
    %dma_start3A_52 = tpu.memref_squeeze %dma_start3A_51 : memref<1x4x1024xf32, #tpu.memory_space<vmem>> -> memref<4x1024xf32, #tpu.memory_space<vmem>>
    %dma_start3A_53 = arith.constant 0 : i32
    %dma_start3A_54 = tpu.memref_slice %arg4[%rem3A_47, %dma_start3A_53] : memref<8192x1024xf32, #tpu.memory_space<hbm>> -> memref<4x1024xf32, #tpu.memory_space<hbm>>
    %dma_start3A_55 = arith.constant 0 : i32
    %dma_start3A_56 = arith.constant 0 : i32
    %dma_start3A_57 = tpu.memref_slice %arg8[%dma_start3A_48, %dma_start3A_55, %dma_start3A_56] : memref<4x4x1024xf32, #tpu.memory_space<vmem>> -> memref<1x4x1024xf32, #tpu.memory_space<vmem>>
    %dma_start3A_58 = tpu.memref_squeeze %dma_start3A_57 : memref<1x4x1024xf32, #tpu.memory_space<vmem>> -> memref<4x1024xf32, #tpu.memory_space<vmem>>
    %dma_start3A_59 = arith.constant 0 : i32
    %dma_start3A_60 = tpu.memref_slice %arg4[%rem3A_47, %dma_start3A_59] : memref<8192x1024xf32, #tpu.memory_space<hbm>> -> memref<4x1024xf32, #tpu.memory_space<hbm>>
    tpu.enqueue_dma source(%dma_start3A_60 : memref<4x1024xf32, #tpu.memory_space<hbm>>) target(%dma_start3A_58 : memref<4x1024xf32, #tpu.memory_space<vmem>>) target_semaphore(%arg12 : memref<!tpu.dma_semaphore, #tpu.memory_space<semaphore_mem>>)
    %scan3A = arith.constant 0 : i32
    %scan3A_61 = arith.constant 0 : i32
    %scan3A_62 = arith.constant 32 : i32
    %scan3A_63 = arith.addi %scan3A_61, %scan3A_62 : i32
    %scan3A_64 = arith.constant 1 : i32
    scf.for %scan3A_125 = %scan3A_61 to %scan3A_63 step %scan3A_64  : i32 {
      %mul3A_126 = arith.constant 4 : i32
      %mul3A_127 = arith.muli %scan3A_125, %mul3A_126 : i32
      %add3A_128 = arith.constant 0 : i32
      %add3A_129 = arith.addi %mul3A_127, %add3A_128 : i32
      %dma_wait3A_130 = arith.constant 0 : i32
      %dma_wait3A_131 = arith.constant 0 : i32
      %dma_wait3A_132 = arith.constant 0 : i32
      %dma_wait3A_133 = arith.constant 0 : i32
      %dma_wait3A_134 = tpu.memref_slice %arg7[%dma_wait3A_131, %dma_wait3A_132, %dma_wait3A_133] : memref<2x32x1024xf32, #tpu.memory_space<vmem>> -> memref<1x32x1024xf32, #tpu.memory_space<vmem>>
      %dma_wait3A_135 = tpu.memref_squeeze %dma_wait3A_134 : memref<1x32x1024xf32, #tpu.memory_space<vmem>> -> memref<32x1024xf32, #tpu.memory_space<vmem>>
      %dma_wait3A_136 = arith.constant 0 : i32
      %dma_wait3A_137 = tpu.memref_slice %arg6[%dma_wait3A_130, %dma_wait3A_136] : memref<128x32xi32, #tpu.memory_space<vmem>> -> memref<1x32xi32, #tpu.memory_space<vmem>>
      %dma_wait3A_138 = tpu.memref_squeeze %dma_wait3A_137 : memref<1x32xi32, #tpu.memory_space<vmem>> -> memref<32xi32, #tpu.memory_space<vmem>>
      %dma_wait3A_139 = arith.constant 0 : i32
      %dma_wait3A_140 = arith.constant 0 : i32
      %dma_wait3A_141 = tpu.memref_slice %arg2[%dma_wait3A_139, %dma_wait3A_140] : memref<8200x1024xf32, #tpu.memory_space<hbm>> -> memref<8200x1024xf32, #tpu.memory_space<hbm>>
      tpu.wait_indirect_dma semaphore(%arg9 : memref<!tpu.dma_semaphore, #tpu.memory_space<semaphore_mem>>) src(%dma_wait3A_141 : memref<8200x1024xf32, #tpu.memory_space<hbm>>) dst(%dma_wait3A_135 : memref<32x1024xf32, #tpu.memory_space<vmem>>)
      %dma_wait3A_142 = arith.constant 0 : i32
      %dma_wait3A_143 = arith.constant 0 : i32
      %dma_wait3A_144 = arith.constant 0 : i32
      %dma_wait3A_145 = tpu.memref_slice %arg8[%dma_wait3A_142, %dma_wait3A_143, %dma_wait3A_144] : memref<4x4x1024xf32, #tpu.memory_space<vmem>> -> memref<1x4x1024xf32, #tpu.memory_space<vmem>>
      %dma_wait3A_146 = tpu.memref_squeeze %dma_wait3A_145 : memref<1x4x1024xf32, #tpu.memory_space<vmem>> -> memref<4x1024xf32, #tpu.memory_space<vmem>>
      %dma_wait3A_147 = arith.constant 0 : i32
      %dma_wait3A_148 = arith.constant 0 : i32
      %dma_wait3A_149 = tpu.memref_slice %arg4[%dma_wait3A_147, %dma_wait3A_148] : memref<8192x1024xf32, #tpu.memory_space<hbm>> -> memref<4x1024xf32, #tpu.memory_space<hbm>>
      %dma_wait3A_150 = arith.constant 0 : i32
      %dma_wait3A_151 = arith.constant 0 : i32
      %dma_wait3A_152 = tpu.memref_slice %arg8[%dma_wait3A_142, %dma_wait3A_150, %dma_wait3A_151] : memref<4x4x1024xf32, #tpu.memory_space<vmem>> -> memref<1x4x1024xf32, #tpu.memory_space<vmem>>
      %dma_wait3A_153 = tpu.memref_squeeze %dma_wait3A_152 : memref<1x4x1024xf32, #tpu.memory_space<vmem>> -> memref<4x1024xf32, #tpu.memory_space<vmem>>
      %dma_wait3A_154 = arith.constant 0 : i32
      %dma_wait3A_155 = arith.constant 0 : i32
      %dma_wait3A_156 = tpu.memref_slice %arg4[%dma_wait3A_154, %dma_wait3A_155] : memref<8192x1024xf32, #tpu.memory_space<hbm>> -> memref<4x1024xf32, #tpu.memory_space<hbm>>
      tpu.wait_dma2 semaphore(%arg11 : memref<!tpu.dma_semaphore, #tpu.memory_space<semaphore_mem>>) src(%dma_wait3A_156 : memref<4x1024xf32, #tpu.memory_space<hbm>>) dst(%dma_wait3A_153 : memref<4x1024xf32, #tpu.memory_space<vmem>>)
      %parallel_loop3A = arith.constant 0 : i32
      %parallel_loop3A_157 = arith.constant 64 : i32
      %parallel_loop3A_158 = arith.constant 1 : i32
      scf.for %parallel_loop3A_344 = %parallel_loop3A to %parallel_loop3A_157 step %parallel_loop3A_158  : i32 {
        %parallel_loop3A_345 = arith.constant 16 : i32
        %parallel_loop3A_346 = arith.muli %parallel_loop3A_344, %parallel_loop3A_345 : i32
        %parallel_loop3A_347 = arith.constant 0 : i32
        %parallel_loop3A_348 = arith.constant 0 : i32
        %parallel_loop3A_349 = arith.index_cast %parallel_loop3A_347 : i32 to index
        %parallel_loop3A_350 = arith.index_cast %parallel_loop3A_348 : i32 to index
        %parallel_loop3A_351 = arith.index_cast %parallel_loop3A_346 : i32 to index
        %parallel_loop3A_352 = tpu.vector_load %arg7[%parallel_loop3A_349, %parallel_loop3A_350, %parallel_loop3A_351] {strides = array<i32>} : memref<2x32x1024xf32, #tpu.memory_space<vmem>>, vector<1x1x16xf32>,
        %parallel_loop3A_353 = vector.shape_cast %parallel_loop3A_352 : vector<1x1x16xf32> to vector<16xf32>
        %parallel_loop3A_354 = arith.constant 0 : i32
        %parallel_loop3A_355 = arith.constant 1 : i32
        %parallel_loop3A_356 = arith.index_cast %parallel_loop3A_354 : i32 to index
        %parallel_loop3A_357 = arith.index_cast %parallel_loop3A_355 : i32 to index
        %parallel_loop3A_358 = arith.index_cast %parallel_loop3A_346 : i32 to index
        %parallel_loop3A_359 = tpu.vector_load %arg7[%parallel_loop3A_356, %parallel_loop3A_357, %parallel_loop3A_358] {strides = array<i32>} : memref<2x32x1024xf32, #tpu.memory_space<vmem>>, vector<1x1x16xf32>,
        %parallel_loop3A_360 = vector.shape_cast %parallel_loop3A_359 : vector<1x1x16xf32> to vector<16xf32>
        %parallel_loop3A_361 = arith.constant 0 : i32
        %parallel_loop3A_362 = arith.constant 2 : i32
        %parallel_loop3A_363 = arith.index_cast %parallel_loop3A_361 : i32 to index
        %parallel_loop3A_364 = arith.index_cast %parallel_loop3A_362 : i32 to index
        %parallel_loop3A_365 = arith.index_cast %parallel_loop3A_346 : i32 to index
        %parallel_loop3A_366 = tpu.vector_load %arg7[%parallel_loop3A_363, %parallel_loop3A_364, %parallel_loop3A_365] {strides = array<i32>} : memref<2x32x1024xf32, #tpu.memory_space<vmem>>, vector<1x1x16xf32>,
        %parallel_loop3A_367 = vector.shape_cast %parallel_loop3A_366 : vector<1x1x16xf32> to vector<16xf32>
        %parallel_loop3A_368 = arith.constant 0 : i32
        %parallel_loop3A_369 = arith.constant 3 : i32
        %parallel_loop3A_370 = arith.index_cast %parallel_loop3A_368 : i32 to index
        %parallel_loop3A_371 = arith.index_cast %parallel_loop3A_369 : i32 to index
        %parallel_loop3A_372 = arith.index_cast %parallel_loop3A_346 : i32 to index
        %parallel_loop3A_373 = tpu.vector_load %arg7[%parallel_loop3A_370, %parallel_loop3A_371, %parallel_loop3A_372] {strides = array<i32>} : memref<2x32x1024xf32, #tpu.memory_space<vmem>>, vector<1x1x16xf32>,
        %parallel_loop3A_374 = vector.shape_cast %parallel_loop3A_373 : vector<1x1x16xf32> to vector<16xf32>
        %parallel_loop3A_375 = arith.constant 0 : i32
        %parallel_loop3A_376 = arith.constant 4 : i32
        %parallel_loop3A_377 = arith.index_cast %parallel_loop3A_375 : i32 to index
        %parallel_loop3A_378 = arith.index_cast %parallel_loop3A_376 : i32 to index
        %parallel_loop3A_379 = arith.index_cast %parallel_loop3A_346 : i32 to index
        %parallel_loop3A_380 = tpu.vector_load %arg7[%parallel_loop3A_377, %parallel_loop3A_378, %parallel_loop3A_379] {strides = array<i32>} : memref<2x32x1024xf32, #tpu.memory_space<vmem>>, vector<1x1x16xf32>,
        %parallel_loop3A_381 = vector.shape_cast %parallel_loop3A_380 : vector<1x1x16xf32> to vector<16xf32>
        %parallel_loop3A_382 = arith.constant 0 : i32
        %parallel_loop3A_383 = arith.constant 5 : i32
        %parallel_loop3A_384 = arith.index_cast %parallel_loop3A_382 : i32 to index
        %parallel_loop3A_385 = arith.index_cast %parallel_loop3A_383 : i32 to index
        %parallel_loop3A_386 = arith.index_cast %parallel_loop3A_346 : i32 to index
        %parallel_loop3A_387 = tpu.vector_load %arg7[%parallel_loop3A_384, %parallel_loop3A_385, %parallel_loop3A_386] {strides = array<i32>} : memref<2x32x1024xf32, #tpu.memory_space<vmem>>, vector<1x1x16xf32>,
        %parallel_loop3A_388 = vector.shape_cast %parallel_loop3A_387 : vector<1x1x16xf32> to vector<16xf32>
        %parallel_loop3A_389 = arith.constant 0 : i32
        %parallel_loop3A_390 = arith.constant 6 : i32
        %parallel_loop3A_391 = arith.index_cast %parallel_loop3A_389 : i32 to index
        %parallel_loop3A_392 = arith.index_cast %parallel_loop3A_390 : i32 to index
        %parallel_loop3A_393 = arith.index_cast %parallel_loop3A_346 : i32 to index
        %parallel_loop3A_394 = tpu.vector_load %arg7[%parallel_loop3A_391, %parallel_loop3A_392, %parallel_loop3A_393] {strides = array<i32>} : memref<2x32x1024xf32, #tpu.memory_space<vmem>>, vector<1x1x16xf32>,
        %parallel_loop3A_395 = vector.shape_cast %parallel_loop3A_394 : vector<1x1x16xf32> to vector<16xf32>
        %parallel_loop3A_396 = arith.constant 0 : i32
        %parallel_loop3A_397 = arith.constant 7 : i32
        %parallel_loop3A_398 = arith.index_cast %parallel_loop3A_396 : i32 to index
        %parallel_loop3A_399 = arith.index_cast %parallel_loop3A_397 : i32 to index
        %parallel_loop3A_400 = arith.index_cast %parallel_loop3A_346 : i32 to index
        %parallel_loop3A_401 = tpu.vector_load %arg7[%parallel_loop3A_398, %parallel_loop3A_399, %parallel_loop3A_400] {strides = array<i32>} : memref<2x32x1024xf32, #tpu.memory_space<vmem>>, vector<1x1x16xf32>,
        %parallel_loop3A_402 = vector.shape_cast %parallel_loop3A_401 : vector<1x1x16xf32> to vector<16xf32>
        %parallel_loop3A_403 = arith.addf %parallel_loop3A_353, %parallel_loop3A_360 : vector<16xf32>
        %parallel_loop3A_404 = arith.addf %parallel_loop3A_367, %parallel_loop3A_374 : vector<16xf32>
        %parallel_loop3A_405 = arith.addf %parallel_loop3A_381, %parallel_loop3A_388 : vector<16xf32>
        %parallel_loop3A_406 = arith.addf %parallel_loop3A_395, %parallel_loop3A_402 : vector<16xf32>
        %parallel_loop3A_407 = arith.addf %parallel_loop3A_403, %parallel_loop3A_404 : vector<16xf32>
        %parallel_loop3A_408 = arith.addf %parallel_loop3A_405, %parallel_loop3A_406 : vector<16xf32>
        %parallel_loop3A_409 = arith.addf %parallel_loop3A_407, %parallel_loop3A_408 : vector<16xf32>
        %parallel_loop3A_410 = arith.constant 0 : i32
        %parallel_loop3A_411 = arith.constant 0 : i32
        %parallel_loop3A_412 = arith.index_cast %parallel_loop3A_410 : i32 to index
        %parallel_loop3A_413 = arith.index_cast %parallel_loop3A_411 : i32 to index
        %parallel_loop3A_414 = arith.index_cast %parallel_loop3A_346 : i32 to index
        %parallel_loop3A_415 = tpu.vector_load %arg8[%parallel_loop3A_412, %parallel_loop3A_413, %parallel_loop3A_414] {strides = array<i32>} : memref<4x4x1024xf32, #tpu.memory_space<vmem>>, vector<1x1x16xf32>,
        %parallel_loop3A_416 = vector.shape_cast %parallel_loop3A_415 : vector<1x1x16xf32> to vector<16xf32>
        %parallel_loop3A_417 = vector.shape_cast %parallel_loop3A_409 : vector<16xf32> to vector<1x1x16xf32>
        tpu.vector_store %arg8[%parallel_loop3A_412, %parallel_loop3A_413, %parallel_loop3A_414], %parallel_loop3A_417 {add = true, strides = array<i32>} : memref<4x4x1024xf32, #tpu.memory_space<vmem>>, vector<1x1x16xf32>,
        %parallel_loop3A_418 = arith.constant 0 : i32
        %parallel_loop3A_419 = arith.constant 8 : i32
        %parallel_loop3A_420 = arith.index_cast %parallel_loop3A_418 : i32 to index
        %parallel_loop3A_421 = arith.index_cast %parallel_loop3A_419 : i32 to index
        %parallel_loop3A_422 = arith.index_cast %parallel_loop3A_346 : i32 to index
        %parallel_loop3A_423 = tpu.vector_load %arg7[%parallel_loop3A_420, %parallel_loop3A_421, %parallel_loop3A_422] {strides = array<i32>} : memref<2x32x1024xf32, #tpu.memory_space<vmem>>, vector<1x1x16xf32>,
        %parallel_loop3A_424 = vector.shape_cast %parallel_loop3A_423 : vector<1x1x16xf32> to vector<16xf32>
        %parallel_loop3A_425 = arith.constant 0 : i32
        %parallel_loop3A_426 = arith.constant 9 : i32
        %parallel_loop3A_427 = arith.index_cast %parallel_loop3A_425 : i32 to index
        %parallel_loop3A_428 = arith.index_cast %parallel_loop3A_426 : i32 to index
        %parallel_loop3A_429 = arith.index_cast %parallel_loop3A_346 : i32 to index
        %parallel_loop3A_430 = tpu.vector_load %arg7[%parallel_loop3A_427, %parallel_loop3A_428, %parallel_loop3A_429] {strides = array<i32>} : memref<2x32x1024xf32, #tpu.memory_space<vmem>>, vector<1x1x16xf32>,
        %parallel_loop3A_431 = vector.shape_cast %parallel_loop3A_430 : vector<1x1x16xf32> to vector<16xf32>
        %parallel_loop3A_432 = arith.constant 0 : i32
        %parallel_loop3A_433 = arith.constant 10 : i32
        %parallel_loop3A_434 = arith.index_cast %parallel_loop3A_432 : i32 to index
        %parallel_loop3A_435 = arith.index_cast %parallel_loop3A_433 : i32 to index
        %parallel_loop3A_436 = arith.index_cast %parallel_loop3A_346 : i32 to index
        %parallel_loop3A_437 = tpu.vector_load %arg7[%parallel_loop3A_434, %parallel_loop3A_435, %parallel_loop3A_436] {strides = array<i32>} : memref<2x32x1024xf32, #tpu.memory_space<vmem>>, vector<1x1x16xf32>,
        %parallel_loop3A_438 = vector.shape_cast %parallel_loop3A_437 : vector<1x1x16xf32> to vector<16xf32>
        %parallel_loop3A_439 = arith.constant 0 : i32
        %parallel_loop3A_440 = arith.constant 11 : i32
        %parallel_loop3A_441 = arith.index_cast %parallel_loop3A_439 : i32 to index
        %parallel_loop3A_442 = arith.index_cast %parallel_loop3A_440 : i32 to index
        %parallel_loop3A_443 = arith.index_cast %parallel_loop3A_346 : i32 to index
        %parallel_loop3A_444 = tpu.vector_load %arg7[%parallel_loop3A_441, %parallel_loop3A_442, %parallel_loop3A_443] {strides = array<i32>} : memref<2x32x1024xf32, #tpu.memory_space<vmem>>, vector<1x1x16xf32>,
        %parallel_loop3A_445 = vector.shape_cast %parallel_loop3A_444 : vector<1x1x16xf32> to vector<16xf32>
        %parallel_loop3A_446 = arith.constant 0 : i32
        %parallel_loop3A_447 = arith.constant 12 : i32
        %parallel_loop3A_448 = arith.index_cast %parallel_loop3A_446 : i32 to index
        %parallel_loop3A_449 = arith.index_cast %parallel_loop3A_447 : i32 to index
        %parallel_loop3A_450 = arith.index_cast %parallel_loop3A_346 : i32 to index
        %parallel_loop3A_451 = tpu.vector_load %arg7[%parallel_loop3A_448, %parallel_loop3A_449, %parallel_loop3A_450] {strides = array<i32>} : memref<2x32x1024xf32, #tpu.memory_space<vmem>>, vector<1x1x16xf32>,
        %parallel_loop3A_452 = vector.shape_cast %parallel_loop3A_451 : vector<1x1x16xf32> to vector<16xf32>
        %parallel_loop3A_453 = arith.constant 0 : i32
        %parallel_loop3A_454 = arith.constant 13 : i32
        %parallel_loop3A_455 = arith.index_cast %parallel_loop3A_453 : i32 to index
        %parallel_loop3A_456 = arith.index_cast %parallel_loop3A_454 : i32 to index
        %parallel_loop3A_457 = arith.index_cast %parallel_loop3A_346 : i32 to index
        %parallel_loop3A_458 = tpu.vector_load %arg7[%parallel_loop3A_455, %parallel_loop3A_456, %parallel_loop3A_457] {strides = array<i32>} : memref<2x32x1024xf32, #tpu.memory_space<vmem>>, vector<1x1x16xf32>,
        %parallel_loop3A_459 = vector.shape_cast %parallel_loop3A_458 : vector<1x1x16xf32> to vector<16xf32>
        %parallel_loop3A_460 = arith.constant 0 : i32
        %parallel_loop3A_461 = arith.constant 14 : i32
        %parallel_loop3A_462 = arith.index_cast %parallel_loop3A_460 : i32 to index
        %parallel_loop3A_463 = arith.index_cast %parallel_loop3A_461 : i32 to index
        %parallel_loop3A_464 = arith.index_cast %parallel_loop3A_346 : i32 to index
        %parallel_loop3A_465 = tpu.vector_load %arg7[%parallel_loop3A_462, %parallel_loop3A_463, %parallel_loop3A_464] {strides = array<i32>} : memref<2x32x1024xf32, #tpu.memory_space<vmem>>, vector<1x1x16xf32>,
        %parallel_loop3A_466 = vector.shape_cast %parallel_loop3A_465 : vector<1x1x16xf32> to vector<16xf32>
        %parallel_loop3A_467 = arith.constant 0 : i32
        %parallel_loop3A_468 = arith.constant 15 : i32
        %parallel_loop3A_469 = arith.index_cast %parallel_loop3A_467 : i32 to index
        %parallel_loop3A_470 = arith.index_cast %parallel_loop3A_468 : i32 to index
        %parallel_loop3A_471 = arith.index_cast %parallel_loop3A_346 : i32 to index
        %parallel_loop3A_472 = tpu.vector_load %arg7[%parallel_loop3A_469, %parallel_loop3A_470, %parallel_loop3A_471] {strides = array<i32>} : memref<2x32x1024xf32, #tpu.memory_space<vmem>>, vector<1x1x16xf32>,
        %parallel_loop3A_473 = vector.shape_cast %parallel_loop3A_472 : vector<1x1x16xf32> to vector<16xf32>
        %parallel_loop3A_474 = arith.addf %parallel_loop3A_424, %parallel_loop3A_431 : vector<16xf32>
        %parallel_loop3A_475 = arith.addf %parallel_loop3A_438, %parallel_loop3A_445 : vector<16xf32>
        %parallel_loop3A_476 = arith.addf %parallel_loop3A_452, %parallel_loop3A_459 : vector<16xf32>
        %parallel_loop3A_477 = arith.addf %parallel_loop3A_466, %parallel_loop3A_473 : vector<16xf32>
        %parallel_loop3A_478 = arith.addf %parallel_loop3A_474, %parallel_loop3A_475 : vector<16xf32>
        %parallel_loop3A_479 = arith.addf %parallel_loop3A_476, %parallel_loop3A_477 : vector<16xf32>
        %parallel_loop3A_480 = arith.addf %parallel_loop3A_478, %parallel_loop3A_479 : vector<16xf32>
        %parallel_loop3A_481 = arith.constant 0 : i32
        %parallel_loop3A_482 = arith.constant 1 : i32
        %parallel_loop3A_483 = arith.index_cast %parallel_loop3A_481 : i32 to index
        %parallel_loop3A_484 = arith.index_cast %parallel_loop3A_482 : i32 to index
        %parallel_loop3A_485 = arith.index_cast %parallel_loop3A_346 : i32 to index
        %parallel_loop3A_486 = tpu.vector_load %arg8[%parallel_loop3A_483, %parallel_loop3A_484, %parallel_loop3A_485] {strides = array<i32>} : memref<4x4x1024xf32, #tpu.memory_space<vmem>>, vector<1x1x16xf32>,
        %parallel_loop3A_487 = vector.shape_cast %parallel_loop3A_486 : vector<1x1x16xf32> to vector<16xf32>
        %parallel_loop3A_488 = vector.shape_cast %parallel_loop3A_480 : vector<16xf32> to vector<1x1x16xf32>
        tpu.vector_store %arg8[%parallel_loop3A_483, %parallel_loop3A_484, %parallel_loop3A_485], %parallel_loop3A_488 {add = true, strides = array<i32>} : memref<4x4x1024xf32, #tpu.memory_space<vmem>>, vector<1x1x16xf32>,
        %parallel_loop3A_489 = arith.constant 0 : i32
        %parallel_loop3A_490 = arith.constant 16 : i32
        %parallel_loop3A_491 = arith.index_cast %parallel_loop3A_489 : i32 to index
        %parallel_loop3A_492 = arith.index_cast %parallel_loop3A_490 : i32 to index
        %parallel_loop3A_493 = arith.index_cast %parallel_loop3A_346 : i32 to index
        %parallel_loop3A_494 = tpu.vector_load %arg7[%parallel_loop3A_491, %parallel_loop3A_492, %parallel_loop3A_493] {strides = array<i32>} : memref<2x32x1024xf32, #tpu.memory_space<vmem>>, vector<1x1x16xf32>,
        %parallel_loop3A_495 = vector.shape_cast %parallel_loop3A_494 : vector<1x1x16xf32> to vector<16xf32>
        %parallel_loop3A_496 = arith.constant 0 : i32
        %parallel_loop3A_497 = arith.constant 17 : i32
        %parallel_loop3A_498 = arith.index_cast %parallel_loop3A_496 : i32 to index
        %parallel_loop3A_499 = arith.index_cast %parallel_loop3A_497 : i32 to index
        %parallel_loop3A_500 = arith.index_cast %parallel_loop3A_346 : i32 to index
        %parallel_loop3A_501 = tpu.vector_load %arg7[%parallel_loop3A_498, %parallel_loop3A_499, %parallel_loop3A_500] {strides = array<i32>} : memref<2x32x1024xf32, #tpu.memory_space<vmem>>, vector<1x1x16xf32>,
        %parallel_loop3A_502 = vector.shape_cast %parallel_loop3A_501 : vector<1x1x16xf32> to vector<16xf32>
        %parallel_loop3A_503 = arith.constant 0 : i32
        %parallel_loop3A_504 = arith.constant 18 : i32
        %parallel_loop3A_505 = arith.index_cast %parallel_loop3A_503 : i32 to index
        %parallel_loop3A_506 = arith.index_cast %parallel_loop3A_504 : i32 to index
        %parallel_loop3A_507 = arith.index_cast %parallel_loop3A_346 : i32 to index
        %parallel_loop3A_508 = tpu.vector_load %arg7[%parallel_loop3A_505, %parallel_loop3A_506, %parallel_loop3A_507] {strides = array<i32>} : memref<2x32x1024xf32, #tpu.memory_space<vmem>>, vector<1x1x16xf32>,
        %parallel_loop3A_509 = vector.shape_cast %parallel_loop3A_508 : vector<1x1x16xf32> to vector<16xf32>
        %parallel_loop3A_510 = arith.constant 0 : i32
        %parallel_loop3A_511 = arith.constant 19 : i32
        %parallel_loop3A_512 = arith.index_cast %parallel_loop3A_510 : i32 to index
        %parallel_loop3A_513 = arith.index_cast %parallel_loop3A_511 : i32 to index
        %parallel_loop3A_514 = arith.index_cast %parallel_loop3A_346 : i32 to index
        %parallel_loop3A_515 = tpu.vector_load %arg7[%parallel_loop3A_512, %parallel_loop3A_513, %parallel_loop3A_514] {strides = array<i32>} : memref<2x32x1024xf32, #tpu.memory_space<vmem>>, vector<1x1x16xf32>,
        %parallel_loop3A_516 = vector.shape_cast %parallel_loop3A_515 : vector<1x1x16xf32> to vector<16xf32>
        %parallel_loop3A_517 = arith.constant 0 : i32
        %parallel_loop3A_518 = arith.constant 20 : i32
        %parallel_loop3A_519 = arith.index_cast %parallel_loop3A_517 : i32 to index
        %parallel_loop3A_520 = arith.index_cast %parallel_loop3A_518 : i32 to index
        %parallel_loop3A_521 = arith.index_cast %parallel_loop3A_346 : i32 to index
        %parallel_loop3A_522 = tpu.vector_load %arg7[%parallel_loop3A_519, %parallel_loop3A_520, %parallel_loop3A_521] {strides = array<i32>} : memref<2x32x1024xf32, #tpu.memory_space<vmem>>, vector<1x1x16xf32>,
        %parallel_loop3A_523 = vector.shape_cast %parallel_loop3A_522 : vector<1x1x16xf32> to vector<16xf32>
        %parallel_loop3A_524 = arith.constant 0 : i32
        %parallel_loop3A_525 = arith.constant 21 : i32
        %parallel_loop3A_526 = arith.index_cast %parallel_loop3A_524 : i32 to index
        %parallel_loop3A_527 = arith.index_cast %parallel_loop3A_525 : i32 to index
        %parallel_loop3A_528 = arith.index_cast %parallel_loop3A_346 : i32 to index
        %parallel_loop3A_529 = tpu.vector_load %arg7[%parallel_loop3A_526, %parallel_loop3A_527, %parallel_loop3A_528] {strides = array<i32>} : memref<2x32x1024xf32, #tpu.memory_space<vmem>>, vector<1x1x16xf32>,
        %parallel_loop3A_530 = vector.shape_cast %parallel_loop3A_529 : vector<1x1x16xf32> to vector<16xf32>
        %parallel_loop3A_531 = arith.constant 0 : i32
        %parallel_loop3A_532 = arith.constant 22 : i32
        %parallel_loop3A_533 = arith.index_cast %parallel_loop3A_531 : i32 to index
        %parallel_loop3A_534 = arith.index_cast %parallel_loop3A_532 : i32 to index
        %parallel_loop3A_535 = arith.index_cast %parallel_loop3A_346 : i32 to index
        %parallel_loop3A_536 = tpu.vector_load %arg7[%parallel_loop3A_533, %parallel_loop3A_534, %parallel_loop3A_535] {strides = array<i32>} : memref<2x32x1024xf32, #tpu.memory_space<vmem>>, vector<1x1x16xf32>,
        %parallel_loop3A_537 = vector.shape_cast %parallel_loop3A_536 : vector<1x1x16xf32> to vector<16xf32>
        %parallel_loop3A_538 = arith.constant 0 : i32
        %parallel_loop3A_539 = arith.constant 23 : i32
        %parallel_loop3A_540 = arith.index_cast %parallel_loop3A_538 : i32 to index
        %parallel_loop3A_541 = arith.index_cast %parallel_loop3A_539 : i32 to index
        %parallel_loop3A_542 = arith.index_cast %parallel_loop3A_346 : i32 to index
        %parallel_loop3A_543 = tpu.vector_load %arg7[%parallel_loop3A_540, %parallel_loop3A_541, %parallel_loop3A_542] {strides = array<i32>} : memref<2x32x1024xf32, #tpu.memory_space<vmem>>, vector<1x1x16xf32>,
        %parallel_loop3A_544 = vector.shape_cast %parallel_loop3A_543 : vector<1x1x16xf32> to vector<16xf32>
        %parallel_loop3A_545 = arith.addf %parallel_loop3A_495, %parallel_loop3A_502 : vector<16xf32>
        %parallel_loop3A_546 = arith.addf %parallel_loop3A_509, %parallel_loop3A_516 : vector<16xf32>
        %parallel_loop3A_547 = arith.addf %parallel_loop3A_523, %parallel_loop3A_530 : vector<16xf32>
        %parallel_loop3A_548 = arith.addf %parallel_loop3A_537, %parallel_loop3A_544 : vector<16xf32>
        %parallel_loop3A_549 = arith.addf %parallel_loop3A_545, %parallel_loop3A_546 : vector<16xf32>
        %parallel_loop3A_550 = arith.addf %parallel_loop3A_547, %parallel_loop3A_548 : vector<16xf32>
        %parallel_loop3A_551 = arith.addf %parallel_loop3A_549, %parallel_loop3A_550 : vector<16xf32>
        %parallel_loop3A_552 = arith.constant 0 : i32
        %parallel_loop3A_553 = arith.constant 2 : i32
        %parallel_loop3A_554 = arith.index_cast %parallel_loop3A_552 : i32 to index
        %parallel_loop3A_555 = arith.index_cast %parallel_loop3A_553 : i32 to index
        %parallel_loop3A_556 = arith.index_cast %parallel_loop3A_346 : i32 to index
        %parallel_loop3A_557 = tpu.vector_load %arg8[%parallel_loop3A_554, %parallel_loop3A_555, %parallel_loop3A_556] {strides = array<i32>} : memref<4x4x1024xf32, #tpu.memory_space<vmem>>, vector<1x1x16xf32>,
        %parallel_loop3A_558 = vector.shape_cast %parallel_loop3A_557 : vector<1x1x16xf32> to vector<16xf32>
        %parallel_loop3A_559 = vector.shape_cast %parallel_loop3A_551 : vector<16xf32> to vector<1x1x16xf32>
        tpu.vector_store %arg8[%parallel_loop3A_554, %parallel_loop3A_555, %parallel_loop3A_556], %parallel_loop3A_559 {add = true, strides = array<i32>} : memref<4x4x1024xf32, #tpu.memory_space<vmem>>, vector<1x1x16xf32>,
        %parallel_loop3A_560 = arith.constant 0 : i32
        %parallel_loop3A_561 = arith.constant 24 : i32
        %parallel_loop3A_562 = arith.index_cast %parallel_loop3A_560 : i32 to index
        %parallel_loop3A_563 = arith.index_cast %parallel_loop3A_561 : i32 to index
        %parallel_loop3A_564 = arith.index_cast %parallel_loop3A_346 : i32 to index
        %parallel_loop3A_565 = tpu.vector_load %arg7[%parallel_loop3A_562, %parallel_loop3A_563, %parallel_loop3A_564] {strides = array<i32>} : memref<2x32x1024xf32, #tpu.memory_space<vmem>>, vector<1x1x16xf32>,
        %parallel_loop3A_566 = vector.shape_cast %parallel_loop3A_565 : vector<1x1x16xf32> to vector<16xf32>
        %parallel_loop3A_567 = arith.constant 0 : i32
        %parallel_loop3A_568 = arith.constant 25 : i32
        %parallel_loop3A_569 = arith.index_cast %parallel_loop3A_567 : i32 to index
        %parallel_loop3A_570 = arith.index_cast %parallel_loop3A_568 : i32 to index
        %parallel_loop3A_571 = arith.index_cast %parallel_loop3A_346 : i32 to index
        %parallel_loop3A_572 = tpu.vector_load %arg7[%parallel_loop3A_569, %parallel_loop3A_570, %parallel_loop3A_571] {strides = array<i32>} : memref<2x32x1024xf32, #tpu.memory_space<vmem>>, vector<1x1x16xf32>,
        %parallel_loop3A_573 = vector.shape_cast %parallel_loop3A_572 : vector<1x1x16xf32> to vector<16xf32>
        %parallel_loop3A_574 = arith.constant 0 : i32
        %parallel_loop3A_575 = arith.constant 26 : i32
        %parallel_loop3A_576 = arith.index_cast %parallel_loop3A_574 : i32 to index
        %parallel_loop3A_577 = arith.index_cast %parallel_loop3A_575 : i32 to index
        %parallel_loop3A_578 = arith.index_cast %parallel_loop3A_346 : i32 to index
        %parallel_loop3A_579 = tpu.vector_load %arg7[%parallel_loop3A_576, %parallel_loop3A_577, %parallel_loop3A_578] {strides = array<i32>} : memref<2x32x1024xf32, #tpu.memory_space<vmem>>, vector<1x1x16xf32>,
        %parallel_loop3A_580 = vector.shape_cast %parallel_loop3A_579 : vector<1x1x16xf32> to vector<16xf32>
        %parallel_loop3A_581 = arith.constant 0 : i32
        %parallel_loop3A_582 = arith.constant 27 : i32
        %parallel_loop3A_583 = arith.index_cast %parallel_loop3A_581 : i32 to index
        %parallel_loop3A_584 = arith.index_cast %parallel_loop3A_582 : i32 to index
        %parallel_loop3A_585 = arith.index_cast %parallel_loop3A_346 : i32 to index
        %parallel_loop3A_586 = tpu.vector_load %arg7[%parallel_loop3A_583, %parallel_loop3A_584, %parallel_loop3A_585] {strides = array<i32>} : memref<2x32x1024xf32, #tpu.memory_space<vmem>>, vector<1x1x16xf32>,
        %parallel_loop3A_587 = vector.shape_cast %parallel_loop3A_586 : vector<1x1x16xf32> to vector<16xf32>
        %parallel_loop3A_588 = arith.constant 0 : i32
        %parallel_loop3A_589 = arith.constant 28 : i32
        %parallel_loop3A_590 = arith.index_cast %parallel_loop3A_588 : i32 to index
        %parallel_loop3A_591 = arith.index_cast %parallel_loop3A_589 : i32 to index
        %parallel_loop3A_592 = arith.index_cast %parallel_loop3A_346 : i32 to index
        %parallel_loop3A_593 = tpu.vector_load %arg7[%parallel_loop3A_590, %parallel_loop3A_591, %parallel_loop3A_592] {strides = array<i32>} : memref<2x32x1024xf32, #tpu.memory_space<vmem>>, vector<1x1x16xf32>,
        %parallel_loop3A_594 = vector.shape_cast %parallel_loop3A_593 : vector<1x1x16xf32> to vector<16xf32>
        %parallel_loop3A_595 = arith.constant 0 : i32
        %parallel_loop3A_596 = arith.constant 29 : i32
        %parallel_loop3A_597 = arith.index_cast %parallel_loop3A_595 : i32 to index
        %parallel_loop3A_598 = arith.index_cast %parallel_loop3A_596 : i32 to index
        %parallel_loop3A_599 = arith.index_cast %parallel_loop3A_346 : i32 to index
        %parallel_loop3A_600 = tpu.vector_load %arg7[%parallel_loop3A_597, %parallel_loop3A_598, %parallel_loop3A_599] {strides = array<i32>} : memref<2x32x1024xf32, #tpu.memory_space<vmem>>, vector<1x1x16xf32>,
        %parallel_loop3A_601 = vector.shape_cast %parallel_loop3A_600 : vector<1x1x16xf32> to vector<16xf32>
        %parallel_loop3A_602 = arith.constant 0 : i32
        %parallel_loop3A_603 = arith.constant 30 : i32
        %parallel_loop3A_604 = arith.index_cast %parallel_loop3A_602 : i32 to index
        %parallel_loop3A_605 = arith.index_cast %parallel_loop3A_603 : i32 to index
        %parallel_loop3A_606 = arith.index_cast %parallel_loop3A_346 : i32 to index
        %parallel_loop3A_607 = tpu.vector_load %arg7[%parallel_loop3A_604, %parallel_loop3A_605, %parallel_loop3A_606] {strides = array<i32>} : memref<2x32x1024xf32, #tpu.memory_space<vmem>>, vector<1x1x16xf32>,
        %parallel_loop3A_608 = vector.shape_cast %parallel_loop3A_607 : vector<1x1x16xf32> to vector<16xf32>
        %parallel_loop3A_609 = arith.constant 0 : i32
        %parallel_loop3A_610 = arith.constant 31 : i32
        %parallel_loop3A_611 = arith.index_cast %parallel_loop3A_609 : i32 to index
        %parallel_loop3A_612 = arith.index_cast %parallel_loop3A_610 : i32 to index
        %parallel_loop3A_613 = arith.index_cast %parallel_loop3A_346 : i32 to index
        %parallel_loop3A_614 = tpu.vector_load %arg7[%parallel_loop3A_611, %parallel_loop3A_612, %parallel_loop3A_613] {strides = array<i32>} : memref<2x32x1024xf32, #tpu.memory_space<vmem>>, vector<1x1x16xf32>,
        %parallel_loop3A_615 = vector.shape_cast %parallel_loop3A_614 : vector<1x1x16xf32> to vector<16xf32>
        %parallel_loop3A_616 = arith.addf %parallel_loop3A_566, %parallel_loop3A_573 : vector<16xf32>
        %parallel_loop3A_617 = arith.addf %parallel_loop3A_580, %parallel_loop3A_587 : vector<16xf32>
        %parallel_loop3A_618 = arith.addf %parallel_loop3A_594, %parallel_loop3A_601 : vector<16xf32>
        %parallel_loop3A_619 = arith.addf %parallel_loop3A_608, %parallel_loop3A_615 : vector<16xf32>
        %parallel_loop3A_620 = arith.addf %parallel_loop3A_616, %parallel_loop3A_617 : vector<16xf32>
        %parallel_loop3A_621 = arith.addf %parallel_loop3A_618, %parallel_loop3A_619 : vector<16xf32>
        %parallel_loop3A_622 = arith.addf %parallel_loop3A_620, %parallel_loop3A_621 : vector<16xf32>
        %parallel_loop3A_623 = arith.constant 0 : i32
        %parallel_loop3A_624 = arith.constant 3 : i32
        %parallel_loop3A_625 = arith.index_cast %parallel_loop3A_623 : i32 to index
        %parallel_loop3A_626 = arith.index_cast %parallel_loop3A_624 : i32 to index
        %parallel_loop3A_627 = arith.index_cast %parallel_loop3A_346 : i32 to index
        %parallel_loop3A_628 = tpu.vector_load %arg8[%parallel_loop3A_625, %parallel_loop3A_626, %parallel_loop3A_627] {strides = array<i32>} : memref<4x4x1024xf32, #tpu.memory_space<vmem>>, vector<1x1x16xf32>,
        %parallel_loop3A_629 = vector.shape_cast %parallel_loop3A_628 : vector<1x1x16xf32> to vector<16xf32>
        %parallel_loop3A_630 = vector.shape_cast %parallel_loop3A_622 : vector<16xf32> to vector<1x1x16xf32>
        tpu.vector_store %arg8[%parallel_loop3A_625, %parallel_loop3A_626, %parallel_loop3A_627], %parallel_loop3A_630 {add = true, strides = array<i32>} : memref<4x4x1024xf32, #tpu.memory_space<vmem>>, vector<1x1x16xf32>,
      } {sc.loop_unroll_factor = 2 : i64, sc.parallel_access}
      %mul3A_159 = arith.constant 4 : i32
      %mul3A_160 = arith.muli %add3A_129, %mul3A_159 : i32
      %add3A_161 = arith.addi %mul3A_2, %mul3A_160 : i32
      %dma_start3A_162 = arith.constant 0 : i32
      %dma_start3A_163 = arith.constant 0 : i32
      %dma_start3A_164 = arith.constant 0 : i32
      %dma_start3A_165 = tpu.memref_slice %arg8[%dma_start3A_162, %dma_start3A_163, %dma_start3A_164] : memref<4x4x1024xf32, #tpu.memory_space<vmem>> -> memref<1x4x1024xf32, #tpu.memory_space<vmem>>
      %dma_start3A_166 = tpu.memref_squeeze %dma_start3A_165 : memref<1x4x1024xf32, #tpu.memory_space<vmem>> -> memref<4x1024xf32, #tpu.memory_space<vmem>>
      %dma_start3A_167 = arith.constant 0 : i32
      %dma_start3A_168 = tpu.memref_slice %arg5[%add3A_161, %dma_start3A_167] : memref<16384x1024xf32, #tpu.memory_space<hbm>> -> memref<4x1024xf32, #tpu.memory_space<hbm>>
      %dma_start3A_169 = arith.constant 0 : i32
      %dma_start3A_170 = tpu.memref_slice %arg5[%add3A_161, %dma_start3A_169] : memref<16384x1024xf32, #tpu.memory_space<hbm>> -> memref<4x1024xf32, #tpu.memory_space<hbm>>
      %dma_start3A_171 = arith.constant 0 : i32
      %dma_start3A_172 = arith.constant 0 : i32
      %dma_start3A_173 = tpu.memref_slice %arg8[%dma_start3A_162, %dma_start3A_171, %dma_start3A_172] : memref<4x4x1024xf32, #tpu.memory_space<vmem>> -> memref<1x4x1024xf32, #tpu.memory_space<vmem>>
      %dma_start3A_174 = tpu.memref_squeeze %dma_start3A_173 : memref<1x4x1024xf32, #tpu.memory_space<vmem>> -> memref<4x1024xf32, #tpu.memory_space<vmem>>
      tpu.enqueue_dma source(%dma_start3A_174 : memref<4x1024xf32, #tpu.memory_space<vmem>>) target(%dma_start3A_170 : memref<4x1024xf32, #tpu.memory_space<hbm>>) target_semaphore(%arg15 : memref<!tpu.dma_semaphore, #tpu.memory_space<semaphore_mem>>)
      %add3A_175 = arith.constant 2 : i32
      %add3A_176 = arith.addi %add3A_129, %add3A_175 : i32
      %lt3A = arith.constant 128 : i32
      %lt3A_177 = arith.cmpi slt, %add3A_176, %lt3A : i32
      %convert_element_type3A = arith.extui %lt3A_177 : i1 to i32
      %cond3A = arith.constant 0 : i32
      %cond3A_178 = arith.cmpi ne, %convert_element_type3A, %cond3A : i32
      scf.if %cond3A_178 {
        %dma_start3A_344 = arith.constant 0 : i32
        %dma_start3A_345 = arith.constant 0 : i32
        %dma_start3A_346 = arith.constant 0 : i32
        %dma_start3A_347 = tpu.memref_slice %arg7[%dma_start3A_344, %dma_start3A_345, %dma_start3A_346] : memref<2x32x1024xf32, #tpu.memory_space<vmem>> -> memref<1x32x1024xf32, #tpu.memory_space<vmem>>
        %dma_start3A_348 = tpu.memref_squeeze %dma_start3A_347 : memref<1x32x1024xf32, #tpu.memory_space<vmem>> -> memref<32x1024xf32, #tpu.memory_space<vmem>>
        %dma_start3A_349 = arith.constant 0 : i32
        %dma_start3A_350 = tpu.memref_slice %arg6[%add3A_176, %dma_start3A_349] : memref<128x32xi32, #tpu.memory_space<vmem>> -> memref<1x32xi32, #tpu.memory_space<vmem>>
        %dma_start3A_351 = tpu.memref_squeeze %dma_start3A_350 : memref<1x32xi32, #tpu.memory_space<vmem>> -> memref<32xi32, #tpu.memory_space<vmem>>
        %dma_start3A_352 = arith.constant 0 : i32
        %dma_start3A_353 = arith.constant 0 : i32
        %dma_start3A_354 = tpu.memref_slice %arg2[%dma_start3A_352, %dma_start3A_353] : memref<8200x1024xf32, #tpu.memory_space<hbm>> -> memref<8200x1024xf32, #tpu.memory_space<hbm>>
        tpu.enqueue_indirect_dma source(%dma_start3A_354 : memref<8200x1024xf32, #tpu.memory_space<hbm>>) target(%dma_start3A_348 : memref<32x1024xf32, #tpu.memory_space<vmem>>) offsets(%dma_start3A_351 : memref<32xi32, #tpu.memory_space<vmem>>) semaphore(%arg9 : memref<!tpu.dma_semaphore, #tpu.memory_space<semaphore_mem>>)
        %ge3A = arith.constant 4 : i32
        %ge3A_355 = arith.cmpi sge, %add3A_176, %ge3A : i32
        %convert_element_type3A_356 = arith.extui %ge3A_355 : i1 to i32
        %cond3A_357 = arith.constant 0 : i32
        %cond3A_358 = arith.cmpi ne, %convert_element_type3A_356, %cond3A_357 : i32
        scf.if %cond3A_358 {
          %dma_wait3A_377 = arith.constant 2 : i32
          %dma_wait3A_378 = arith.constant 0 : i32
          %dma_wait3A_379 = arith.constant 0 : i32
          %dma_wait3A_380 = tpu.memref_slice %arg8[%dma_wait3A_377, %dma_wait3A_378, %dma_wait3A_379] : memref<4x4x1024xf32, #tpu.memory_space<vmem>> -> memref<1x4x1024xf32, #tpu.memory_space<vmem>>
          %dma_wait3A_381 = tpu.memref_squeeze %dma_wait3A_380 : memref<1x4x1024xf32, #tpu.memory_space<vmem>> -> memref<4x1024xf32, #tpu.memory_space<vmem>>
          %dma_wait3A_382 = arith.constant 0 : i32
          %dma_wait3A_383 = arith.constant 0 : i32
          %dma_wait3A_384 = tpu.memref_slice %arg5[%dma_wait3A_382, %dma_wait3A_383] : memref<16384x1024xf32, #tpu.memory_space<hbm>> -> memref<4x1024xf32, #tpu.memory_space<hbm>>
          %dma_wait3A_385 = arith.constant 0 : i32
          %dma_wait3A_386 = arith.constant 0 : i32
          %dma_wait3A_387 = tpu.memref_slice %arg5[%dma_wait3A_385, %dma_wait3A_386] : memref<16384x1024xf32, #tpu.memory_space<hbm>> -> memref<4x1024xf32, #tpu.memory_space<hbm>>
          %dma_wait3A_388 = arith.constant 0 : i32
          %dma_wait3A_389 = arith.constant 0 : i32
          %dma_wait3A_390 = tpu.memref_slice %arg8[%dma_wait3A_377, %dma_wait3A_388, %dma_wait3A_389] : memref<4x4x1024xf32, #tpu.memory_space<vmem>> -> memref<1x4x1024xf32, #tpu.memory_space<vmem>>
          %dma_wait3A_391 = tpu.memref_squeeze %dma_wait3A_390 : memref<1x4x1024xf32, #tpu.memory_space<vmem>> -> memref<4x1024xf32, #tpu.memory_space<vmem>>
          tpu.wait_dma2 semaphore(%arg17 : memref<!tpu.dma_semaphore, #tpu.memory_space<semaphore_mem>>) src(%dma_wait3A_391 : memref<4x1024xf32, #tpu.memory_space<vmem>>) dst(%dma_wait3A_387 : memref<4x1024xf32, #tpu.memory_space<hbm>>)
        } else {
        }
        %mul3A_359 = arith.constant 4 : i32
        %mul3A_360 = arith.muli %add3A_176, %mul3A_359 : i32
        %add3A_361 = arith.addi %mul3A_2, %mul3A_360 : i32
        %rem3A_362 = arith.constant 2048 : i32
        %rem3A_363 = arith.remsi %add3A_361, %rem3A_362 : i32
        %dma_start3A_364 = arith.constant 2 : i32
        %dma_start3A_365 = arith.constant 0 : i32
        %dma_start3A_366 = arith.constant 0 : i32
        %dma_start3A_367 = tpu.memref_slice %arg8[%dma_start3A_364, %dma_start3A_365, %dma_start3A_366] : memref<4x4x1024xf32, #tpu.memory_space<vmem>> -> memref<1x4x1024xf32, #tpu.memory_space<vmem>>
        %dma_start3A_368 = tpu.memref_squeeze %dma_start3A_367 : memref<1x4x1024xf32, #tpu.memory_space<vmem>> -> memref<4x1024xf32, #tpu.memory_space<vmem>>
        %dma_start3A_369 = arith.constant 0 : i32
        %dma_start3A_370 = tpu.memref_slice %arg4[%rem3A_363, %dma_start3A_369] : memref<8192x1024xf32, #tpu.memory_space<hbm>> -> memref<4x1024xf32, #tpu.memory_space<hbm>>
        %dma_start3A_371 = arith.constant 0 : i32
        %dma_start3A_372 = arith.constant 0 : i32
        %dma_start3A_373 = tpu.memref_slice %arg8[%dma_start3A_364, %dma_start3A_371, %dma_start3A_372] : memref<4x4x1024xf32, #tpu.memory_space<vmem>> -> memref<1x4x1024xf32, #tpu.memory_space<vmem>>
        %dma_start3A_374 = tpu.memref_squeeze %dma_start3A_373 : memref<1x4x1024xf32, #tpu.memory_space<vmem>> -> memref<4x1024xf32, #tpu.memory_space<vmem>>
        %dma_start3A_375 = arith.constant 0 : i32
        %dma_start3A_376 = tpu.memref_slice %arg4[%rem3A_363, %dma_start3A_375] : memref<8192x1024xf32, #tpu.memory_space<hbm>> -> memref<4x1024xf32, #tpu.memory_space<hbm>>
        tpu.enqueue_dma source(%dma_start3A_376 : memref<4x1024xf32, #tpu.memory_space<hbm>>) target(%dma_start3A_374 : memref<4x1024xf32, #tpu.memory_space<vmem>>) target_semaphore(%arg13 : memref<!tpu.dma_semaphore, #tpu.memory_space<semaphore_mem>>)
      } else {
      }
      %add3A_179 = arith.constant 1 : i32
      %add3A_180 = arith.addi %mul3A_127, %add3A_179 : i32
      %dma_wait3A_181 = arith.constant 0 : i32
      %dma_wait3A_182 = arith.constant 1 : i32
      %dma_wait3A_183 = arith.constant 0 : i32
      %dma_wait3A_184 = arith.constant 0 : i32
      %dma_wait3A_185 = tpu.memref_slice %arg7[%dma_wait3A_182, %dma_wait3A_183, %dma_wait3A_184] : memref<2x32x1024xf32, #tpu.memory_space<vmem>> -> memref<1x32x1024xf32, #tpu.memory_space<vmem>>
      %dma_wait3A_186 = tpu.memref_squeeze %dma_wait3A_185 : memref<1x32x1024xf32, #tpu.memory_space<vmem>> -> memref<32x1024xf32, #tpu.memory_space<vmem>>
      %dma_wait3A_187 = arith.constant 0 : i32
      %dma_wait3A_188 = tpu.memref_slice %arg6[%dma_wait3A_181, %dma_wait3A_187] : memref<128x32xi32, #tpu.memory_space<vmem>> -> memref<1x32xi32, #tpu.memory_space<vmem>>
      %dma_wait3A_189 = tpu.memref_squeeze %dma_wait3A_188 : memref<1x32xi32, #tpu.memory_space<vmem>> -> memref<32xi32, #tpu.memory_space<vmem>>
      %dma_wait3A_190 = arith.constant 0 : i32
      %dma_wait3A_191 = arith.constant 0 : i32
      %dma_wait3A_192 = tpu.memref_slice %arg2[%dma_wait3A_190, %dma_wait3A_191] : memref<8200x1024xf32, #tpu.memory_space<hbm>> -> memref<8200x1024xf32, #tpu.memory_space<hbm>>
      tpu.wait_indirect_dma semaphore(%arg10 : memref<!tpu.dma_semaphore, #tpu.memory_space<semaphore_mem>>) src(%dma_wait3A_192 : memref<8200x1024xf32, #tpu.memory_space<hbm>>) dst(%dma_wait3A_186 : memref<32x1024xf32, #tpu.memory_space<vmem>>)
      %dma_wait3A_193 = arith.constant 1 : i32
      %dma_wait3A_194 = arith.constant 0 : i32
      %dma_wait3A_195 = arith.constant 0 : i32
      %dma_wait3A_196 = tpu.memref_slice %arg8[%dma_wait3A_193, %dma_wait3A_194, %dma_wait3A_195] : memref<4x4x1024xf32, #tpu.memory_space<vmem>> -> memref<1x4x1024xf32, #tpu.memory_space<vmem>>
      %dma_wait3A_197 = tpu.memref_squeeze %dma_wait3A_196 : memref<1x4x1024xf32, #tpu.memory_space<vmem>> -> memref<4x1024xf32, #tpu.memory_space<vmem>>
      %dma_wait3A_198 = arith.constant 0 : i32
      %dma_wait3A_199 = arith.constant 0 : i32
      %dma_wait3A_200 = tpu.memref_slice %arg4[%dma_wait3A_198, %dma_wait3A_199] : memref<8192x1024xf32, #tpu.memory_space<hbm>> -> memref<4x1024xf32, #tpu.memory_space<hbm>>
      %dma_wait3A_201 = arith.constant 0 : i32
      %dma_wait3A_202 = arith.constant 0 : i32
      %dma_wait3A_203 = tpu.memref_slice %arg8[%dma_wait3A_193, %dma_wait3A_201, %dma_wait3A_202] : memref<4x4x1024xf32, #tpu.memory_space<vmem>> -> memref<1x4x1024xf32, #tpu.memory_space<vmem>>
      %dma_wait3A_204 = tpu.memref_squeeze %dma_wait3A_203 : memref<1x4x1024xf32, #tpu.memory_space<vmem>> -> memref<4x1024xf32, #tpu.memory_space<vmem>>
      %dma_wait3A_205 = arith.constant 0 : i32
      %dma_wait3A_206 = arith.constant 0 : i32
      %dma_wait3A_207 = tpu.memref_slice %arg4[%dma_wait3A_205, %dma_wait3A_206] : memref<8192x1024xf32, #tpu.memory_space<hbm>> -> memref<4x1024xf32, #tpu.memory_space<hbm>>
      tpu.wait_dma2 semaphore(%arg12 : memref<!tpu.dma_semaphore, #tpu.memory_space<semaphore_mem>>) src(%dma_wait3A_207 : memref<4x1024xf32, #tpu.memory_space<hbm>>) dst(%dma_wait3A_204 : memref<4x1024xf32, #tpu.memory_space<vmem>>)
      %parallel_loop3A_208 = arith.constant 0 : i32
      %parallel_loop3A_209 = arith.constant 64 : i32
      %parallel_loop3A_210 = arith.constant 1 : i32
      scf.for %parallel_loop3A_344 = %parallel_loop3A_208 to %parallel_loop3A_209 step %parallel_loop3A_210  : i32 {
        %parallel_loop3A_345 = arith.constant 16 : i32
        %parallel_loop3A_346 = arith.muli %parallel_loop3A_344, %parallel_loop3A_345 : i32
        %parallel_loop3A_347 = arith.constant 1 : i32
        %parallel_loop3A_348 = arith.constant 0 : i32
        %parallel_loop3A_349 = arith.index_cast %parallel_loop3A_347 : i32 to index
        %parallel_loop3A_350 = arith.index_cast %parallel_loop3A_348 : i32 to index
        %parallel_loop3A_351 = arith.index_cast %parallel_loop3A_346 : i32 to index
        %parallel_loop3A_352 = tpu.vector_load %arg7[%parallel_loop3A_349, %parallel_loop3A_350, %parallel_loop3A_351] {strides = array<i32>} : memref<2x32x1024xf32, #tpu.memory_space<vmem>>, vector<1x1x16xf32>,
        %parallel_loop3A_353 = vector.shape_cast %parallel_loop3A_352 : vector<1x1x16xf32> to vector<16xf32>
        %parallel_loop3A_354 = arith.constant 1 : i32
        %parallel_loop3A_355 = arith.constant 1 : i32
        %parallel_loop3A_356 = arith.index_cast %parallel_loop3A_354 : i32 to index
        %parallel_loop3A_357 = arith.index_cast %parallel_loop3A_355 : i32 to index
        %parallel_loop3A_358 = arith.index_cast %parallel_loop3A_346 : i32 to index
        %parallel_loop3A_359 = tpu.vector_load %arg7[%parallel_loop3A_356, %parallel_loop3A_357, %parallel_loop3A_358] {strides = array<i32>} : memref<2x32x1024xf32, #tpu.memory_space<vmem>>, vector<1x1x16xf32>,
        %parallel_loop3A_360 = vector.shape_cast %parallel_loop3A_359 : vector<1x1x16xf32> to vector<16xf32>
        %parallel_loop3A_361 = arith.constant 1 : i32
        %parallel_loop3A_362 = arith.constant 2 : i32
        %parallel_loop3A_363 = arith.index_cast %parallel_loop3A_361 : i32 to index
        %parallel_loop3A_364 = arith.index_cast %parallel_loop3A_362 : i32 to index
        %parallel_loop3A_365 = arith.index_cast %parallel_loop3A_346 : i32 to index
        %parallel_loop3A_366 = tpu.vector_load %arg7[%parallel_loop3A_363, %parallel_loop3A_364, %parallel_loop3A_365] {strides = array<i32>} : memref<2x32x1024xf32, #tpu.memory_space<vmem>>, vector<1x1x16xf32>,
        %parallel_loop3A_367 = vector.shape_cast %parallel_loop3A_366 : vector<1x1x16xf32> to vector<16xf32>
        %parallel_loop3A_368 = arith.constant 1 : i32
        %parallel_loop3A_369 = arith.constant 3 : i32
        %parallel_loop3A_370 = arith.index_cast %parallel_loop3A_368 : i32 to index
        %parallel_loop3A_371 = arith.index_cast %parallel_loop3A_369 : i32 to index
        %parallel_loop3A_372 = arith.index_cast %parallel_loop3A_346 : i32 to index
        %parallel_loop3A_373 = tpu.vector_load %arg7[%parallel_loop3A_370, %parallel_loop3A_371, %parallel_loop3A_372] {strides = array<i32>} : memref<2x32x1024xf32, #tpu.memory_space<vmem>>, vector<1x1x16xf32>,
        %parallel_loop3A_374 = vector.shape_cast %parallel_loop3A_373 : vector<1x1x16xf32> to vector<16xf32>
        %parallel_loop3A_375 = arith.constant 1 : i32
        %parallel_loop3A_376 = arith.constant 4 : i32
        %parallel_loop3A_377 = arith.index_cast %parallel_loop3A_375 : i32 to index
        %parallel_loop3A_378 = arith.index_cast %parallel_loop3A_376 : i32 to index
        %parallel_loop3A_379 = arith.index_cast %parallel_loop3A_346 : i32 to index
        %parallel_loop3A_380 = tpu.vector_load %arg7[%parallel_loop3A_377, %parallel_loop3A_378, %parallel_loop3A_379] {strides = array<i32>} : memref<2x32x1024xf32, #tpu.memory_space<vmem>>, vector<1x1x16xf32>,
        %parallel_loop3A_381 = vector.shape_cast %parallel_loop3A_380 : vector<1x1x16xf32> to vector<16xf32>
        %parallel_loop3A_382 = arith.constant 1 : i32
        %parallel_loop3A_383 = arith.constant 5 : i32
        %parallel_loop3A_384 = arith.index_cast %parallel_loop3A_382 : i32 to index
        %parallel_loop3A_385 = arith.index_cast %parallel_loop3A_383 : i32 to index
        %parallel_loop3A_386 = arith.index_cast %parallel_loop3A_346 : i32 to index
        %parallel_loop3A_387 = tpu.vector_load %arg7[%parallel_loop3A_384, %parallel_loop3A_385, %parallel_loop3A_386] {strides = array<i32>} : memref<2x32x1024xf32, #tpu.memory_space<vmem>>, vector<1x1x16xf32>,
        %parallel_loop3A_388 = vector.shape_cast %parallel_loop3A_387 : vector<1x1x16xf32> to vector<16xf32>
        %parallel_loop3A_389 = arith.constant 1 : i32
        %parallel_loop3A_390 = arith.constant 6 : i32
        %parallel_loop3A_391 = arith.index_cast %parallel_loop3A_389 : i32 to index
        %parallel_loop3A_392 = arith.index_cast %parallel_loop3A_390 : i32 to index
        %parallel_loop3A_393 = arith.index_cast %parallel_loop3A_346 : i32 to index
        %parallel_loop3A_394 = tpu.vector_load %arg7[%parallel_loop3A_391, %parallel_loop3A_392, %parallel_loop3A_393] {strides = array<i32>} : memref<2x32x1024xf32, #tpu.memory_space<vmem>>, vector<1x1x16xf32>,
        %parallel_loop3A_395 = vector.shape_cast %parallel_loop3A_394 : vector<1x1x16xf32> to vector<16xf32>
        %parallel_loop3A_396 = arith.constant 1 : i32
        %parallel_loop3A_397 = arith.constant 7 : i32
        %parallel_loop3A_398 = arith.index_cast %parallel_loop3A_396 : i32 to index
        %parallel_loop3A_399 = arith.index_cast %parallel_loop3A_397 : i32 to index
        %parallel_loop3A_400 = arith.index_cast %parallel_loop3A_346 : i32 to index
        %parallel_loop3A_401 = tpu.vector_load %arg7[%parallel_loop3A_398, %parallel_loop3A_399, %parallel_loop3A_400] {strides = array<i32>} : memref<2x32x1024xf32, #tpu.memory_space<vmem>>, vector<1x1x16xf32>,
        %parallel_loop3A_402 = vector.shape_cast %parallel_loop3A_401 : vector<1x1x16xf32> to vector<16xf32>
        %parallel_loop3A_403 = arith.addf %parallel_loop3A_353, %parallel_loop3A_360 : vector<16xf32>
        %parallel_loop3A_404 = arith.addf %parallel_loop3A_367, %parallel_loop3A_374 : vector<16xf32>
        %parallel_loop3A_405 = arith.addf %parallel_loop3A_381, %parallel_loop3A_388 : vector<16xf32>
        %parallel_loop3A_406 = arith.addf %parallel_loop3A_395, %parallel_loop3A_402 : vector<16xf32>
        %parallel_loop3A_407 = arith.addf %parallel_loop3A_403, %parallel_loop3A_404 : vector<16xf32>
        %parallel_loop3A_408 = arith.addf %parallel_loop3A_405, %parallel_loop3A_406 : vector<16xf32>
        %parallel_loop3A_409 = arith.addf %parallel_loop3A_407, %parallel_loop3A_408 : vector<16xf32>
        %parallel_loop3A_410 = arith.constant 1 : i32
        %parallel_loop3A_411 = arith.constant 0 : i32
        %parallel_loop3A_412 = arith.index_cast %parallel_loop3A_410 : i32 to index
        %parallel_loop3A_413 = arith.index_cast %parallel_loop3A_411 : i32 to index
        %parallel_loop3A_414 = arith.index_cast %parallel_loop3A_346 : i32 to index
        %parallel_loop3A_415 = tpu.vector_load %arg8[%parallel_loop3A_412, %parallel_loop3A_413, %parallel_loop3A_414] {strides = array<i32>} : memref<4x4x1024xf32, #tpu.memory_space<vmem>>, vector<1x1x16xf32>,
        %parallel_loop3A_416 = vector.shape_cast %parallel_loop3A_415 : vector<1x1x16xf32> to vector<16xf32>
        %parallel_loop3A_417 = vector.shape_cast %parallel_loop3A_409 : vector<16xf32> to vector<1x1x16xf32>
        tpu.vector_store %arg8[%parallel_loop3A_412, %parallel_loop3A_413, %parallel_loop3A_414], %parallel_loop3A_417 {add = true, strides = array<i32>} : memref<4x4x1024xf32, #tpu.memory_space<vmem>>, vector<1x1x16xf32>,
        %parallel_loop3A_418 = arith.constant 1 : i32
        %parallel_loop3A_419 = arith.constant 8 : i32
        %parallel_loop3A_420 = arith.index_cast %parallel_loop3A_418 : i32 to index
        %parallel_loop3A_421 = arith.index_cast %parallel_loop3A_419 : i32 to index
        %parallel_loop3A_422 = arith.index_cast %parallel_loop3A_346 : i32 to index
        %parallel_loop3A_423 = tpu.vector_load %arg7[%parallel_loop3A_420, %parallel_loop3A_421, %parallel_loop3A_422] {strides = array<i32>} : memref<2x32x1024xf32, #tpu.memory_space<vmem>>, vector<1x1x16xf32>,
        %parallel_loop3A_424 = vector.shape_cast %parallel_loop3A_423 : vector<1x1x16xf32> to vector<16xf32>
        %parallel_loop3A_425 = arith.constant 1 : i32
        %parallel_loop3A_426 = arith.constant 9 : i32
        %parallel_loop3A_427 = arith.index_cast %parallel_loop3A_425 : i32 to index
        %parallel_loop3A_428 = arith.index_cast %parallel_loop3A_426 : i32 to index
        %parallel_loop3A_429 = arith.index_cast %parallel_loop3A_346 : i32 to index
        %parallel_loop3A_430 = tpu.vector_load %arg7[%parallel_loop3A_427, %parallel_loop3A_428, %parallel_loop3A_429] {strides = array<i32>} : memref<2x32x1024xf32, #tpu.memory_space<vmem>>, vector<1x1x16xf32>,
        %parallel_loop3A_431 = vector.shape_cast %parallel_loop3A_430 : vector<1x1x16xf32> to vector<16xf32>
        %parallel_loop3A_432 = arith.constant 1 : i32
        %parallel_loop3A_433 = arith.constant 10 : i32
        %parallel_loop3A_434 = arith.index_cast %parallel_loop3A_432 : i32 to index
        %parallel_loop3A_435 = arith.index_cast %parallel_loop3A_433 : i32 to index
        %parallel_loop3A_436 = arith.index_cast %parallel_loop3A_346 : i32 to index
        %parallel_loop3A_437 = tpu.vector_load %arg7[%parallel_loop3A_434, %parallel_loop3A_435, %parallel_loop3A_436] {strides = array<i32>} : memref<2x32x1024xf32, #tpu.memory_space<vmem>>, vector<1x1x16xf32>,
        %parallel_loop3A_438 = vector.shape_cast %parallel_loop3A_437 : vector<1x1x16xf32> to vector<16xf32>
        %parallel_loop3A_439 = arith.constant 1 : i32
        %parallel_loop3A_440 = arith.constant 11 : i32
        %parallel_loop3A_441 = arith.index_cast %parallel_loop3A_439 : i32 to index
        %parallel_loop3A_442 = arith.index_cast %parallel_loop3A_440 : i32 to index
        %parallel_loop3A_443 = arith.index_cast %parallel_loop3A_346 : i32 to index
        %parallel_loop3A_444 = tpu.vector_load %arg7[%parallel_loop3A_441, %parallel_loop3A_442, %parallel_loop3A_443] {strides = array<i32>} : memref<2x32x1024xf32, #tpu.memory_space<vmem>>, vector<1x1x16xf32>,
        %parallel_loop3A_445 = vector.shape_cast %parallel_loop3A_444 : vector<1x1x16xf32> to vector<16xf32>
        %parallel_loop3A_446 = arith.constant 1 : i32
        %parallel_loop3A_447 = arith.constant 12 : i32
        %parallel_loop3A_448 = arith.index_cast %parallel_loop3A_446 : i32 to index
        %parallel_loop3A_449 = arith.index_cast %parallel_loop3A_447 : i32 to index
        %parallel_loop3A_450 = arith.index_cast %parallel_loop3A_346 : i32 to index
        %parallel_loop3A_451 = tpu.vector_load %arg7[%parallel_loop3A_448, %parallel_loop3A_449, %parallel_loop3A_450] {strides = array<i32>} : memref<2x32x1024xf32, #tpu.memory_space<vmem>>, vector<1x1x16xf32>,
        %parallel_loop3A_452 = vector.shape_cast %parallel_loop3A_451 : vector<1x1x16xf32> to vector<16xf32>
        %parallel_loop3A_453 = arith.constant 1 : i32
        %parallel_loop3A_454 = arith.constant 13 : i32
        %parallel_loop3A_455 = arith.index_cast %parallel_loop3A_453 : i32 to index
        %parallel_loop3A_456 = arith.index_cast %parallel_loop3A_454 : i32 to index
        %parallel_loop3A_457 = arith.index_cast %parallel_loop3A_346 : i32 to index
        %parallel_loop3A_458 = tpu.vector_load %arg7[%parallel_loop3A_455, %parallel_loop3A_456, %parallel_loop3A_457] {strides = array<i32>} : memref<2x32x1024xf32, #tpu.memory_space<vmem>>, vector<1x1x16xf32>,
        %parallel_loop3A_459 = vector.shape_cast %parallel_loop3A_458 : vector<1x1x16xf32> to vector<16xf32>
        %parallel_loop3A_460 = arith.constant 1 : i32
        %parallel_loop3A_461 = arith.constant 14 : i32
        %parallel_loop3A_462 = arith.index_cast %parallel_loop3A_460 : i32 to index
        %parallel_loop3A_463 = arith.index_cast %parallel_loop3A_461 : i32 to index
        %parallel_loop3A_464 = arith.index_cast %parallel_loop3A_346 : i32 to index
        %parallel_loop3A_465 = tpu.vector_load %arg7[%parallel_loop3A_462, %parallel_loop3A_463, %parallel_loop3A_464] {strides = array<i32>} : memref<2x32x1024xf32, #tpu.memory_space<vmem>>, vector<1x1x16xf32>,
        %parallel_loop3A_466 = vector.shape_cast %parallel_loop3A_465 : vector<1x1x16xf32> to vector<16xf32>
        %parallel_loop3A_467 = arith.constant 1 : i32
        %parallel_loop3A_468 = arith.constant 15 : i32
        %parallel_loop3A_469 = arith.index_cast %parallel_loop3A_467 : i32 to index
        %parallel_loop3A_470 = arith.index_cast %parallel_loop3A_468 : i32 to index
        %parallel_loop3A_471 = arith.index_cast %parallel_loop3A_346 : i32 to index
        %parallel_loop3A_472 = tpu.vector_load %arg7[%parallel_loop3A_469, %parallel_loop3A_470, %parallel_loop3A_471] {strides = array<i32>} : memref<2x32x1024xf32, #tpu.memory_space<vmem>>, vector<1x1x16xf32>,
        %parallel_loop3A_473 = vector.shape_cast %parallel_loop3A_472 : vector<1x1x16xf32> to vector<16xf32>
        %parallel_loop3A_474 = arith.addf %parallel_loop3A_424, %parallel_loop3A_431 : vector<16xf32>
        %parallel_loop3A_475 = arith.addf %parallel_loop3A_438, %parallel_loop3A_445 : vector<16xf32>
        %parallel_loop3A_476 = arith.addf %parallel_loop3A_452, %parallel_loop3A_459 : vector<16xf32>
        %parallel_loop3A_477 = arith.addf %parallel_loop3A_466, %parallel_loop3A_473 : vector<16xf32>
        %parallel_loop3A_478 = arith.addf %parallel_loop3A_474, %parallel_loop3A_475 : vector<16xf32>
        %parallel_loop3A_479 = arith.addf %parallel_loop3A_476, %parallel_loop3A_477 : vector<16xf32>
        %parallel_loop3A_480 = arith.addf %parallel_loop3A_478, %parallel_loop3A_479 : vector<16xf32>
        %parallel_loop3A_481 = arith.constant 1 : i32
        %parallel_loop3A_482 = arith.constant 1 : i32
        %parallel_loop3A_483 = arith.index_cast %parallel_loop3A_481 : i32 to index
        %parallel_loop3A_484 = arith.index_cast %parallel_loop3A_482 : i32 to index
        %parallel_loop3A_485 = arith.index_cast %parallel_loop3A_346 : i32 to index
        %parallel_loop3A_486 = tpu.vector_load %arg8[%parallel_loop3A_483, %parallel_loop3A_484, %parallel_loop3A_485] {strides = array<i32>} : memref<4x4x1024xf32, #tpu.memory_space<vmem>>, vector<1x1x16xf32>,
        %parallel_loop3A_487 = vector.shape_cast %parallel_loop3A_486 : vector<1x1x16xf32> to vector<16xf32>
        %parallel_loop3A_488 = vector.shape_cast %parallel_loop3A_480 : vector<16xf32> to vector<1x1x16xf32>
        tpu.vector_store %arg8[%parallel_loop3A_483, %parallel_loop3A_484, %parallel_loop3A_485], %parallel_loop3A_488 {add = true, strides = array<i32>} : memref<4x4x1024xf32, #tpu.memory_space<vmem>>, vector<1x1x16xf32>,
        %parallel_loop3A_489 = arith.constant 1 : i32
        %parallel_loop3A_490 = arith.constant 16 : i32
        %parallel_loop3A_491 = arith.index_cast %parallel_loop3A_489 : i32 to index
        %parallel_loop3A_492 = arith.index_cast %parallel_loop3A_490 : i32 to index
        %parallel_loop3A_493 = arith.index_cast %parallel_loop3A_346 : i32 to index
        %parallel_loop3A_494 = tpu.vector_load %arg7[%parallel_loop3A_491, %parallel_loop3A_492, %parallel_loop3A_493] {strides = array<i32>} : memref<2x32x1024xf32, #tpu.memory_space<vmem>>, vector<1x1x16xf32>,
        %parallel_loop3A_495 = vector.shape_cast %parallel_loop3A_494 : vector<1x1x16xf32> to vector<16xf32>
        %parallel_loop3A_496 = arith.constant 1 : i32
        %parallel_loop3A_497 = arith.constant 17 : i32
        %parallel_loop3A_498 = arith.index_cast %parallel_loop3A_496 : i32 to index
        %parallel_loop3A_499 = arith.index_cast %parallel_loop3A_497 : i32 to index
        %parallel_loop3A_500 = arith.index_cast %parallel_loop3A_346 : i32 to index
        %parallel_loop3A_501 = tpu.vector_load %arg7[%parallel_loop3A_498, %parallel_loop3A_499, %parallel_loop3A_500] {strides = array<i32>} : memref<2x32x1024xf32, #tpu.memory_space<vmem>>, vector<1x1x16xf32>,
        %parallel_loop3A_502 = vector.shape_cast %parallel_loop3A_501 : vector<1x1x16xf32> to vector<16xf32>
        %parallel_loop3A_503 = arith.constant 1 : i32
        %parallel_loop3A_504 = arith.constant 18 : i32
        %parallel_loop3A_505 = arith.index_cast %parallel_loop3A_503 : i32 to index
        %parallel_loop3A_506 = arith.index_cast %parallel_loop3A_504 : i32 to index
        %parallel_loop3A_507 = arith.index_cast %parallel_loop3A_346 : i32 to index
        %parallel_loop3A_508 = tpu.vector_load %arg7[%parallel_loop3A_505, %parallel_loop3A_506, %parallel_loop3A_507] {strides = array<i32>} : memref<2x32x1024xf32, #tpu.memory_space<vmem>>, vector<1x1x16xf32>,
        %parallel_loop3A_509 = vector.shape_cast %parallel_loop3A_508 : vector<1x1x16xf32> to vector<16xf32>
        %parallel_loop3A_510 = arith.constant 1 : i32
        %parallel_loop3A_511 = arith.constant 19 : i32
        %parallel_loop3A_512 = arith.index_cast %parallel_loop3A_510 : i32 to index
        %parallel_loop3A_513 = arith.index_cast %parallel_loop3A_511 : i32 to index
        %parallel_loop3A_514 = arith.index_cast %parallel_loop3A_346 : i32 to index
        %parallel_loop3A_515 = tpu.vector_load %arg7[%parallel_loop3A_512, %parallel_loop3A_513, %parallel_loop3A_514] {strides = array<i32>} : memref<2x32x1024xf32, #tpu.memory_space<vmem>>, vector<1x1x16xf32>,
        %parallel_loop3A_516 = vector.shape_cast %parallel_loop3A_515 : vector<1x1x16xf32> to vector<16xf32>
        %parallel_loop3A_517 = arith.constant 1 : i32
        %parallel_loop3A_518 = arith.constant 20 : i32
        %parallel_loop3A_519 = arith.index_cast %parallel_loop3A_517 : i32 to index
        %parallel_loop3A_520 = arith.index_cast %parallel_loop3A_518 : i32 to index
        %parallel_loop3A_521 = arith.index_cast %parallel_loop3A_346 : i32 to index
        %parallel_loop3A_522 = tpu.vector_load %arg7[%parallel_loop3A_519, %parallel_loop3A_520, %parallel_loop3A_521] {strides = array<i32>} : memref<2x32x1024xf32, #tpu.memory_space<vmem>>, vector<1x1x16xf32>,
        %parallel_loop3A_523 = vector.shape_cast %parallel_loop3A_522 : vector<1x1x16xf32> to vector<16xf32>
        %parallel_loop3A_524 = arith.constant 1 : i32
        %parallel_loop3A_525 = arith.constant 21 : i32
        %parallel_loop3A_526 = arith.index_cast %parallel_loop3A_524 : i32 to index
        %parallel_loop3A_527 = arith.index_cast %parallel_loop3A_525 : i32 to index
        %parallel_loop3A_528 = arith.index_cast %parallel_loop3A_346 : i32 to index
        %parallel_loop3A_529 = tpu.vector_load %arg7[%parallel_loop3A_526, %parallel_loop3A_527, %parallel_loop3A_528] {strides = array<i32>} : memref<2x32x1024xf32, #tpu.memory_space<vmem>>, vector<1x1x16xf32>,
        %parallel_loop3A_530 = vector.shape_cast %parallel_loop3A_529 : vector<1x1x16xf32> to vector<16xf32>
        %parallel_loop3A_531 = arith.constant 1 : i32
        %parallel_loop3A_532 = arith.constant 22 : i32
        %parallel_loop3A_533 = arith.index_cast %parallel_loop3A_531 : i32 to index
        %parallel_loop3A_534 = arith.index_cast %parallel_loop3A_532 : i32 to index
        %parallel_loop3A_535 = arith.index_cast %parallel_loop3A_346 : i32 to index
        %parallel_loop3A_536 = tpu.vector_load %arg7[%parallel_loop3A_533, %parallel_loop3A_534, %parallel_loop3A_535] {strides = array<i32>} : memref<2x32x1024xf32, #tpu.memory_space<vmem>>, vector<1x1x16xf32>,
        %parallel_loop3A_537 = vector.shape_cast %parallel_loop3A_536 : vector<1x1x16xf32> to vector<16xf32>
        %parallel_loop3A_538 = arith.constant 1 : i32
        %parallel_loop3A_539 = arith.constant 23 : i32
        %parallel_loop3A_540 = arith.index_cast %parallel_loop3A_538 : i32 to index
        %parallel_loop3A_541 = arith.index_cast %parallel_loop3A_539 : i32 to index
        %parallel_loop3A_542 = arith.index_cast %parallel_loop3A_346 : i32 to index
        %parallel_loop3A_543 = tpu.vector_load %arg7[%parallel_loop3A_540, %parallel_loop3A_541, %parallel_loop3A_542] {strides = array<i32>} : memref<2x32x1024xf32, #tpu.memory_space<vmem>>, vector<1x1x16xf32>,
        %parallel_loop3A_544 = vector.shape_cast %parallel_loop3A_543 : vector<1x1x16xf32> to vector<16xf32>
        %parallel_loop3A_545 = arith.addf %parallel_loop3A_495, %parallel_loop3A_502 : vector<16xf32>
        %parallel_loop3A_546 = arith.addf %parallel_loop3A_509, %parallel_loop3A_516 : vector<16xf32>
        %parallel_loop3A_547 = arith.addf %parallel_loop3A_523, %parallel_loop3A_530 : vector<16xf32>
        %parallel_loop3A_548 = arith.addf %parallel_loop3A_537, %parallel_loop3A_544 : vector<16xf32>
        %parallel_loop3A_549 = arith.addf %parallel_loop3A_545, %parallel_loop3A_546 : vector<16xf32>
        %parallel_loop3A_550 = arith.addf %parallel_loop3A_547, %parallel_loop3A_548 : vector<16xf32>
        %parallel_loop3A_551 = arith.addf %parallel_loop3A_549, %parallel_loop3A_550 : vector<16xf32>
        %parallel_loop3A_552 = arith.constant 1 : i32
        %parallel_loop3A_553 = arith.constant 2 : i32
        %parallel_loop3A_554 = arith.index_cast %parallel_loop3A_552 : i32 to index
        %parallel_loop3A_555 = arith.index_cast %parallel_loop3A_553 : i32 to index
        %parallel_loop3A_556 = arith.index_cast %parallel_loop3A_346 : i32 to index
        %parallel_loop3A_557 = tpu.vector_load %arg8[%parallel_loop3A_554, %parallel_loop3A_555, %parallel_loop3A_556] {strides = array<i32>} : memref<4x4x1024xf32, #tpu.memory_space<vmem>>, vector<1x1x16xf32>,
        %parallel_loop3A_558 = vector.shape_cast %parallel_loop3A_557 : vector<1x1x16xf32> to vector<16xf32>
        %parallel_loop3A_559 = vector.shape_cast %parallel_loop3A_551 : vector<16xf32> to vector<1x1x16xf32>
        tpu.vector_store %arg8[%parallel_loop3A_554, %parallel_loop3A_555, %parallel_loop3A_556], %parallel_loop3A_559 {add = true, strides = array<i32>} : memref<4x4x1024xf32, #tpu.memory_space<vmem>>, vector<1x1x16xf32>,
        %parallel_loop3A_560 = arith.constant 1 : i32
        %parallel_loop3A_561 = arith.constant 24 : i32
        %parallel_loop3A_562 = arith.index_cast %parallel_loop3A_560 : i32 to index
        %parallel_loop3A_563 = arith.index_cast %parallel_loop3A_561 : i32 to index
        %parallel_loop3A_564 = arith.index_cast %parallel_loop3A_346 : i32 to index
        %parallel_loop3A_565 = tpu.vector_load %arg7[%parallel_loop3A_562, %parallel_loop3A_563, %parallel_loop3A_564] {strides = array<i32>} : memref<2x32x1024xf32, #tpu.memory_space<vmem>>, vector<1x1x16xf32>,
        %parallel_loop3A_566 = vector.shape_cast %parallel_loop3A_565 : vector<1x1x16xf32> to vector<16xf32>
        %parallel_loop3A_567 = arith.constant 1 : i32
        %parallel_loop3A_568 = arith.constant 25 : i32
        %parallel_loop3A_569 = arith.index_cast %parallel_loop3A_567 : i32 to index
        %parallel_loop3A_570 = arith.index_cast %parallel_loop3A_568 : i32 to index
        %parallel_loop3A_571 = arith.index_cast %parallel_loop3A_346 : i32 to index
        %parallel_loop3A_572 = tpu.vector_load %arg7[%parallel_loop3A_569, %parallel_loop3A_570, %parallel_loop3A_571] {strides = array<i32>} : memref<2x32x1024xf32, #tpu.memory_space<vmem>>, vector<1x1x16xf32>,
        %parallel_loop3A_573 = vector.shape_cast %parallel_loop3A_572 : vector<1x1x16xf32> to vector<16xf32>
        %parallel_loop3A_574 = arith.constant 1 : i32
        %parallel_loop3A_575 = arith.constant 26 : i32
        %parallel_loop3A_576 = arith.index_cast %parallel_loop3A_574 : i32 to index
        %parallel_loop3A_577 = arith.index_cast %parallel_loop3A_575 : i32 to index
        %parallel_loop3A_578 = arith.index_cast %parallel_loop3A_346 : i32 to index
        %parallel_loop3A_579 = tpu.vector_load %arg7[%parallel_loop3A_576, %parallel_loop3A_577, %parallel_loop3A_578] {strides = array<i32>} : memref<2x32x1024xf32, #tpu.memory_space<vmem>>, vector<1x1x16xf32>,
        %parallel_loop3A_580 = vector.shape_cast %parallel_loop3A_579 : vector<1x1x16xf32> to vector<16xf32>
        %parallel_loop3A_581 = arith.constant 1 : i32
        %parallel_loop3A_582 = arith.constant 27 : i32
        %parallel_loop3A_583 = arith.index_cast %parallel_loop3A_581 : i32 to index
        %parallel_loop3A_584 = arith.index_cast %parallel_loop3A_582 : i32 to index
        %parallel_loop3A_585 = arith.index_cast %parallel_loop3A_346 : i32 to index
        %parallel_loop3A_586 = tpu.vector_load %arg7[%parallel_loop3A_583, %parallel_loop3A_584, %parallel_loop3A_585] {strides = array<i32>} : memref<2x32x1024xf32, #tpu.memory_space<vmem>>, vector<1x1x16xf32>,
        %parallel_loop3A_587 = vector.shape_cast %parallel_loop3A_586 : vector<1x1x16xf32> to vector<16xf32>
        %parallel_loop3A_588 = arith.constant 1 : i32
        %parallel_loop3A_589 = arith.constant 28 : i32
        %parallel_loop3A_590 = arith.index_cast %parallel_loop3A_588 : i32 to index
        %parallel_loop3A_591 = arith.index_cast %parallel_loop3A_589 : i32 to index
        %parallel_loop3A_592 = arith.index_cast %parallel_loop3A_346 : i32 to index
        %parallel_loop3A_593 = tpu.vector_load %arg7[%parallel_loop3A_590, %parallel_loop3A_591, %parallel_loop3A_592] {strides = array<i32>} : memref<2x32x1024xf32, #tpu.memory_space<vmem>>, vector<1x1x16xf32>,
        %parallel_loop3A_594 = vector.shape_cast %parallel_loop3A_593 : vector<1x1x16xf32> to vector<16xf32>
        %parallel_loop3A_595 = arith.constant 1 : i32
        %parallel_loop3A_596 = arith.constant 29 : i32
        %parallel_loop3A_597 = arith.index_cast %parallel_loop3A_595 : i32 to index
        %parallel_loop3A_598 = arith.index_cast %parallel_loop3A_596 : i32 to index
        %parallel_loop3A_599 = arith.index_cast %parallel_loop3A_346 : i32 to index
        %parallel_loop3A_600 = tpu.vector_load %arg7[%parallel_loop3A_597, %parallel_loop3A_598, %parallel_loop3A_599] {strides = array<i32>} : memref<2x32x1024xf32, #tpu.memory_space<vmem>>, vector<1x1x16xf32>,
        %parallel_loop3A_601 = vector.shape_cast %parallel_loop3A_600 : vector<1x1x16xf32> to vector<16xf32>
        %parallel_loop3A_602 = arith.constant 1 : i32
        %parallel_loop3A_603 = arith.constant 30 : i32
        %parallel_loop3A_604 = arith.index_cast %parallel_loop3A_602 : i32 to index
        %parallel_loop3A_605 = arith.index_cast %parallel_loop3A_603 : i32 to index
        %parallel_loop3A_606 = arith.index_cast %parallel_loop3A_346 : i32 to index
        %parallel_loop3A_607 = tpu.vector_load %arg7[%parallel_loop3A_604, %parallel_loop3A_605, %parallel_loop3A_606] {strides = array<i32>} : memref<2x32x1024xf32, #tpu.memory_space<vmem>>, vector<1x1x16xf32>,
        %parallel_loop3A_608 = vector.shape_cast %parallel_loop3A_607 : vector<1x1x16xf32> to vector<16xf32>
        %parallel_loop3A_609 = arith.constant 1 : i32
        %parallel_loop3A_610 = arith.constant 31 : i32
        %parallel_loop3A_611 = arith.index_cast %parallel_loop3A_609 : i32 to index
        %parallel_loop3A_612 = arith.index_cast %parallel_loop3A_610 : i32 to index
        %parallel_loop3A_613 = arith.index_cast %parallel_loop3A_346 : i32 to index
        %parallel_loop3A_614 = tpu.vector_load %arg7[%parallel_loop3A_611, %parallel_loop3A_612, %parallel_loop3A_613] {strides = array<i32>} : memref<2x32x1024xf32, #tpu.memory_space<vmem>>, vector<1x1x16xf32>,
        %parallel_loop3A_615 = vector.shape_cast %parallel_loop3A_614 : vector<1x1x16xf32> to vector<16xf32>
        %parallel_loop3A_616 = arith.addf %parallel_loop3A_566, %parallel_loop3A_573 : vector<16xf32>
        %parallel_loop3A_617 = arith.addf %parallel_loop3A_580, %parallel_loop3A_587 : vector<16xf32>
        %parallel_loop3A_618 = arith.addf %parallel_loop3A_594, %parallel_loop3A_601 : vector<16xf32>
        %parallel_loop3A_619 = arith.addf %parallel_loop3A_608, %parallel_loop3A_615 : vector<16xf32>
        %parallel_loop3A_620 = arith.addf %parallel_loop3A_616, %parallel_loop3A_617 : vector<16xf32>
        %parallel_loop3A_621 = arith.addf %parallel_loop3A_618, %parallel_loop3A_619 : vector<16xf32>
        %parallel_loop3A_622 = arith.addf %parallel_loop3A_620, %parallel_loop3A_621 : vector<16xf32>
        %parallel_loop3A_623 = arith.constant 1 : i32
        %parallel_loop3A_624 = arith.constant 3 : i32
        %parallel_loop3A_625 = arith.index_cast %parallel_loop3A_623 : i32 to index
        %parallel_loop3A_626 = arith.index_cast %parallel_loop3A_624 : i32 to index
        %parallel_loop3A_627 = arith.index_cast %parallel_loop3A_346 : i32 to index
        %parallel_loop3A_628 = tpu.vector_load %arg8[%parallel_loop3A_625, %parallel_loop3A_626, %parallel_loop3A_627] {strides = array<i32>} : memref<4x4x1024xf32, #tpu.memory_space<vmem>>, vector<1x1x16xf32>,
        %parallel_loop3A_629 = vector.shape_cast %parallel_loop3A_628 : vector<1x1x16xf32> to vector<16xf32>
        %parallel_loop3A_630 = vector.shape_cast %parallel_loop3A_622 : vector<16xf32> to vector<1x1x16xf32>
        tpu.vector_store %arg8[%parallel_loop3A_625, %parallel_loop3A_626, %parallel_loop3A_627], %parallel_loop3A_630 {add = true, strides = array<i32>} : memref<4x4x1024xf32, #tpu.memory_space<vmem>>, vector<1x1x16xf32>,
      } {sc.loop_unroll_factor = 2 : i64, sc.parallel_access}
      %mul3A_211 = arith.constant 4 : i32
      %mul3A_212 = arith.muli %add3A_180, %mul3A_211 : i32
      %add3A_213 = arith.addi %mul3A_2, %mul3A_212 : i32
      %dma_start3A_214 = arith.constant 1 : i32
      %dma_start3A_215 = arith.constant 0 : i32
      %dma_start3A_216 = arith.constant 0 : i32
      %dma_start3A_217 = tpu.memref_slice %arg8[%dma_start3A_214, %dma_start3A_215, %dma_start3A_216] : memref<4x4x1024xf32, #tpu.memory_space<vmem>> -> memref<1x4x1024xf32, #tpu.memory_space<vmem>>
      %dma_start3A_218 = tpu.memref_squeeze %dma_start3A_217 : memref<1x4x1024xf32, #tpu.memory_space<vmem>> -> memref<4x1024xf32, #tpu.memory_space<vmem>>
      %dma_start3A_219 = arith.constant 0 : i32
      %dma_start3A_220 = tpu.memref_slice %arg5[%add3A_213, %dma_start3A_219] : memref<16384x1024xf32, #tpu.memory_space<hbm>> -> memref<4x1024xf32, #tpu.memory_space<hbm>>
      %dma_start3A_221 = arith.constant 0 : i32
      %dma_start3A_222 = tpu.memref_slice %arg5[%add3A_213, %dma_start3A_221] : memref<16384x1024xf32, #tpu.memory_space<hbm>> -> memref<4x1024xf32, #tpu.memory_space<hbm>>
      %dma_start3A_223 = arith.constant 0 : i32
      %dma_start3A_224 = arith.constant 0 : i32
      %dma_start3A_225 = tpu.memref_slice %arg8[%dma_start3A_214, %dma_start3A_223, %dma_start3A_224] : memref<4x4x1024xf32, #tpu.memory_space<vmem>> -> memref<1x4x1024xf32, #tpu.memory_space<vmem>>
      %dma_start3A_226 = tpu.memref_squeeze %dma_start3A_225 : memref<1x4x1024xf32, #tpu.memory_space<vmem>> -> memref<4x1024xf32, #tpu.memory_space<vmem>>
      tpu.enqueue_dma source(%dma_start3A_226 : memref<4x1024xf32, #tpu.memory_space<vmem>>) target(%dma_start3A_222 : memref<4x1024xf32, #tpu.memory_space<hbm>>) target_semaphore(%arg16 : memref<!tpu.dma_semaphore, #tpu.memory_space<semaphore_mem>>)
      %add3A_227 = arith.constant 2 : i32
      %add3A_228 = arith.addi %add3A_180, %add3A_227 : i32
      %lt3A_229 = arith.constant 128 : i32
      %lt3A_230 = arith.cmpi slt, %add3A_228, %lt3A_229 : i32
      %convert_element_type3A_231 = arith.extui %lt3A_230 : i1 to i32
      %cond3A_232 = arith.constant 0 : i32
      %cond3A_233 = arith.cmpi ne, %convert_element_type3A_231, %cond3A_232 : i32
      scf.if %cond3A_233 {
        %dma_start3A_344 = arith.constant 1 : i32
        %dma_start3A_345 = arith.constant 0 : i32
        %dma_start3A_346 = arith.constant 0 : i32
        %dma_start3A_347 = tpu.memref_slice %arg7[%dma_start3A_344, %dma_start3A_345, %dma_start3A_346] : memref<2x32x1024xf32, #tpu.memory_space<vmem>> -> memref<1x32x1024xf32, #tpu.memory_space<vmem>>
        %dma_start3A_348 = tpu.memref_squeeze %dma_start3A_347 : memref<1x32x1024xf32, #tpu.memory_space<vmem>> -> memref<32x1024xf32, #tpu.memory_space<vmem>>
        %dma_start3A_349 = arith.constant 0 : i32
        %dma_start3A_350 = tpu.memref_slice %arg6[%add3A_228, %dma_start3A_349] : memref<128x32xi32, #tpu.memory_space<vmem>> -> memref<1x32xi32, #tpu.memory_space<vmem>>
        %dma_start3A_351 = tpu.memref_squeeze %dma_start3A_350 : memref<1x32xi32, #tpu.memory_space<vmem>> -> memref<32xi32, #tpu.memory_space<vmem>>
        %dma_start3A_352 = arith.constant 0 : i32
        %dma_start3A_353 = arith.constant 0 : i32
        %dma_start3A_354 = tpu.memref_slice %arg2[%dma_start3A_352, %dma_start3A_353] : memref<8200x1024xf32, #tpu.memory_space<hbm>> -> memref<8200x1024xf32, #tpu.memory_space<hbm>>
        tpu.enqueue_indirect_dma source(%dma_start3A_354 : memref<8200x1024xf32, #tpu.memory_space<hbm>>) target(%dma_start3A_348 : memref<32x1024xf32, #tpu.memory_space<vmem>>) offsets(%dma_start3A_351 : memref<32xi32, #tpu.memory_space<vmem>>) semaphore(%arg10 : memref<!tpu.dma_semaphore, #tpu.memory_space<semaphore_mem>>)
        %ge3A = arith.constant 4 : i32
        %ge3A_355 = arith.cmpi sge, %add3A_228, %ge3A : i32
        %convert_element_type3A_356 = arith.extui %ge3A_355 : i1 to i32
        %cond3A_357 = arith.constant 0 : i32
        %cond3A_358 = arith.cmpi ne, %convert_element_type3A_356, %cond3A_357 : i32
        scf.if %cond3A_358 {
          %dma_wait3A_377 = arith.constant 3 : i32
          %dma_wait3A_378 = arith.constant 0 : i32
          %dma_wait3A_379 = arith.constant 0 : i32
          %dma_wait3A_380 = tpu.memref_slice %arg8[%dma_wait3A_377, %dma_wait3A_378, %dma_wait3A_379] : memref<4x4x1024xf32, #tpu.memory_space<vmem>> -> memref<1x4x1024xf32, #tpu.memory_space<vmem>>
          %dma_wait3A_381 = tpu.memref_squeeze %dma_wait3A_380 : memref<1x4x1024xf32, #tpu.memory_space<vmem>> -> memref<4x1024xf32, #tpu.memory_space<vmem>>
          %dma_wait3A_382 = arith.constant 0 : i32
          %dma_wait3A_383 = arith.constant 0 : i32
          %dma_wait3A_384 = tpu.memref_slice %arg5[%dma_wait3A_382, %dma_wait3A_383] : memref<16384x1024xf32, #tpu.memory_space<hbm>> -> memref<4x1024xf32, #tpu.memory_space<hbm>>
          %dma_wait3A_385 = arith.constant 0 : i32
          %dma_wait3A_386 = arith.constant 0 : i32
          %dma_wait3A_387 = tpu.memref_slice %arg5[%dma_wait3A_385, %dma_wait3A_386] : memref<16384x1024xf32, #tpu.memory_space<hbm>> -> memref<4x1024xf32, #tpu.memory_space<hbm>>
          %dma_wait3A_388 = arith.constant 0 : i32
          %dma_wait3A_389 = arith.constant 0 : i32
          %dma_wait3A_390 = tpu.memref_slice %arg8[%dma_wait3A_377, %dma_wait3A_388, %dma_wait3A_389] : memref<4x4x1024xf32, #tpu.memory_space<vmem>> -> memref<1x4x1024xf32, #tpu.memory_space<vmem>>
          %dma_wait3A_391 = tpu.memref_squeeze %dma_wait3A_390 : memref<1x4x1024xf32, #tpu.memory_space<vmem>> -> memref<4x1024xf32, #tpu.memory_space<vmem>>
          tpu.wait_dma2 semaphore(%arg18 : memref<!tpu.dma_semaphore, #tpu.memory_space<semaphore_mem>>) src(%dma_wait3A_391 : memref<4x1024xf32, #tpu.memory_space<vmem>>) dst(%dma_wait3A_387 : memref<4x1024xf32, #tpu.memory_space<hbm>>)
        } else {
        }
        %mul3A_359 = arith.constant 4 : i32
        %mul3A_360 = arith.muli %add3A_228, %mul3A_359 : i32
        %add3A_361 = arith.addi %mul3A_2, %mul3A_360 : i32
        %rem3A_362 = arith.constant 2048 : i32
        %rem3A_363 = arith.remsi %add3A_361, %rem3A_362 : i32
        %dma_start3A_364 = arith.constant 3 : i32
        %dma_start3A_365 = arith.constant 0 : i32
        %dma_start3A_366 = arith.constant 0 : i32
        %dma_start3A_367 = tpu.memref_slice %arg8[%dma_start3A_364, %dma_start3A_365, %dma_start3A_366] : memref<4x4x1024xf32, #tpu.memory_space<vmem>> -> memref<1x4x1024xf32, #tpu.memory_space<vmem>>
        %dma_start3A_368 = tpu.memref_squeeze %dma_start3A_367 : memref<1x4x1024xf32, #tpu.memory_space<vmem>> -> memref<4x1024xf32, #tpu.memory_space<vmem>>
        %dma_start3A_369 = arith.constant 0 : i32
        %dma_start3A_370 = tpu.memref_slice %arg4[%rem3A_363, %dma_start3A_369] : memref<8192x1024xf32, #tpu.memory_space<hbm>> -> memref<4x1024xf32, #tpu.memory_space<hbm>>
        %dma_start3A_371 = arith.constant 0 : i32
        %dma_start3A_372 = arith.constant 0 : i32
        %dma_start3A_373 = tpu.memref_slice %arg8[%dma_start3A_364, %dma_start3A_371, %dma_start3A_372] : memref<4x4x1024xf32, #tpu.memory_space<vmem>> -> memref<1x4x1024xf32, #tpu.memory_space<vmem>>
        %dma_start3A_374 = tpu.memref_squeeze %dma_start3A_373 : memref<1x4x1024xf32, #tpu.memory_space<vmem>> -> memref<4x1024xf32, #tpu.memory_space<vmem>>
        %dma_start3A_375 = arith.constant 0 : i32
        %dma_start3A_376 = tpu.memref_slice %arg4[%rem3A_363, %dma_start3A_375] : memref<8192x1024xf32, #tpu.memory_space<hbm>> -> memref<4x1024xf32, #tpu.memory_space<hbm>>
        tpu.enqueue_dma source(%dma_start3A_376 : memref<4x1024xf32, #tpu.memory_space<hbm>>) target(%dma_start3A_374 : memref<4x1024xf32, #tpu.memory_space<vmem>>) target_semaphore(%arg14 : memref<!tpu.dma_semaphore, #tpu.memory_space<semaphore_mem>>)
      } else {
      }
      %add3A_234 = arith.constant 2 : i32
      %add3A_235 = arith.addi %mul3A_127, %add3A_234 : i32
      %dma_wait3A_236 = arith.constant 0 : i32
      %dma_wait3A_237 = arith.constant 0 : i32
      %dma_wait3A_238 = arith.constant 0 : i32
      %dma_wait3A_239 = arith.constant 0 : i32
      %dma_wait3A_240 = tpu.memref_slice %arg7[%dma_wait3A_237, %dma_wait3A_238, %dma_wait3A_239] : memref<2x32x1024xf32, #tpu.memory_space<vmem>> -> memref<1x32x1024xf32, #tpu.memory_space<vmem>>
      %dma_wait3A_241 = tpu.memref_squeeze %dma_wait3A_240 : memref<1x32x1024xf32, #tpu.memory_space<vmem>> -> memref<32x1024xf32, #tpu.memory_space<vmem>>
      %dma_wait3A_242 = arith.constant 0 : i32
      %dma_wait3A_243 = tpu.memref_slice %arg6[%dma_wait3A_236, %dma_wait3A_242] : memref<128x32xi32, #tpu.memory_space<vmem>> -> memref<1x32xi32, #tpu.memory_space<vmem>>
      %dma_wait3A_244 = tpu.memref_squeeze %dma_wait3A_243 : memref<1x32xi32, #tpu.memory_space<vmem>> -> memref<32xi32, #tpu.memory_space<vmem>>
      %dma_wait3A_245 = arith.constant 0 : i32
      %dma_wait3A_246 = arith.constant 0 : i32
      %dma_wait3A_247 = tpu.memref_slice %arg2[%dma_wait3A_245, %dma_wait3A_246] : memref<8200x1024xf32, #tpu.memory_space<hbm>> -> memref<8200x1024xf32, #tpu.memory_space<hbm>>
      tpu.wait_indirect_dma semaphore(%arg9 : memref<!tpu.dma_semaphore, #tpu.memory_space<semaphore_mem>>) src(%dma_wait3A_247 : memref<8200x1024xf32, #tpu.memory_space<hbm>>) dst(%dma_wait3A_241 : memref<32x1024xf32, #tpu.memory_space<vmem>>)
      %dma_wait3A_248 = arith.constant 2 : i32
      %dma_wait3A_249 = arith.constant 0 : i32
      %dma_wait3A_250 = arith.constant 0 : i32
      %dma_wait3A_251 = tpu.memref_slice %arg8[%dma_wait3A_248, %dma_wait3A_249, %dma_wait3A_250] : memref<4x4x1024xf32, #tpu.memory_space<vmem>> -> memref<1x4x1024xf32, #tpu.memory_space<vmem>>
      %dma_wait3A_252 = tpu.memref_squeeze %dma_wait3A_251 : memref<1x4x1024xf32, #tpu.memory_space<vmem>> -> memref<4x1024xf32, #tpu.memory_space<vmem>>
      %dma_wait3A_253 = arith.constant 0 : i32
      %dma_wait3A_254 = arith.constant 0 : i32
      %dma_wait3A_255 = tpu.memref_slice %arg4[%dma_wait3A_253, %dma_wait3A_254] : memref<8192x1024xf32, #tpu.memory_space<hbm>> -> memref<4x1024xf32, #tpu.memory_space<hbm>>
      %dma_wait3A_256 = arith.constant 0 : i32
      %dma_wait3A_257 = arith.constant 0 : i32
      %dma_wait3A_258 = tpu.memref_slice %arg8[%dma_wait3A_248, %dma_wait3A_256, %dma_wait3A_257] : memref<4x4x1024xf32, #tpu.memory_space<vmem>> -> memref<1x4x1024xf32, #tpu.memory_space<vmem>>
      %dma_wait3A_259 = tpu.memref_squeeze %dma_wait3A_258 : memref<1x4x1024xf32, #tpu.memory_space<vmem>> -> memref<4x1024xf32, #tpu.memory_space<vmem>>
      %dma_wait3A_260 = arith.constant 0 : i32
      %dma_wait3A_261 = arith.constant 0 : i32
      %dma_wait3A_262 = tpu.memref_slice %arg4[%dma_wait3A_260, %dma_wait3A_261] : memref<8192x1024xf32, #tpu.memory_space<hbm>> -> memref<4x1024xf32, #tpu.memory_space<hbm>>
      tpu.wait_dma2 semaphore(%arg13 : memref<!tpu.dma_semaphore, #tpu.memory_space<semaphore_mem>>) src(%dma_wait3A_262 : memref<4x1024xf32, #tpu.memory_space<hbm>>) dst(%dma_wait3A_259 : memref<4x1024xf32, #tpu.memory_space<vmem>>)
      %parallel_loop3A_263 = arith.constant 0 : i32
      %parallel_loop3A_264 = arith.constant 64 : i32
      %parallel_loop3A_265 = arith.constant 1 : i32
      scf.for %parallel_loop3A_344 = %parallel_loop3A_263 to %parallel_loop3A_264 step %parallel_loop3A_265  : i32 {
        %parallel_loop3A_345 = arith.constant 16 : i32
        %parallel_loop3A_346 = arith.muli %parallel_loop3A_344, %parallel_loop3A_345 : i32
        %parallel_loop3A_347 = arith.constant 0 : i32
        %parallel_loop3A_348 = arith.constant 0 : i32
        %parallel_loop3A_349 = arith.index_cast %parallel_loop3A_347 : i32 to index
        %parallel_loop3A_350 = arith.index_cast %parallel_loop3A_348 : i32 to index
        %parallel_loop3A_351 = arith.index_cast %parallel_loop3A_346 : i32 to index
        %parallel_loop3A_352 = tpu.vector_load %arg7[%parallel_loop3A_349, %parallel_loop3A_350, %parallel_loop3A_351] {strides = array<i32>} : memref<2x32x1024xf32, #tpu.memory_space<vmem>>, vector<1x1x16xf32>,
        %parallel_loop3A_353 = vector.shape_cast %parallel_loop3A_352 : vector<1x1x16xf32> to vector<16xf32>
        %parallel_loop3A_354 = arith.constant 0 : i32
        %parallel_loop3A_355 = arith.constant 1 : i32
        %parallel_loop3A_356 = arith.index_cast %parallel_loop3A_354 : i32 to index
        %parallel_loop3A_357 = arith.index_cast %parallel_loop3A_355 : i32 to index
        %parallel_loop3A_358 = arith.index_cast %parallel_loop3A_346 : i32 to index
        %parallel_loop3A_359 = tpu.vector_load %arg7[%parallel_loop3A_356, %parallel_loop3A_357, %parallel_loop3A_358] {strides = array<i32>} : memref<2x32x1024xf32, #tpu.memory_space<vmem>>, vector<1x1x16xf32>,
        %parallel_loop3A_360 = vector.shape_cast %parallel_loop3A_359 : vector<1x1x16xf32> to vector<16xf32>
        %parallel_loop3A_361 = arith.constant 0 : i32
        %parallel_loop3A_362 = arith.constant 2 : i32
        %parallel_loop3A_363 = arith.index_cast %parallel_loop3A_361 : i32 to index
        %parallel_loop3A_364 = arith.index_cast %parallel_loop3A_362 : i32 to index
        %parallel_loop3A_365 = arith.index_cast %parallel_loop3A_346 : i32 to index
        %parallel_loop3A_366 = tpu.vector_load %arg7[%parallel_loop3A_363, %parallel_loop3A_364, %parallel_loop3A_365] {strides = array<i32>} : memref<2x32x1024xf32, #tpu.memory_space<vmem>>, vector<1x1x16xf32>,
        %parallel_loop3A_367 = vector.shape_cast %parallel_loop3A_366 : vector<1x1x16xf32> to vector<16xf32>
        %parallel_loop3A_368 = arith.constant 0 : i32
        %parallel_loop3A_369 = arith.constant 3 : i32
        %parallel_loop3A_370 = arith.index_cast %parallel_loop3A_368 : i32 to index
        %parallel_loop3A_371 = arith.index_cast %parallel_loop3A_369 : i32 to index
        %parallel_loop3A_372 = arith.index_cast %parallel_loop3A_346 : i32 to index
        %parallel_loop3A_373 = tpu.vector_load %arg7[%parallel_loop3A_370, %parallel_loop3A_371, %parallel_loop3A_372] {strides = array<i32>} : memref<2x32x1024xf32, #tpu.memory_space<vmem>>, vector<1x1x16xf32>,
        %parallel_loop3A_374 = vector.shape_cast %parallel_loop3A_373 : vector<1x1x16xf32> to vector<16xf32>
        %parallel_loop3A_375 = arith.constant 0 : i32
        %parallel_loop3A_376 = arith.constant 4 : i32
        %parallel_loop3A_377 = arith.index_cast %parallel_loop3A_375 : i32 to index
        %parallel_loop3A_378 = arith.index_cast %parallel_loop3A_376 : i32 to index
        %parallel_loop3A_379 = arith.index_cast %parallel_loop3A_346 : i32 to index
        %parallel_loop3A_380 = tpu.vector_load %arg7[%parallel_loop3A_377, %parallel_loop3A_378, %parallel_loop3A_379] {strides = array<i32>} : memref<2x32x1024xf32, #tpu.memory_space<vmem>>, vector<1x1x16xf32>,
        %parallel_loop3A_381 = vector.shape_cast %parallel_loop3A_380 : vector<1x1x16xf32> to vector<16xf32>
        %parallel_loop3A_382 = arith.constant 0 : i32
        %parallel_loop3A_383 = arith.constant 5 : i32
        %parallel_loop3A_384 = arith.index_cast %parallel_loop3A_382 : i32 to index
        %parallel_loop3A_385 = arith.index_cast %parallel_loop3A_383 : i32 to index
        %parallel_loop3A_386 = arith.index_cast %parallel_loop3A_346 : i32 to index
        %parallel_loop3A_387 = tpu.vector_load %arg7[%parallel_loop3A_384, %parallel_loop3A_385, %parallel_loop3A_386] {strides = array<i32>} : memref<2x32x1024xf32, #tpu.memory_space<vmem>>, vector<1x1x16xf32>,
        %parallel_loop3A_388 = vector.shape_cast %parallel_loop3A_387 : vector<1x1x16xf32> to vector<16xf32>
        %parallel_loop3A_389 = arith.constant 0 : i32
        %parallel_loop3A_390 = arith.constant 6 : i32
        %parallel_loop3A_391 = arith.index_cast %parallel_loop3A_389 : i32 to index
        %parallel_loop3A_392 = arith.index_cast %parallel_loop3A_390 : i32 to index
        %parallel_loop3A_393 = arith.index_cast %parallel_loop3A_346 : i32 to index
        %parallel_loop3A_394 = tpu.vector_load %arg7[%parallel_loop3A_391, %parallel_loop3A_392, %parallel_loop3A_393] {strides = array<i32>} : memref<2x32x1024xf32, #tpu.memory_space<vmem>>, vector<1x1x16xf32>,
        %parallel_loop3A_395 = vector.shape_cast %parallel_loop3A_394 : vector<1x1x16xf32> to vector<16xf32>
        %parallel_loop3A_396 = arith.constant 0 : i32
        %parallel_loop3A_397 = arith.constant 7 : i32
        %parallel_loop3A_398 = arith.index_cast %parallel_loop3A_396 : i32 to index
        %parallel_loop3A_399 = arith.index_cast %parallel_loop3A_397 : i32 to index
        %parallel_loop3A_400 = arith.index_cast %parallel_loop3A_346 : i32 to index
        %parallel_loop3A_401 = tpu.vector_load %arg7[%parallel_loop3A_398, %parallel_loop3A_399, %parallel_loop3A_400] {strides = array<i32>} : memref<2x32x1024xf32, #tpu.memory_space<vmem>>, vector<1x1x16xf32>,
        %parallel_loop3A_402 = vector.shape_cast %parallel_loop3A_401 : vector<1x1x16xf32> to vector<16xf32>
        %parallel_loop3A_403 = arith.addf %parallel_loop3A_353, %parallel_loop3A_360 : vector<16xf32>
        %parallel_loop3A_404 = arith.addf %parallel_loop3A_367, %parallel_loop3A_374 : vector<16xf32>
        %parallel_loop3A_405 = arith.addf %parallel_loop3A_381, %parallel_loop3A_388 : vector<16xf32>
        %parallel_loop3A_406 = arith.addf %parallel_loop3A_395, %parallel_loop3A_402 : vector<16xf32>
        %parallel_loop3A_407 = arith.addf %parallel_loop3A_403, %parallel_loop3A_404 : vector<16xf32>
        %parallel_loop3A_408 = arith.addf %parallel_loop3A_405, %parallel_loop3A_406 : vector<16xf32>
        %parallel_loop3A_409 = arith.addf %parallel_loop3A_407, %parallel_loop3A_408 : vector<16xf32>
        %parallel_loop3A_410 = arith.constant 2 : i32
        %parallel_loop3A_411 = arith.constant 0 : i32
        %parallel_loop3A_412 = arith.index_cast %parallel_loop3A_410 : i32 to index
        %parallel_loop3A_413 = arith.index_cast %parallel_loop3A_411 : i32 to index
        %parallel_loop3A_414 = arith.index_cast %parallel_loop3A_346 : i32 to index
        %parallel_loop3A_415 = tpu.vector_load %arg8[%parallel_loop3A_412, %parallel_loop3A_413, %parallel_loop3A_414] {strides = array<i32>} : memref<4x4x1024xf32, #tpu.memory_space<vmem>>, vector<1x1x16xf32>,
        %parallel_loop3A_416 = vector.shape_cast %parallel_loop3A_415 : vector<1x1x16xf32> to vector<16xf32>
        %parallel_loop3A_417 = vector.shape_cast %parallel_loop3A_409 : vector<16xf32> to vector<1x1x16xf32>
        tpu.vector_store %arg8[%parallel_loop3A_412, %parallel_loop3A_413, %parallel_loop3A_414], %parallel_loop3A_417 {add = true, strides = array<i32>} : memref<4x4x1024xf32, #tpu.memory_space<vmem>>, vector<1x1x16xf32>,
        %parallel_loop3A_418 = arith.constant 0 : i32
        %parallel_loop3A_419 = arith.constant 8 : i32
        %parallel_loop3A_420 = arith.index_cast %parallel_loop3A_418 : i32 to index
        %parallel_loop3A_421 = arith.index_cast %parallel_loop3A_419 : i32 to index
        %parallel_loop3A_422 = arith.index_cast %parallel_loop3A_346 : i32 to index
        %parallel_loop3A_423 = tpu.vector_load %arg7[%parallel_loop3A_420, %parallel_loop3A_421, %parallel_loop3A_422] {strides = array<i32>} : memref<2x32x1024xf32, #tpu.memory_space<vmem>>, vector<1x1x16xf32>,
        %parallel_loop3A_424 = vector.shape_cast %parallel_loop3A_423 : vector<1x1x16xf32> to vector<16xf32>
        %parallel_loop3A_425 = arith.constant 0 : i32
        %parallel_loop3A_426 = arith.constant 9 : i32
        %parallel_loop3A_427 = arith.index_cast %parallel_loop3A_425 : i32 to index
        %parallel_loop3A_428 = arith.index_cast %parallel_loop3A_426 : i32 to index
        %parallel_loop3A_429 = arith.index_cast %parallel_loop3A_346 : i32 to index
        %parallel_loop3A_430 = tpu.vector_load %arg7[%parallel_loop3A_427, %parallel_loop3A_428, %parallel_loop3A_429] {strides = array<i32>} : memref<2x32x1024xf32, #tpu.memory_space<vmem>>, vector<1x1x16xf32>,
        %parallel_loop3A_431 = vector.shape_cast %parallel_loop3A_430 : vector<1x1x16xf32> to vector<16xf32>
        %parallel_loop3A_432 = arith.constant 0 : i32
        %parallel_loop3A_433 = arith.constant 10 : i32
        %parallel_loop3A_434 = arith.index_cast %parallel_loop3A_432 : i32 to index
        %parallel_loop3A_435 = arith.index_cast %parallel_loop3A_433 : i32 to index
        %parallel_loop3A_436 = arith.index_cast %parallel_loop3A_346 : i32 to index
        %parallel_loop3A_437 = tpu.vector_load %arg7[%parallel_loop3A_434, %parallel_loop3A_435, %parallel_loop3A_436] {strides = array<i32>} : memref<2x32x1024xf32, #tpu.memory_space<vmem>>, vector<1x1x16xf32>,
        %parallel_loop3A_438 = vector.shape_cast %parallel_loop3A_437 : vector<1x1x16xf32> to vector<16xf32>
        %parallel_loop3A_439 = arith.constant 0 : i32
        %parallel_loop3A_440 = arith.constant 11 : i32
        %parallel_loop3A_441 = arith.index_cast %parallel_loop3A_439 : i32 to index
        %parallel_loop3A_442 = arith.index_cast %parallel_loop3A_440 : i32 to index
        %parallel_loop3A_443 = arith.index_cast %parallel_loop3A_346 : i32 to index
        %parallel_loop3A_444 = tpu.vector_load %arg7[%parallel_loop3A_441, %parallel_loop3A_442, %parallel_loop3A_443] {strides = array<i32>} : memref<2x32x1024xf32, #tpu.memory_space<vmem>>, vector<1x1x16xf32>,
        %parallel_loop3A_445 = vector.shape_cast %parallel_loop3A_444 : vector<1x1x16xf32> to vector<16xf32>
        %parallel_loop3A_446 = arith.constant 0 : i32
        %parallel_loop3A_447 = arith.constant 12 : i32
        %parallel_loop3A_448 = arith.index_cast %parallel_loop3A_446 : i32 to index
        %parallel_loop3A_449 = arith.index_cast %parallel_loop3A_447 : i32 to index
        %parallel_loop3A_450 = arith.index_cast %parallel_loop3A_346 : i32 to index
        %parallel_loop3A_451 = tpu.vector_load %arg7[%parallel_loop3A_448, %parallel_loop3A_449, %parallel_loop3A_450] {strides = array<i32>} : memref<2x32x1024xf32, #tpu.memory_space<vmem>>, vector<1x1x16xf32>,
        %parallel_loop3A_452 = vector.shape_cast %parallel_loop3A_451 : vector<1x1x16xf32> to vector<16xf32>
        %parallel_loop3A_453 = arith.constant 0 : i32
        %parallel_loop3A_454 = arith.constant 13 : i32
        %parallel_loop3A_455 = arith.index_cast %parallel_loop3A_453 : i32 to index
        %parallel_loop3A_456 = arith.index_cast %parallel_loop3A_454 : i32 to index
        %parallel_loop3A_457 = arith.index_cast %parallel_loop3A_346 : i32 to index
        %parallel_loop3A_458 = tpu.vector_load %arg7[%parallel_loop3A_455, %parallel_loop3A_456, %parallel_loop3A_457] {strides = array<i32>} : memref<2x32x1024xf32, #tpu.memory_space<vmem>>, vector<1x1x16xf32>,
        %parallel_loop3A_459 = vector.shape_cast %parallel_loop3A_458 : vector<1x1x16xf32> to vector<16xf32>
        %parallel_loop3A_460 = arith.constant 0 : i32
        %parallel_loop3A_461 = arith.constant 14 : i32
        %parallel_loop3A_462 = arith.index_cast %parallel_loop3A_460 : i32 to index
        %parallel_loop3A_463 = arith.index_cast %parallel_loop3A_461 : i32 to index
        %parallel_loop3A_464 = arith.index_cast %parallel_loop3A_346 : i32 to index
        %parallel_loop3A_465 = tpu.vector_load %arg7[%parallel_loop3A_462, %parallel_loop3A_463, %parallel_loop3A_464] {strides = array<i32>} : memref<2x32x1024xf32, #tpu.memory_space<vmem>>, vector<1x1x16xf32>,
        %parallel_loop3A_466 = vector.shape_cast %parallel_loop3A_465 : vector<1x1x16xf32> to vector<16xf32>
        %parallel_loop3A_467 = arith.constant 0 : i32
        %parallel_loop3A_468 = arith.constant 15 : i32
        %parallel_loop3A_469 = arith.index_cast %parallel_loop3A_467 : i32 to index
        %parallel_loop3A_470 = arith.index_cast %parallel_loop3A_468 : i32 to index
        %parallel_loop3A_471 = arith.index_cast %parallel_loop3A_346 : i32 to index
        %parallel_loop3A_472 = tpu.vector_load %arg7[%parallel_loop3A_469, %parallel_loop3A_470, %parallel_loop3A_471] {strides = array<i32>} : memref<2x32x1024xf32, #tpu.memory_space<vmem>>, vector<1x1x16xf32>,
        %parallel_loop3A_473 = vector.shape_cast %parallel_loop3A_472 : vector<1x1x16xf32> to vector<16xf32>
        %parallel_loop3A_474 = arith.addf %parallel_loop3A_424, %parallel_loop3A_431 : vector<16xf32>
        %parallel_loop3A_475 = arith.addf %parallel_loop3A_438, %parallel_loop3A_445 : vector<16xf32>
        %parallel_loop3A_476 = arith.addf %parallel_loop3A_452, %parallel_loop3A_459 : vector<16xf32>
        %parallel_loop3A_477 = arith.addf %parallel_loop3A_466, %parallel_loop3A_473 : vector<16xf32>
        %parallel_loop3A_478 = arith.addf %parallel_loop3A_474, %parallel_loop3A_475 : vector<16xf32>
        %parallel_loop3A_479 = arith.addf %parallel_loop3A_476, %parallel_loop3A_477 : vector<16xf32>
        %parallel_loop3A_480 = arith.addf %parallel_loop3A_478, %parallel_loop3A_479 : vector<16xf32>
        %parallel_loop3A_481 = arith.constant 2 : i32
        %parallel_loop3A_482 = arith.constant 1 : i32
        %parallel_loop3A_483 = arith.index_cast %parallel_loop3A_481 : i32 to index
        %parallel_loop3A_484 = arith.index_cast %parallel_loop3A_482 : i32 to index
        %parallel_loop3A_485 = arith.index_cast %parallel_loop3A_346 : i32 to index
        %parallel_loop3A_486 = tpu.vector_load %arg8[%parallel_loop3A_483, %parallel_loop3A_484, %parallel_loop3A_485] {strides = array<i32>} : memref<4x4x1024xf32, #tpu.memory_space<vmem>>, vector<1x1x16xf32>,
        %parallel_loop3A_487 = vector.shape_cast %parallel_loop3A_486 : vector<1x1x16xf32> to vector<16xf32>
        %parallel_loop3A_488 = vector.shape_cast %parallel_loop3A_480 : vector<16xf32> to vector<1x1x16xf32>
        tpu.vector_store %arg8[%parallel_loop3A_483, %parallel_loop3A_484, %parallel_loop3A_485], %parallel_loop3A_488 {add = true, strides = array<i32>} : memref<4x4x1024xf32, #tpu.memory_space<vmem>>, vector<1x1x16xf32>,
        %parallel_loop3A_489 = arith.constant 0 : i32
        %parallel_loop3A_490 = arith.constant 16 : i32
        %parallel_loop3A_491 = arith.index_cast %parallel_loop3A_489 : i32 to index
        %parallel_loop3A_492 = arith.index_cast %parallel_loop3A_490 : i32 to index
        %parallel_loop3A_493 = arith.index_cast %parallel_loop3A_346 : i32 to index
        %parallel_loop3A_494 = tpu.vector_load %arg7[%parallel_loop3A_491, %parallel_loop3A_492, %parallel_loop3A_493] {strides = array<i32>} : memref<2x32x1024xf32, #tpu.memory_space<vmem>>, vector<1x1x16xf32>,
        %parallel_loop3A_495 = vector.shape_cast %parallel_loop3A_494 : vector<1x1x16xf32> to vector<16xf32>
        %parallel_loop3A_496 = arith.constant 0 : i32
        %parallel_loop3A_497 = arith.constant 17 : i32
        %parallel_loop3A_498 = arith.index_cast %parallel_loop3A_496 : i32 to index
        %parallel_loop3A_499 = arith.index_cast %parallel_loop3A_497 : i32 to index
        %parallel_loop3A_500 = arith.index_cast %parallel_loop3A_346 : i32 to index
        %parallel_loop3A_501 = tpu.vector_load %arg7[%parallel_loop3A_498, %parallel_loop3A_499, %parallel_loop3A_500] {strides = array<i32>} : memref<2x32x1024xf32, #tpu.memory_space<vmem>>, vector<1x1x16xf32>,
        %parallel_loop3A_502 = vector.shape_cast %parallel_loop3A_501 : vector<1x1x16xf32> to vector<16xf32>
        %parallel_loop3A_503 = arith.constant 0 : i32
        %parallel_loop3A_504 = arith.constant 18 : i32
        %parallel_loop3A_505 = arith.index_cast %parallel_loop3A_503 : i32 to index
        %parallel_loop3A_506 = arith.index_cast %parallel_loop3A_504 : i32 to index
        %parallel_loop3A_507 = arith.index_cast %parallel_loop3A_346 : i32 to index
        %parallel_loop3A_508 = tpu.vector_load %arg7[%parallel_loop3A_505, %parallel_loop3A_506, %parallel_loop3A_507] {strides = array<i32>} : memref<2x32x1024xf32, #tpu.memory_space<vmem>>, vector<1x1x16xf32>,
        %parallel_loop3A_509 = vector.shape_cast %parallel_loop3A_508 : vector<1x1x16xf32> to vector<16xf32>
        %parallel_loop3A_510 = arith.constant 0 : i32
        %parallel_loop3A_511 = arith.constant 19 : i32
        %parallel_loop3A_512 = arith.index_cast %parallel_loop3A_510 : i32 to index
        %parallel_loop3A_513 = arith.index_cast %parallel_loop3A_511 : i32 to index
        %parallel_loop3A_514 = arith.index_cast %parallel_loop3A_346 : i32 to index
        %parallel_loop3A_515 = tpu.vector_load %arg7[%parallel_loop3A_512, %parallel_loop3A_513, %parallel_loop3A_514] {strides = array<i32>} : memref<2x32x1024xf32, #tpu.memory_space<vmem>>, vector<1x1x16xf32>,
        %parallel_loop3A_516 = vector.shape_cast %parallel_loop3A_515 : vector<1x1x16xf32> to vector<16xf32>
        %parallel_loop3A_517 = arith.constant 0 : i32
        %parallel_loop3A_518 = arith.constant 20 : i32
        %parallel_loop3A_519 = arith.index_cast %parallel_loop3A_517 : i32 to index
        %parallel_loop3A_520 = arith.index_cast %parallel_loop3A_518 : i32 to index
        %parallel_loop3A_521 = arith.index_cast %parallel_loop3A_346 : i32 to index
        %parallel_loop3A_522 = tpu.vector_load %arg7[%parallel_loop3A_519, %parallel_loop3A_520, %parallel_loop3A_521] {strides = array<i32>} : memref<2x32x1024xf32, #tpu.memory_space<vmem>>, vector<1x1x16xf32>,
        %parallel_loop3A_523 = vector.shape_cast %parallel_loop3A_522 : vector<1x1x16xf32> to vector<16xf32>
        %parallel_loop3A_524 = arith.constant 0 : i32
        %parallel_loop3A_525 = arith.constant 21 : i32
        %parallel_loop3A_526 = arith.index_cast %parallel_loop3A_524 : i32 to index
        %parallel_loop3A_527 = arith.index_cast %parallel_loop3A_525 : i32 to index
        %parallel_loop3A_528 = arith.index_cast %parallel_loop3A_346 : i32 to index
        %parallel_loop3A_529 = tpu.vector_load %arg7[%parallel_loop3A_526, %parallel_loop3A_527, %parallel_loop3A_528] {strides = array<i32>} : memref<2x32x1024xf32, #tpu.memory_space<vmem>>, vector<1x1x16xf32>,
        %parallel_loop3A_530 = vector.shape_cast %parallel_loop3A_529 : vector<1x1x16xf32> to vector<16xf32>
        %parallel_loop3A_531 = arith.constant 0 : i32
        %parallel_loop3A_532 = arith.constant 22 : i32
        %parallel_loop3A_533 = arith.index_cast %parallel_loop3A_531 : i32 to index
        %parallel_loop3A_534 = arith.index_cast %parallel_loop3A_532 : i32 to index
        %parallel_loop3A_535 = arith.index_cast %parallel_loop3A_346 : i32 to index
        %parallel_loop3A_536 = tpu.vector_load %arg7[%parallel_loop3A_533, %parallel_loop3A_534, %parallel_loop3A_535] {strides = array<i32>} : memref<2x32x1024xf32, #tpu.memory_space<vmem>>, vector<1x1x16xf32>,
        %parallel_loop3A_537 = vector.shape_cast %parallel_loop3A_536 : vector<1x1x16xf32> to vector<16xf32>
        %parallel_loop3A_538 = arith.constant 0 : i32
        %parallel_loop3A_539 = arith.constant 23 : i32
        %parallel_loop3A_540 = arith.index_cast %parallel_loop3A_538 : i32 to index
        %parallel_loop3A_541 = arith.index_cast %parallel_loop3A_539 : i32 to index
        %parallel_loop3A_542 = arith.index_cast %parallel_loop3A_346 : i32 to index
        %parallel_loop3A_543 = tpu.vector_load %arg7[%parallel_loop3A_540, %parallel_loop3A_541, %parallel_loop3A_542] {strides = array<i32>} : memref<2x32x1024xf32, #tpu.memory_space<vmem>>, vector<1x1x16xf32>,
        %parallel_loop3A_544 = vector.shape_cast %parallel_loop3A_543 : vector<1x1x16xf32> to vector<16xf32>
        %parallel_loop3A_545 = arith.addf %parallel_loop3A_495, %parallel_loop3A_502 : vector<16xf32>
        %parallel_loop3A_546 = arith.addf %parallel_loop3A_509, %parallel_loop3A_516 : vector<16xf32>
        %parallel_loop3A_547 = arith.addf %parallel_loop3A_523, %parallel_loop3A_530 : vector<16xf32>
        %parallel_loop3A_548 = arith.addf %parallel_loop3A_537, %parallel_loop3A_544 : vector<16xf32>
        %parallel_loop3A_549 = arith.addf %parallel_loop3A_545, %parallel_loop3A_546 : vector<16xf32>
        %parallel_loop3A_550 = arith.addf %parallel_loop3A_547, %parallel_loop3A_548 : vector<16xf32>
        %parallel_loop3A_551 = arith.addf %parallel_loop3A_549, %parallel_loop3A_550 : vector<16xf32>
        %parallel_loop3A_552 = arith.constant 2 : i32
        %parallel_loop3A_553 = arith.constant 2 : i32
        %parallel_loop3A_554 = arith.index_cast %parallel_loop3A_552 : i32 to index
        %parallel_loop3A_555 = arith.index_cast %parallel_loop3A_553 : i32 to index
        %parallel_loop3A_556 = arith.index_cast %parallel_loop3A_346 : i32 to index
        %parallel_loop3A_557 = tpu.vector_load %arg8[%parallel_loop3A_554, %parallel_loop3A_555, %parallel_loop3A_556] {strides = array<i32>} : memref<4x4x1024xf32, #tpu.memory_space<vmem>>, vector<1x1x16xf32>,
        %parallel_loop3A_558 = vector.shape_cast %parallel_loop3A_557 : vector<1x1x16xf32> to vector<16xf32>
        %parallel_loop3A_559 = vector.shape_cast %parallel_loop3A_551 : vector<16xf32> to vector<1x1x16xf32>
        tpu.vector_store %arg8[%parallel_loop3A_554, %parallel_loop3A_555, %parallel_loop3A_556], %parallel_loop3A_559 {add = true, strides = array<i32>} : memref<4x4x1024xf32, #tpu.memory_space<vmem>>, vector<1x1x16xf32>,
        %parallel_loop3A_560 = arith.constant 0 : i32
        %parallel_loop3A_561 = arith.constant 24 : i32
        %parallel_loop3A_562 = arith.index_cast %parallel_loop3A_560 : i32 to index
        %parallel_loop3A_563 = arith.index_cast %parallel_loop3A_561 : i32 to index
        %parallel_loop3A_564 = arith.index_cast %parallel_loop3A_346 : i32 to index
        %parallel_loop3A_565 = tpu.vector_load %arg7[%parallel_loop3A_562, %parallel_loop3A_563, %parallel_loop3A_564] {strides = array<i32>} : memref<2x32x1024xf32, #tpu.memory_space<vmem>>, vector<1x1x16xf32>,
        %parallel_loop3A_566 = vector.shape_cast %parallel_loop3A_565 : vector<1x1x16xf32> to vector<16xf32>
        %parallel_loop3A_567 = arith.constant 0 : i32
        %parallel_loop3A_568 = arith.constant 25 : i32
        %parallel_loop3A_569 = arith.index_cast %parallel_loop3A_567 : i32 to index
        %parallel_loop3A_570 = arith.index_cast %parallel_loop3A_568 : i32 to index
        %parallel_loop3A_571 = arith.index_cast %parallel_loop3A_346 : i32 to index
        %parallel_loop3A_572 = tpu.vector_load %arg7[%parallel_loop3A_569, %parallel_loop3A_570, %parallel_loop3A_571] {strides = array<i32>} : memref<2x32x1024xf32, #tpu.memory_space<vmem>>, vector<1x1x16xf32>,
        %parallel_loop3A_573 = vector.shape_cast %parallel_loop3A_572 : vector<1x1x16xf32> to vector<16xf32>
        %parallel_loop3A_574 = arith.constant 0 : i32
        %parallel_loop3A_575 = arith.constant 26 : i32
        %parallel_loop3A_576 = arith.index_cast %parallel_loop3A_574 : i32 to index
        %parallel_loop3A_577 = arith.index_cast %parallel_loop3A_575 : i32 to index
        %parallel_loop3A_578 = arith.index_cast %parallel_loop3A_346 : i32 to index
        %parallel_loop3A_579 = tpu.vector_load %arg7[%parallel_loop3A_576, %parallel_loop3A_577, %parallel_loop3A_578] {strides = array<i32>} : memref<2x32x1024xf32, #tpu.memory_space<vmem>>, vector<1x1x16xf32>,
        %parallel_loop3A_580 = vector.shape_cast %parallel_loop3A_579 : vector<1x1x16xf32> to vector<16xf32>
        %parallel_loop3A_581 = arith.constant 0 : i32
        %parallel_loop3A_582 = arith.constant 27 : i32
        %parallel_loop3A_583 = arith.index_cast %parallel_loop3A_581 : i32 to index
        %parallel_loop3A_584 = arith.index_cast %parallel_loop3A_582 : i32 to index
        %parallel_loop3A_585 = arith.index_cast %parallel_loop3A_346 : i32 to index
        %parallel_loop3A_586 = tpu.vector_load %arg7[%parallel_loop3A_583, %parallel_loop3A_584, %parallel_loop3A_585] {strides = array<i32>} : memref<2x32x1024xf32, #tpu.memory_space<vmem>>, vector<1x1x16xf32>,
        %parallel_loop3A_587 = vector.shape_cast %parallel_loop3A_586 : vector<1x1x16xf32> to vector<16xf32>
        %parallel_loop3A_588 = arith.constant 0 : i32
        %parallel_loop3A_589 = arith.constant 28 : i32
        %parallel_loop3A_590 = arith.index_cast %parallel_loop3A_588 : i32 to index
        %parallel_loop3A_591 = arith.index_cast %parallel_loop3A_589 : i32 to index
        %parallel_loop3A_592 = arith.index_cast %parallel_loop3A_346 : i32 to index
        %parallel_loop3A_593 = tpu.vector_load %arg7[%parallel_loop3A_590, %parallel_loop3A_591, %parallel_loop3A_592] {strides = array<i32>} : memref<2x32x1024xf32, #tpu.memory_space<vmem>>, vector<1x1x16xf32>,
        %parallel_loop3A_594 = vector.shape_cast %parallel_loop3A_593 : vector<1x1x16xf32> to vector<16xf32>
        %parallel_loop3A_595 = arith.constant 0 : i32
        %parallel_loop3A_596 = arith.constant 29 : i32
        %parallel_loop3A_597 = arith.index_cast %parallel_loop3A_595 : i32 to index
        %parallel_loop3A_598 = arith.index_cast %parallel_loop3A_596 : i32 to index
        %parallel_loop3A_599 = arith.index_cast %parallel_loop3A_346 : i32 to index
        %parallel_loop3A_600 = tpu.vector_load %arg7[%parallel_loop3A_597, %parallel_loop3A_598, %parallel_loop3A_599] {strides = array<i32>} : memref<2x32x1024xf32, #tpu.memory_space<vmem>>, vector<1x1x16xf32>,
        %parallel_loop3A_601 = vector.shape_cast %parallel_loop3A_600 : vector<1x1x16xf32> to vector<16xf32>
        %parallel_loop3A_602 = arith.constant 0 : i32
        %parallel_loop3A_603 = arith.constant 30 : i32
        %parallel_loop3A_604 = arith.index_cast %parallel_loop3A_602 : i32 to index
        %parallel_loop3A_605 = arith.index_cast %parallel_loop3A_603 : i32 to index
        %parallel_loop3A_606 = arith.index_cast %parallel_loop3A_346 : i32 to index
        %parallel_loop3A_607 = tpu.vector_load %arg7[%parallel_loop3A_604, %parallel_loop3A_605, %parallel_loop3A_606] {strides = array<i32>} : memref<2x32x1024xf32, #tpu.memory_space<vmem>>, vector<1x1x16xf32>,
        %parallel_loop3A_608 = vector.shape_cast %parallel_loop3A_607 : vector<1x1x16xf32> to vector<16xf32>
        %parallel_loop3A_609 = arith.constant 0 : i32
        %parallel_loop3A_610 = arith.constant 31 : i32
        %parallel_loop3A_611 = arith.index_cast %parallel_loop3A_609 : i32 to index
        %parallel_loop3A_612 = arith.index_cast %parallel_loop3A_610 : i32 to index
        %parallel_loop3A_613 = arith.index_cast %parallel_loop3A_346 : i32 to index
        %parallel_loop3A_614 = tpu.vector_load %arg7[%parallel_loop3A_611, %parallel_loop3A_612, %parallel_loop3A_613] {strides = array<i32>} : memref<2x32x1024xf32, #tpu.memory_space<vmem>>, vector<1x1x16xf32>,
        %parallel_loop3A_615 = vector.shape_cast %parallel_loop3A_614 : vector<1x1x16xf32> to vector<16xf32>
        %parallel_loop3A_616 = arith.addf %parallel_loop3A_566, %parallel_loop3A_573 : vector<16xf32>
        %parallel_loop3A_617 = arith.addf %parallel_loop3A_580, %parallel_loop3A_587 : vector<16xf32>
        %parallel_loop3A_618 = arith.addf %parallel_loop3A_594, %parallel_loop3A_601 : vector<16xf32>
        %parallel_loop3A_619 = arith.addf %parallel_loop3A_608, %parallel_loop3A_615 : vector<16xf32>
        %parallel_loop3A_620 = arith.addf %parallel_loop3A_616, %parallel_loop3A_617 : vector<16xf32>
        %parallel_loop3A_621 = arith.addf %parallel_loop3A_618, %parallel_loop3A_619 : vector<16xf32>
        %parallel_loop3A_622 = arith.addf %parallel_loop3A_620, %parallel_loop3A_621 : vector<16xf32>
        %parallel_loop3A_623 = arith.constant 2 : i32
        %parallel_loop3A_624 = arith.constant 3 : i32
        %parallel_loop3A_625 = arith.index_cast %parallel_loop3A_623 : i32 to index
        %parallel_loop3A_626 = arith.index_cast %parallel_loop3A_624 : i32 to index
        %parallel_loop3A_627 = arith.index_cast %parallel_loop3A_346 : i32 to index
        %parallel_loop3A_628 = tpu.vector_load %arg8[%parallel_loop3A_625, %parallel_loop3A_626, %parallel_loop3A_627] {strides = array<i32>} : memref<4x4x1024xf32, #tpu.memory_space<vmem>>, vector<1x1x16xf32>,
        %parallel_loop3A_629 = vector.shape_cast %parallel_loop3A_628 : vector<1x1x16xf32> to vector<16xf32>
        %parallel_loop3A_630 = vector.shape_cast %parallel_loop3A_622 : vector<16xf32> to vector<1x1x16xf32>
        tpu.vector_store %arg8[%parallel_loop3A_625, %parallel_loop3A_626, %parallel_loop3A_627], %parallel_loop3A_630 {add = true, strides = array<i32>} : memref<4x4x1024xf32, #tpu.memory_space<vmem>>, vector<1x1x16xf32>,
      } {sc.loop_unroll_factor = 2 : i64, sc.parallel_access}
      %mul3A_266 = arith.constant 4 : i32
      %mul3A_267 = arith.muli %add3A_235, %mul3A_266 : i32
      %add3A_268 = arith.addi %mul3A_2, %mul3A_267 : i32
      %dma_start3A_269 = arith.constant 2 : i32
      %dma_start3A_270 = arith.constant 0 : i32
      %dma_start3A_271 = arith.constant 0 : i32
      %dma_start3A_272 = tpu.memref_slice %arg8[%dma_start3A_269, %dma_start3A_270, %dma_start3A_271] : memref<4x4x1024xf32, #tpu.memory_space<vmem>> -> memref<1x4x1024xf32, #tpu.memory_space<vmem>>
      %dma_start3A_273 = tpu.memref_squeeze %dma_start3A_272 : memref<1x4x1024xf32, #tpu.memory_space<vmem>> -> memref<4x1024xf32, #tpu.memory_space<vmem>>
      %dma_start3A_274 = arith.constant 0 : i32
      %dma_start3A_275 = tpu.memref_slice %arg5[%add3A_268, %dma_start3A_274] : memref<16384x1024xf32, #tpu.memory_space<hbm>> -> memref<4x1024xf32, #tpu.memory_space<hbm>>
      %dma_start3A_276 = arith.constant 0 : i32
      %dma_start3A_277 = tpu.memref_slice %arg5[%add3A_268, %dma_start3A_276] : memref<16384x1024xf32, #tpu.memory_space<hbm>> -> memref<4x1024xf32, #tpu.memory_space<hbm>>
      %dma_start3A_278 = arith.constant 0 : i32
      %dma_start3A_279 = arith.constant 0 : i32
      %dma_start3A_280 = tpu.memref_slice %arg8[%dma_start3A_269, %dma_start3A_278, %dma_start3A_279] : memref<4x4x1024xf32, #tpu.memory_space<vmem>> -> memref<1x4x1024xf32, #tpu.memory_space<vmem>>
      %dma_start3A_281 = tpu.memref_squeeze %dma_start3A_280 : memref<1x4x1024xf32, #tpu.memory_space<vmem>> -> memref<4x1024xf32, #tpu.memory_space<vmem>>
      tpu.enqueue_dma source(%dma_start3A_281 : memref<4x1024xf32, #tpu.memory_space<vmem>>) target(%dma_start3A_277 : memref<4x1024xf32, #tpu.memory_space<hbm>>) target_semaphore(%arg17 : memref<!tpu.dma_semaphore, #tpu.memory_space<semaphore_mem>>)
      %add3A_282 = arith.constant 2 : i32
      %add3A_283 = arith.addi %add3A_235, %add3A_282 : i32
      %lt3A_284 = arith.constant 128 : i32
      %lt3A_285 = arith.cmpi slt, %add3A_283, %lt3A_284 : i32
      %convert_element_type3A_286 = arith.extui %lt3A_285 : i1 to i32
      %cond3A_287 = arith.constant 0 : i32
      %cond3A_288 = arith.cmpi ne, %convert_element_type3A_286, %cond3A_287 : i32
      scf.if %cond3A_288 {
        %dma_start3A_344 = arith.constant 0 : i32
        %dma_start3A_345 = arith.constant 0 : i32
        %dma_start3A_346 = arith.constant 0 : i32
        %dma_start3A_347 = tpu.memref_slice %arg7[%dma_start3A_344, %dma_start3A_345, %dma_start3A_346] : memref<2x32x1024xf32, #tpu.memory_space<vmem>> -> memref<1x32x1024xf32, #tpu.memory_space<vmem>>
        %dma_start3A_348 = tpu.memref_squeeze %dma_start3A_347 : memref<1x32x1024xf32, #tpu.memory_space<vmem>> -> memref<32x1024xf32, #tpu.memory_space<vmem>>
        %dma_start3A_349 = arith.constant 0 : i32
        %dma_start3A_350 = tpu.memref_slice %arg6[%add3A_283, %dma_start3A_349] : memref<128x32xi32, #tpu.memory_space<vmem>> -> memref<1x32xi32, #tpu.memory_space<vmem>>
        %dma_start3A_351 = tpu.memref_squeeze %dma_start3A_350 : memref<1x32xi32, #tpu.memory_space<vmem>> -> memref<32xi32, #tpu.memory_space<vmem>>
        %dma_start3A_352 = arith.constant 0 : i32
        %dma_start3A_353 = arith.constant 0 : i32
        %dma_start3A_354 = tpu.memref_slice %arg2[%dma_start3A_352, %dma_start3A_353] : memref<8200x1024xf32, #tpu.memory_space<hbm>> -> memref<8200x1024xf32, #tpu.memory_space<hbm>>
        tpu.enqueue_indirect_dma source(%dma_start3A_354 : memref<8200x1024xf32, #tpu.memory_space<hbm>>) target(%dma_start3A_348 : memref<32x1024xf32, #tpu.memory_space<vmem>>) offsets(%dma_start3A_351 : memref<32xi32, #tpu.memory_space<vmem>>) semaphore(%arg9 : memref<!tpu.dma_semaphore, #tpu.memory_space<semaphore_mem>>)
        %ge3A = arith.constant 4 : i32
        %ge3A_355 = arith.cmpi sge, %add3A_283, %ge3A : i32
        %convert_element_type3A_356 = arith.extui %ge3A_355 : i1 to i32
        %cond3A_357 = arith.constant 0 : i32
        %cond3A_358 = arith.cmpi ne, %convert_element_type3A_356, %cond3A_357 : i32
        scf.if %cond3A_358 {
          %dma_wait3A_377 = arith.constant 0 : i32
          %dma_wait3A_378 = arith.constant 0 : i32
          %dma_wait3A_379 = arith.constant 0 : i32
          %dma_wait3A_380 = tpu.memref_slice %arg8[%dma_wait3A_377, %dma_wait3A_378, %dma_wait3A_379] : memref<4x4x1024xf32, #tpu.memory_space<vmem>> -> memref<1x4x1024xf32, #tpu.memory_space<vmem>>
          %dma_wait3A_381 = tpu.memref_squeeze %dma_wait3A_380 : memref<1x4x1024xf32, #tpu.memory_space<vmem>> -> memref<4x1024xf32, #tpu.memory_space<vmem>>
          %dma_wait3A_382 = arith.constant 0 : i32
          %dma_wait3A_383 = arith.constant 0 : i32
          %dma_wait3A_384 = tpu.memref_slice %arg5[%dma_wait3A_382, %dma_wait3A_383] : memref<16384x1024xf32, #tpu.memory_space<hbm>> -> memref<4x1024xf32, #tpu.memory_space<hbm>>
          %dma_wait3A_385 = arith.constant 0 : i32
          %dma_wait3A_386 = arith.constant 0 : i32
          %dma_wait3A_387 = tpu.memref_slice %arg5[%dma_wait3A_385, %dma_wait3A_386] : memref<16384x1024xf32, #tpu.memory_space<hbm>> -> memref<4x1024xf32, #tpu.memory_space<hbm>>
          %dma_wait3A_388 = arith.constant 0 : i32
          %dma_wait3A_389 = arith.constant 0 : i32
          %dma_wait3A_390 = tpu.memref_slice %arg8[%dma_wait3A_377, %dma_wait3A_388, %dma_wait3A_389] : memref<4x4x1024xf32, #tpu.memory_space<vmem>> -> memref<1x4x1024xf32, #tpu.memory_space<vmem>>
          %dma_wait3A_391 = tpu.memref_squeeze %dma_wait3A_390 : memref<1x4x1024xf32, #tpu.memory_space<vmem>> -> memref<4x1024xf32, #tpu.memory_space<vmem>>
          tpu.wait_dma2 semaphore(%arg15 : memref<!tpu.dma_semaphore, #tpu.memory_space<semaphore_mem>>) src(%dma_wait3A_391 : memref<4x1024xf32, #tpu.memory_space<vmem>>) dst(%dma_wait3A_387 : memref<4x1024xf32, #tpu.memory_space<hbm>>)
        } else {
        }
        %mul3A_359 = arith.constant 4 : i32
        %mul3A_360 = arith.muli %add3A_283, %mul3A_359 : i32
        %add3A_361 = arith.addi %mul3A_2, %mul3A_360 : i32
        %rem3A_362 = arith.constant 2048 : i32
        %rem3A_363 = arith.remsi %add3A_361, %rem3A_362 : i32
        %dma_start3A_364 = arith.constant 0 : i32
        %dma_start3A_365 = arith.constant 0 : i32
        %dma_start3A_366 = arith.constant 0 : i32
        %dma_start3A_367 = tpu.memref_slice %arg8[%dma_start3A_364, %dma_start3A_365, %dma_start3A_366] : memref<4x4x1024xf32, #tpu.memory_space<vmem>> -> memref<1x4x1024xf32, #tpu.memory_space<vmem>>
        %dma_start3A_368 = tpu.memref_squeeze %dma_start3A_367 : memref<1x4x1024xf32, #tpu.memory_space<vmem>> -> memref<4x1024xf32, #tpu.memory_space<vmem>>
        %dma_start3A_369 = arith.constant 0 : i32
        %dma_start3A_370 = tpu.memref_slice %arg4[%rem3A_363, %dma_start3A_369] : memref<8192x1024xf32, #tpu.memory_space<hbm>> -> memref<4x1024xf32, #tpu.memory_space<hbm>>
        %dma_start3A_371 = arith.constant 0 : i32
        %dma_start3A_372 = arith.constant 0 : i32
        %dma_start3A_373 = tpu.memref_slice %arg8[%dma_start3A_364, %dma_start3A_371, %dma_start3A_372] : memref<4x4x1024xf32, #tpu.memory_space<vmem>> -> memref<1x4x1024xf32, #tpu.memory_space<vmem>>
        %dma_start3A_374 = tpu.memref_squeeze %dma_start3A_373 : memref<1x4x1024xf32, #tpu.memory_space<vmem>> -> memref<4x1024xf32, #tpu.memory_space<vmem>>
        %dma_start3A_375 = arith.constant 0 : i32
        %dma_start3A_376 = tpu.memref_slice %arg4[%rem3A_363, %dma_start3A_375] : memref<8192x1024xf32, #tpu.memory_space<hbm>> -> memref<4x1024xf32, #tpu.memory_space<hbm>>
        tpu.enqueue_dma source(%dma_start3A_376 : memref<4x1024xf32, #tpu.memory_space<hbm>>) target(%dma_start3A_374 : memref<4x1024xf32, #tpu.memory_space<vmem>>) target_semaphore(%arg11 : memref<!tpu.dma_semaphore, #tpu.memory_space<semaphore_mem>>)
      } else {
      }
      %add3A_289 = arith.constant 3 : i32
      %add3A_290 = arith.addi %mul3A_127, %add3A_289 : i32
      %dma_wait3A_291 = arith.constant 0 : i32
      %dma_wait3A_292 = arith.constant 1 : i32
      %dma_wait3A_293 = arith.constant 0 : i32
      %dma_wait3A_294 = arith.constant 0 : i32
      %dma_wait3A_295 = tpu.memref_slice %arg7[%dma_wait3A_292, %dma_wait3A_293, %dma_wait3A_294] : memref<2x32x1024xf32, #tpu.memory_space<vmem>> -> memref<1x32x1024xf32, #tpu.memory_space<vmem>>
      %dma_wait3A_296 = tpu.memref_squeeze %dma_wait3A_295 : memref<1x32x1024xf32, #tpu.memory_space<vmem>> -> memref<32x1024xf32, #tpu.memory_space<vmem>>
      %dma_wait3A_297 = arith.constant 0 : i32
      %dma_wait3A_298 = tpu.memref_slice %arg6[%dma_wait3A_291, %dma_wait3A_297] : memref<128x32xi32, #tpu.memory_space<vmem>> -> memref<1x32xi32, #tpu.memory_space<vmem>>
      %dma_wait3A_299 = tpu.memref_squeeze %dma_wait3A_298 : memref<1x32xi32, #tpu.memory_space<vmem>> -> memref<32xi32, #tpu.memory_space<vmem>>
      %dma_wait3A_300 = arith.constant 0 : i32
      %dma_wait3A_301 = arith.constant 0 : i32
      %dma_wait3A_302 = tpu.memref_slice %arg2[%dma_wait3A_300, %dma_wait3A_301] : memref<8200x1024xf32, #tpu.memory_space<hbm>> -> memref<8200x1024xf32, #tpu.memory_space<hbm>>
      tpu.wait_indirect_dma semaphore(%arg10 : memref<!tpu.dma_semaphore, #tpu.memory_space<semaphore_mem>>) src(%dma_wait3A_302 : memref<8200x1024xf32, #tpu.memory_space<hbm>>) dst(%dma_wait3A_296 : memref<32x1024xf32, #tpu.memory_space<vmem>>)
      %dma_wait3A_303 = arith.constant 3 : i32
      %dma_wait3A_304 = arith.constant 0 : i32
      %dma_wait3A_305 = arith.constant 0 : i32
      %dma_wait3A_306 = tpu.memref_slice %arg8[%dma_wait3A_303, %dma_wait3A_304, %dma_wait3A_305] : memref<4x4x1024xf32, #tpu.memory_space<vmem>> -> memref<1x4x1024xf32, #tpu.memory_space<vmem>>
      %dma_wait3A_307 = tpu.memref_squeeze %dma_wait3A_306 : memref<1x4x1024xf32, #tpu.memory_space<vmem>> -> memref<4x1024xf32, #tpu.memory_space<vmem>>
      %dma_wait3A_308 = arith.constant 0 : i32
      %dma_wait3A_309 = arith.constant 0 : i32
      %dma_wait3A_310 = tpu.memref_slice %arg4[%dma_wait3A_308, %dma_wait3A_309] : memref<8192x1024xf32, #tpu.memory_space<hbm>> -> memref<4x1024xf32, #tpu.memory_space<hbm>>
      %dma_wait3A_311 = arith.constant 0 : i32
      %dma_wait3A_312 = arith.constant 0 : i32
      %dma_wait3A_313 = tpu.memref_slice %arg8[%dma_wait3A_303, %dma_wait3A_311, %dma_wait3A_312] : memref<4x4x1024xf32, #tpu.memory_space<vmem>> -> memref<1x4x1024xf32, #tpu.memory_space<vmem>>
      %dma_wait3A_314 = tpu.memref_squeeze %dma_wait3A_313 : memref<1x4x1024xf32, #tpu.memory_space<vmem>> -> memref<4x1024xf32, #tpu.memory_space<vmem>>
      %dma_wait3A_315 = arith.constant 0 : i32
      %dma_wait3A_316 = arith.constant 0 : i32
      %dma_wait3A_317 = tpu.memref_slice %arg4[%dma_wait3A_315, %dma_wait3A_316] : memref<8192x1024xf32, #tpu.memory_space<hbm>> -> memref<4x1024xf32, #tpu.memory_space<hbm>>
      tpu.wait_dma2 semaphore(%arg14 : memref<!tpu.dma_semaphore, #tpu.memory_space<semaphore_mem>>) src(%dma_wait3A_317 : memref<4x1024xf32, #tpu.memory_space<hbm>>) dst(%dma_wait3A_314 : memref<4x1024xf32, #tpu.memory_space<vmem>>)
      %parallel_loop3A_318 = arith.constant 0 : i32
      %parallel_loop3A_319 = arith.constant 64 : i32
      %parallel_loop3A_320 = arith.constant 1 : i32
      scf.for %parallel_loop3A_344 = %parallel_loop3A_318 to %parallel_loop3A_319 step %parallel_loop3A_320  : i32 {
        %parallel_loop3A_345 = arith.constant 16 : i32
        %parallel_loop3A_346 = arith.muli %parallel_loop3A_344, %parallel_loop3A_345 : i32
        %parallel_loop3A_347 = arith.constant 1 : i32
        %parallel_loop3A_348 = arith.constant 0 : i32
        %parallel_loop3A_349 = arith.index_cast %parallel_loop3A_347 : i32 to index
        %parallel_loop3A_350 = arith.index_cast %parallel_loop3A_348 : i32 to index
        %parallel_loop3A_351 = arith.index_cast %parallel_loop3A_346 : i32 to index
        %parallel_loop3A_352 = tpu.vector_load %arg7[%parallel_loop3A_349, %parallel_loop3A_350, %parallel_loop3A_351] {strides = array<i32>} : memref<2x32x1024xf32, #tpu.memory_space<vmem>>, vector<1x1x16xf32>,
        %parallel_loop3A_353 = vector.shape_cast %parallel_loop3A_352 : vector<1x1x16xf32> to vector<16xf32>
        %parallel_loop3A_354 = arith.constant 1 : i32
        %parallel_loop3A_355 = arith.constant 1 : i32
        %parallel_loop3A_356 = arith.index_cast %parallel_loop3A_354 : i32 to index
        %parallel_loop3A_357 = arith.index_cast %parallel_loop3A_355 : i32 to index
        %parallel_loop3A_358 = arith.index_cast %parallel_loop3A_346 : i32 to index
        %parallel_loop3A_359 = tpu.vector_load %arg7[%parallel_loop3A_356, %parallel_loop3A_357, %parallel_loop3A_358] {strides = array<i32>} : memref<2x32x1024xf32, #tpu.memory_space<vmem>>, vector<1x1x16xf32>,
        %parallel_loop3A_360 = vector.shape_cast %parallel_loop3A_359 : vector<1x1x16xf32> to vector<16xf32>
        %parallel_loop3A_361 = arith.constant 1 : i32
        %parallel_loop3A_362 = arith.constant 2 : i32
        %parallel_loop3A_363 = arith.index_cast %parallel_loop3A_361 : i32 to index
        %parallel_loop3A_364 = arith.index_cast %parallel_loop3A_362 : i32 to index
        %parallel_loop3A_365 = arith.index_cast %parallel_loop3A_346 : i32 to index
        %parallel_loop3A_366 = tpu.vector_load %arg7[%parallel_loop3A_363, %parallel_loop3A_364, %parallel_loop3A_365] {strides = array<i32>} : memref<2x32x1024xf32, #tpu.memory_space<vmem>>, vector<1x1x16xf32>,
        %parallel_loop3A_367 = vector.shape_cast %parallel_loop3A_366 : vector<1x1x16xf32> to vector<16xf32>
        %parallel_loop3A_368 = arith.constant 1 : i32
        %parallel_loop3A_369 = arith.constant 3 : i32
        %parallel_loop3A_370 = arith.index_cast %parallel_loop3A_368 : i32 to index
        %parallel_loop3A_371 = arith.index_cast %parallel_loop3A_369 : i32 to index
        %parallel_loop3A_372 = arith.index_cast %parallel_loop3A_346 : i32 to index
        %parallel_loop3A_373 = tpu.vector_load %arg7[%parallel_loop3A_370, %parallel_loop3A_371, %parallel_loop3A_372] {strides = array<i32>} : memref<2x32x1024xf32, #tpu.memory_space<vmem>>, vector<1x1x16xf32>,
        %parallel_loop3A_374 = vector.shape_cast %parallel_loop3A_373 : vector<1x1x16xf32> to vector<16xf32>
        %parallel_loop3A_375 = arith.constant 1 : i32
        %parallel_loop3A_376 = arith.constant 4 : i32
        %parallel_loop3A_377 = arith.index_cast %parallel_loop3A_375 : i32 to index
        %parallel_loop3A_378 = arith.index_cast %parallel_loop3A_376 : i32 to index
        %parallel_loop3A_379 = arith.index_cast %parallel_loop3A_346 : i32 to index
        %parallel_loop3A_380 = tpu.vector_load %arg7[%parallel_loop3A_377, %parallel_loop3A_378, %parallel_loop3A_379] {strides = array<i32>} : memref<2x32x1024xf32, #tpu.memory_space<vmem>>, vector<1x1x16xf32>,
        %parallel_loop3A_381 = vector.shape_cast %parallel_loop3A_380 : vector<1x1x16xf32> to vector<16xf32>
        %parallel_loop3A_382 = arith.constant 1 : i32
        %parallel_loop3A_383 = arith.constant 5 : i32
        %parallel_loop3A_384 = arith.index_cast %parallel_loop3A_382 : i32 to index
        %parallel_loop3A_385 = arith.index_cast %parallel_loop3A_383 : i32 to index
        %parallel_loop3A_386 = arith.index_cast %parallel_loop3A_346 : i32 to index
        %parallel_loop3A_387 = tpu.vector_load %arg7[%parallel_loop3A_384, %parallel_loop3A_385, %parallel_loop3A_386] {strides = array<i32>} : memref<2x32x1024xf32, #tpu.memory_space<vmem>>, vector<1x1x16xf32>,
        %parallel_loop3A_388 = vector.shape_cast %parallel_loop3A_387 : vector<1x1x16xf32> to vector<16xf32>
        %parallel_loop3A_389 = arith.constant 1 : i32
        %parallel_loop3A_390 = arith.constant 6 : i32
        %parallel_loop3A_391 = arith.index_cast %parallel_loop3A_389 : i32 to index
        %parallel_loop3A_392 = arith.index_cast %parallel_loop3A_390 : i32 to index
        %parallel_loop3A_393 = arith.index_cast %parallel_loop3A_346 : i32 to index
        %parallel_loop3A_394 = tpu.vector_load %arg7[%parallel_loop3A_391, %parallel_loop3A_392, %parallel_loop3A_393] {strides = array<i32>} : memref<2x32x1024xf32, #tpu.memory_space<vmem>>, vector<1x1x16xf32>,
        %parallel_loop3A_395 = vector.shape_cast %parallel_loop3A_394 : vector<1x1x16xf32> to vector<16xf32>
        %parallel_loop3A_396 = arith.constant 1 : i32
        %parallel_loop3A_397 = arith.constant 7 : i32
        %parallel_loop3A_398 = arith.index_cast %parallel_loop3A_396 : i32 to index
        %parallel_loop3A_399 = arith.index_cast %parallel_loop3A_397 : i32 to index
        %parallel_loop3A_400 = arith.index_cast %parallel_loop3A_346 : i32 to index
        %parallel_loop3A_401 = tpu.vector_load %arg7[%parallel_loop3A_398, %parallel_loop3A_399, %parallel_loop3A_400] {strides = array<i32>} : memref<2x32x1024xf32, #tpu.memory_space<vmem>>, vector<1x1x16xf32>,
        %parallel_loop3A_402 = vector.shape_cast %parallel_loop3A_401 : vector<1x1x16xf32> to vector<16xf32>
        %parallel_loop3A_403 = arith.addf %parallel_loop3A_353, %parallel_loop3A_360 : vector<16xf32>
        %parallel_loop3A_404 = arith.addf %parallel_loop3A_367, %parallel_loop3A_374 : vector<16xf32>
        %parallel_loop3A_405 = arith.addf %parallel_loop3A_381, %parallel_loop3A_388 : vector<16xf32>
        %parallel_loop3A_406 = arith.addf %parallel_loop3A_395, %parallel_loop3A_402 : vector<16xf32>
        %parallel_loop3A_407 = arith.addf %parallel_loop3A_403, %parallel_loop3A_404 : vector<16xf32>
        %parallel_loop3A_408 = arith.addf %parallel_loop3A_405, %parallel_loop3A_406 : vector<16xf32>
        %parallel_loop3A_409 = arith.addf %parallel_loop3A_407, %parallel_loop3A_408 : vector<16xf32>
        %parallel_loop3A_410 = arith.constant 3 : i32
        %parallel_loop3A_411 = arith.constant 0 : i32
        %parallel_loop3A_412 = arith.index_cast %parallel_loop3A_410 : i32 to index
        %parallel_loop3A_413 = arith.index_cast %parallel_loop3A_411 : i32 to index
        %parallel_loop3A_414 = arith.index_cast %parallel_loop3A_346 : i32 to index
        %parallel_loop3A_415 = tpu.vector_load %arg8[%parallel_loop3A_412, %parallel_loop3A_413, %parallel_loop3A_414] {strides = array<i32>} : memref<4x4x1024xf32, #tpu.memory_space<vmem>>, vector<1x1x16xf32>,
        %parallel_loop3A_416 = vector.shape_cast %parallel_loop3A_415 : vector<1x1x16xf32> to vector<16xf32>
        %parallel_loop3A_417 = vector.shape_cast %parallel_loop3A_409 : vector<16xf32> to vector<1x1x16xf32>
        tpu.vector_store %arg8[%parallel_loop3A_412, %parallel_loop3A_413, %parallel_loop3A_414], %parallel_loop3A_417 {add = true, strides = array<i32>} : memref<4x4x1024xf32, #tpu.memory_space<vmem>>, vector<1x1x16xf32>,
        %parallel_loop3A_418 = arith.constant 1 : i32
        %parallel_loop3A_419 = arith.constant 8 : i32
        %parallel_loop3A_420 = arith.index_cast %parallel_loop3A_418 : i32 to index
        %parallel_loop3A_421 = arith.index_cast %parallel_loop3A_419 : i32 to index
        %parallel_loop3A_422 = arith.index_cast %parallel_loop3A_346 : i32 to index
        %parallel_loop3A_423 = tpu.vector_load %arg7[%parallel_loop3A_420, %parallel_loop3A_421, %parallel_loop3A_422] {strides = array<i32>} : memref<2x32x1024xf32, #tpu.memory_space<vmem>>, vector<1x1x16xf32>,
        %parallel_loop3A_424 = vector.shape_cast %parallel_loop3A_423 : vector<1x1x16xf32> to vector<16xf32>
        %parallel_loop3A_425 = arith.constant 1 : i32
        %parallel_loop3A_426 = arith.constant 9 : i32
        %parallel_loop3A_427 = arith.index_cast %parallel_loop3A_425 : i32 to index
        %parallel_loop3A_428 = arith.index_cast %parallel_loop3A_426 : i32 to index
        %parallel_loop3A_429 = arith.index_cast %parallel_loop3A_346 : i32 to index
        %parallel_loop3A_430 = tpu.vector_load %arg7[%parallel_loop3A_427, %parallel_loop3A_428, %parallel_loop3A_429] {strides = array<i32>} : memref<2x32x1024xf32, #tpu.memory_space<vmem>>, vector<1x1x16xf32>,
        %parallel_loop3A_431 = vector.shape_cast %parallel_loop3A_430 : vector<1x1x16xf32> to vector<16xf32>
        %parallel_loop3A_432 = arith.constant 1 : i32
        %parallel_loop3A_433 = arith.constant 10 : i32
        %parallel_loop3A_434 = arith.index_cast %parallel_loop3A_432 : i32 to index
        %parallel_loop3A_435 = arith.index_cast %parallel_loop3A_433 : i32 to index
        %parallel_loop3A_436 = arith.index_cast %parallel_loop3A_346 : i32 to index
        %parallel_loop3A_437 = tpu.vector_load %arg7[%parallel_loop3A_434, %parallel_loop3A_435, %parallel_loop3A_436] {strides = array<i32>} : memref<2x32x1024xf32, #tpu.memory_space<vmem>>, vector<1x1x16xf32>,
        %parallel_loop3A_438 = vector.shape_cast %parallel_loop3A_437 : vector<1x1x16xf32> to vector<16xf32>
        %parallel_loop3A_439 = arith.constant 1 : i32
        %parallel_loop3A_440 = arith.constant 11 : i32
        %parallel_loop3A_441 = arith.index_cast %parallel_loop3A_439 : i32 to index
        %parallel_loop3A_442 = arith.index_cast %parallel_loop3A_440 : i32 to index
        %parallel_loop3A_443 = arith.index_cast %parallel_loop3A_346 : i32 to index
        %parallel_loop3A_444 = tpu.vector_load %arg7[%parallel_loop3A_441, %parallel_loop3A_442, %parallel_loop3A_443] {strides = array<i32>} : memref<2x32x1024xf32, #tpu.memory_space<vmem>>, vector<1x1x16xf32>,
        %parallel_loop3A_445 = vector.shape_cast %parallel_loop3A_444 : vector<1x1x16xf32> to vector<16xf32>
        %parallel_loop3A_446 = arith.constant 1 : i32
        %parallel_loop3A_447 = arith.constant 12 : i32
        %parallel_loop3A_448 = arith.index_cast %parallel_loop3A_446 : i32 to index
        %parallel_loop3A_449 = arith.index_cast %parallel_loop3A_447 : i32 to index
        %parallel_loop3A_450 = arith.index_cast %parallel_loop3A_346 : i32 to index
        %parallel_loop3A_451 = tpu.vector_load %arg7[%parallel_loop3A_448, %parallel_loop3A_449, %parallel_loop3A_450] {strides = array<i32>} : memref<2x32x1024xf32, #tpu.memory_space<vmem>>, vector<1x1x16xf32>,
        %parallel_loop3A_452 = vector.shape_cast %parallel_loop3A_451 : vector<1x1x16xf32> to vector<16xf32>
        %parallel_loop3A_453 = arith.constant 1 : i32
        %parallel_loop3A_454 = arith.constant 13 : i32
        %parallel_loop3A_455 = arith.index_cast %parallel_loop3A_453 : i32 to index
        %parallel_loop3A_456 = arith.index_cast %parallel_loop3A_454 : i32 to index
        %parallel_loop3A_457 = arith.index_cast %parallel_loop3A_346 : i32 to index
        %parallel_loop3A_458 = tpu.vector_load %arg7[%parallel_loop3A_455, %parallel_loop3A_456, %parallel_loop3A_457] {strides = array<i32>} : memref<2x32x1024xf32, #tpu.memory_space<vmem>>, vector<1x1x16xf32>,
        %parallel_loop3A_459 = vector.shape_cast %parallel_loop3A_458 : vector<1x1x16xf32> to vector<16xf32>
        %parallel_loop3A_460 = arith.constant 1 : i32
        %parallel_loop3A_461 = arith.constant 14 : i32
        %parallel_loop3A_462 = arith.index_cast %parallel_loop3A_460 : i32 to index
        %parallel_loop3A_463 = arith.index_cast %parallel_loop3A_461 : i32 to index
        %parallel_loop3A_464 = arith.index_cast %parallel_loop3A_346 : i32 to index
        %parallel_loop3A_465 = tpu.vector_load %arg7[%parallel_loop3A_462, %parallel_loop3A_463, %parallel_loop3A_464] {strides = array<i32>} : memref<2x32x1024xf32, #tpu.memory_space<vmem>>, vector<1x1x16xf32>,
        %parallel_loop3A_466 = vector.shape_cast %parallel_loop3A_465 : vector<1x1x16xf32> to vector<16xf32>
        %parallel_loop3A_467 = arith.constant 1 : i32
        %parallel_loop3A_468 = arith.constant 15 : i32
        %parallel_loop3A_469 = arith.index_cast %parallel_loop3A_467 : i32 to index
        %parallel_loop3A_470 = arith.index_cast %parallel_loop3A_468 : i32 to index
        %parallel_loop3A_471 = arith.index_cast %parallel_loop3A_346 : i32 to index
        %parallel_loop3A_472 = tpu.vector_load %arg7[%parallel_loop3A_469, %parallel_loop3A_470, %parallel_loop3A_471] {strides = array<i32>} : memref<2x32x1024xf32, #tpu.memory_space<vmem>>, vector<1x1x16xf32>,
        %parallel_loop3A_473 = vector.shape_cast %parallel_loop3A_472 : vector<1x1x16xf32> to vector<16xf32>
        %parallel_loop3A_474 = arith.addf %parallel_loop3A_424, %parallel_loop3A_431 : vector<16xf32>
        %parallel_loop3A_475 = arith.addf %parallel_loop3A_438, %parallel_loop3A_445 : vector<16xf32>
        %parallel_loop3A_476 = arith.addf %parallel_loop3A_452, %parallel_loop3A_459 : vector<16xf32>
        %parallel_loop3A_477 = arith.addf %parallel_loop3A_466, %parallel_loop3A_473 : vector<16xf32>
        %parallel_loop3A_478 = arith.addf %parallel_loop3A_474, %parallel_loop3A_475 : vector<16xf32>
        %parallel_loop3A_479 = arith.addf %parallel_loop3A_476, %parallel_loop3A_477 : vector<16xf32>
        %parallel_loop3A_480 = arith.addf %parallel_loop3A_478, %parallel_loop3A_479 : vector<16xf32>
        %parallel_loop3A_481 = arith.constant 3 : i32
        %parallel_loop3A_482 = arith.constant 1 : i32
        %parallel_loop3A_483 = arith.index_cast %parallel_loop3A_481 : i32 to index
        %parallel_loop3A_484 = arith.index_cast %parallel_loop3A_482 : i32 to index
        %parallel_loop3A_485 = arith.index_cast %parallel_loop3A_346 : i32 to index
        %parallel_loop3A_486 = tpu.vector_load %arg8[%parallel_loop3A_483, %parallel_loop3A_484, %parallel_loop3A_485] {strides = array<i32>} : memref<4x4x1024xf32, #tpu.memory_space<vmem>>, vector<1x1x16xf32>,
        %parallel_loop3A_487 = vector.shape_cast %parallel_loop3A_486 : vector<1x1x16xf32> to vector<16xf32>
        %parallel_loop3A_488 = vector.shape_cast %parallel_loop3A_480 : vector<16xf32> to vector<1x1x16xf32>
        tpu.vector_store %arg8[%parallel_loop3A_483, %parallel_loop3A_484, %parallel_loop3A_485], %parallel_loop3A_488 {add = true, strides = array<i32>} : memref<4x4x1024xf32, #tpu.memory_space<vmem>>, vector<1x1x16xf32>,
        %parallel_loop3A_489 = arith.constant 1 : i32
        %parallel_loop3A_490 = arith.constant 16 : i32
        %parallel_loop3A_491 = arith.index_cast %parallel_loop3A_489 : i32 to index
        %parallel_loop3A_492 = arith.index_cast %parallel_loop3A_490 : i32 to index
        %parallel_loop3A_493 = arith.index_cast %parallel_loop3A_346 : i32 to index
        %parallel_loop3A_494 = tpu.vector_load %arg7[%parallel_loop3A_491, %parallel_loop3A_492, %parallel_loop3A_493] {strides = array<i32>} : memref<2x32x1024xf32, #tpu.memory_space<vmem>>, vector<1x1x16xf32>,
        %parallel_loop3A_495 = vector.shape_cast %parallel_loop3A_494 : vector<1x1x16xf32> to vector<16xf32>
        %parallel_loop3A_496 = arith.constant 1 : i32
        %parallel_loop3A_497 = arith.constant 17 : i32
        %parallel_loop3A_498 = arith.index_cast %parallel_loop3A_496 : i32 to index
        %parallel_loop3A_499 = arith.index_cast %parallel_loop3A_497 : i32 to index
        %parallel_loop3A_500 = arith.index_cast %parallel_loop3A_346 : i32 to index
        %parallel_loop3A_501 = tpu.vector_load %arg7[%parallel_loop3A_498, %parallel_loop3A_499, %parallel_loop3A_500] {strides = array<i32>} : memref<2x32x1024xf32, #tpu.memory_space<vmem>>, vector<1x1x16xf32>,
        %parallel_loop3A_502 = vector.shape_cast %parallel_loop3A_501 : vector<1x1x16xf32> to vector<16xf32>
        %parallel_loop3A_503 = arith.constant 1 : i32
        %parallel_loop3A_504 = arith.constant 18 : i32
        %parallel_loop3A_505 = arith.index_cast %parallel_loop3A_503 : i32 to index
        %parallel_loop3A_506 = arith.index_cast %parallel_loop3A_504 : i32 to index
        %parallel_loop3A_507 = arith.index_cast %parallel_loop3A_346 : i32 to index
        %parallel_loop3A_508 = tpu.vector_load %arg7[%parallel_loop3A_505, %parallel_loop3A_506, %parallel_loop3A_507] {strides = array<i32>} : memref<2x32x1024xf32, #tpu.memory_space<vmem>>, vector<1x1x16xf32>,
        %parallel_loop3A_509 = vector.shape_cast %parallel_loop3A_508 : vector<1x1x16xf32> to vector<16xf32>
        %parallel_loop3A_510 = arith.constant 1 : i32
        %parallel_loop3A_511 = arith.constant 19 : i32
        %parallel_loop3A_512 = arith.index_cast %parallel_loop3A_510 : i32 to index
        %parallel_loop3A_513 = arith.index_cast %parallel_loop3A_511 : i32 to index
        %parallel_loop3A_514 = arith.index_cast %parallel_loop3A_346 : i32 to index
        %parallel_loop3A_515 = tpu.vector_load %arg7[%parallel_loop3A_512, %parallel_loop3A_513, %parallel_loop3A_514] {strides = array<i32>} : memref<2x32x1024xf32, #tpu.memory_space<vmem>>, vector<1x1x16xf32>,
        %parallel_loop3A_516 = vector.shape_cast %parallel_loop3A_515 : vector<1x1x16xf32> to vector<16xf32>
        %parallel_loop3A_517 = arith.constant 1 : i32
        %parallel_loop3A_518 = arith.constant 20 : i32
        %parallel_loop3A_519 = arith.index_cast %parallel_loop3A_517 : i32 to index
        %parallel_loop3A_520 = arith.index_cast %parallel_loop3A_518 : i32 to index
        %parallel_loop3A_521 = arith.index_cast %parallel_loop3A_346 : i32 to index
        %parallel_loop3A_522 = tpu.vector_load %arg7[%parallel_loop3A_519, %parallel_loop3A_520, %parallel_loop3A_521] {strides = array<i32>} : memref<2x32x1024xf32, #tpu.memory_space<vmem>>, vector<1x1x16xf32>,
        %parallel_loop3A_523 = vector.shape_cast %parallel_loop3A_522 : vector<1x1x16xf32> to vector<16xf32>
        %parallel_loop3A_524 = arith.constant 1 : i32
        %parallel_loop3A_525 = arith.constant 21 : i32
        %parallel_loop3A_526 = arith.index_cast %parallel_loop3A_524 : i32 to index
        %parallel_loop3A_527 = arith.index_cast %parallel_loop3A_525 : i32 to index
        %parallel_loop3A_528 = arith.index_cast %parallel_loop3A_346 : i32 to index
        %parallel_loop3A_529 = tpu.vector_load %arg7[%parallel_loop3A_526, %parallel_loop3A_527, %parallel_loop3A_528] {strides = array<i32>} : memref<2x32x1024xf32, #tpu.memory_space<vmem>>, vector<1x1x16xf32>,
        %parallel_loop3A_530 = vector.shape_cast %parallel_loop3A_529 : vector<1x1x16xf32> to vector<16xf32>
        %parallel_loop3A_531 = arith.constant 1 : i32
        %parallel_loop3A_532 = arith.constant 22 : i32
        %parallel_loop3A_533 = arith.index_cast %parallel_loop3A_531 : i32 to index
        %parallel_loop3A_534 = arith.index_cast %parallel_loop3A_532 : i32 to index
        %parallel_loop3A_535 = arith.index_cast %parallel_loop3A_346 : i32 to index
        %parallel_loop3A_536 = tpu.vector_load %arg7[%parallel_loop3A_533, %parallel_loop3A_534, %parallel_loop3A_535] {strides = array<i32>} : memref<2x32x1024xf32, #tpu.memory_space<vmem>>, vector<1x1x16xf32>,
        %parallel_loop3A_537 = vector.shape_cast %parallel_loop3A_536 : vector<1x1x16xf32> to vector<16xf32>
        %parallel_loop3A_538 = arith.constant 1 : i32
        %parallel_loop3A_539 = arith.constant 23 : i32
        %parallel_loop3A_540 = arith.index_cast %parallel_loop3A_538 : i32 to index
        %parallel_loop3A_541 = arith.index_cast %parallel_loop3A_539 : i32 to index
        %parallel_loop3A_542 = arith.index_cast %parallel_loop3A_346 : i32 to index
        %parallel_loop3A_543 = tpu.vector_load %arg7[%parallel_loop3A_540, %parallel_loop3A_541, %parallel_loop3A_542] {strides = array<i32>} : memref<2x32x1024xf32, #tpu.memory_space<vmem>>, vector<1x1x16xf32>,
        %parallel_loop3A_544 = vector.shape_cast %parallel_loop3A_543 : vector<1x1x16xf32> to vector<16xf32>
        %parallel_loop3A_545 = arith.addf %parallel_loop3A_495, %parallel_loop3A_502 : vector<16xf32>
        %parallel_loop3A_546 = arith.addf %parallel_loop3A_509, %parallel_loop3A_516 : vector<16xf32>
        %parallel_loop3A_547 = arith.addf %parallel_loop3A_523, %parallel_loop3A_530 : vector<16xf32>
        %parallel_loop3A_548 = arith.addf %parallel_loop3A_537, %parallel_loop3A_544 : vector<16xf32>
        %parallel_loop3A_549 = arith.addf %parallel_loop3A_545, %parallel_loop3A_546 : vector<16xf32>
        %parallel_loop3A_550 = arith.addf %parallel_loop3A_547, %parallel_loop3A_548 : vector<16xf32>
        %parallel_loop3A_551 = arith.addf %parallel_loop3A_549, %parallel_loop3A_550 : vector<16xf32>
        %parallel_loop3A_552 = arith.constant 3 : i32
        %parallel_loop3A_553 = arith.constant 2 : i32
        %parallel_loop3A_554 = arith.index_cast %parallel_loop3A_552 : i32 to index
        %parallel_loop3A_555 = arith.index_cast %parallel_loop3A_553 : i32 to index
        %parallel_loop3A_556 = arith.index_cast %parallel_loop3A_346 : i32 to index
        %parallel_loop3A_557 = tpu.vector_load %arg8[%parallel_loop3A_554, %parallel_loop3A_555, %parallel_loop3A_556] {strides = array<i32>} : memref<4x4x1024xf32, #tpu.memory_space<vmem>>, vector<1x1x16xf32>,
        %parallel_loop3A_558 = vector.shape_cast %parallel_loop3A_557 : vector<1x1x16xf32> to vector<16xf32>
        %parallel_loop3A_559 = vector.shape_cast %parallel_loop3A_551 : vector<16xf32> to vector<1x1x16xf32>
        tpu.vector_store %arg8[%parallel_loop3A_554, %parallel_loop3A_555, %parallel_loop3A_556], %parallel_loop3A_559 {add = true, strides = array<i32>} : memref<4x4x1024xf32, #tpu.memory_space<vmem>>, vector<1x1x16xf32>,
        %parallel_loop3A_560 = arith.constant 1 : i32
        %parallel_loop3A_561 = arith.constant 24 : i32
        %parallel_loop3A_562 = arith.index_cast %parallel_loop3A_560 : i32 to index
        %parallel_loop3A_563 = arith.index_cast %parallel_loop3A_561 : i32 to index
        %parallel_loop3A_564 = arith.index_cast %parallel_loop3A_346 : i32 to index
        %parallel_loop3A_565 = tpu.vector_load %arg7[%parallel_loop3A_562, %parallel_loop3A_563, %parallel_loop3A_564] {strides = array<i32>} : memref<2x32x1024xf32, #tpu.memory_space<vmem>>, vector<1x1x16xf32>,
        %parallel_loop3A_566 = vector.shape_cast %parallel_loop3A_565 : vector<1x1x16xf32> to vector<16xf32>
        %parallel_loop3A_567 = arith.constant 1 : i32
        %parallel_loop3A_568 = arith.constant 25 : i32
        %parallel_loop3A_569 = arith.index_cast %parallel_loop3A_567 : i32 to index
        %parallel_loop3A_570 = arith.index_cast %parallel_loop3A_568 : i32 to index
        %parallel_loop3A_571 = arith.index_cast %parallel_loop3A_346 : i32 to index
        %parallel_loop3A_572 = tpu.vector_load %arg7[%parallel_loop3A_569, %parallel_loop3A_570, %parallel_loop3A_571] {strides = array<i32>} : memref<2x32x1024xf32, #tpu.memory_space<vmem>>, vector<1x1x16xf32>,
        %parallel_loop3A_573 = vector.shape_cast %parallel_loop3A_572 : vector<1x1x16xf32> to vector<16xf32>
        %parallel_loop3A_574 = arith.constant 1 : i32
        %parallel_loop3A_575 = arith.constant 26 : i32
        %parallel_loop3A_576 = arith.index_cast %parallel_loop3A_574 : i32 to index
        %parallel_loop3A_577 = arith.index_cast %parallel_loop3A_575 : i32 to index
        %parallel_loop3A_578 = arith.index_cast %parallel_loop3A_346 : i32 to index
        %parallel_loop3A_579 = tpu.vector_load %arg7[%parallel_loop3A_576, %parallel_loop3A_577, %parallel_loop3A_578] {strides = array<i32>} : memref<2x32x1024xf32, #tpu.memory_space<vmem>>, vector<1x1x16xf32>,
        %parallel_loop3A_580 = vector.shape_cast %parallel_loop3A_579 : vector<1x1x16xf32> to vector<16xf32>
        %parallel_loop3A_581 = arith.constant 1 : i32
        %parallel_loop3A_582 = arith.constant 27 : i32
        %parallel_loop3A_583 = arith.index_cast %parallel_loop3A_581 : i32 to index
        %parallel_loop3A_584 = arith.index_cast %parallel_loop3A_582 : i32 to index
        %parallel_loop3A_585 = arith.index_cast %parallel_loop3A_346 : i32 to index
        %parallel_loop3A_586 = tpu.vector_load %arg7[%parallel_loop3A_583, %parallel_loop3A_584, %parallel_loop3A_585] {strides = array<i32>} : memref<2x32x1024xf32, #tpu.memory_space<vmem>>, vector<1x1x16xf32>,
        %parallel_loop3A_587 = vector.shape_cast %parallel_loop3A_586 : vector<1x1x16xf32> to vector<16xf32>
        %parallel_loop3A_588 = arith.constant 1 : i32
        %parallel_loop3A_589 = arith.constant 28 : i32
        %parallel_loop3A_590 = arith.index_cast %parallel_loop3A_588 : i32 to index
        %parallel_loop3A_591 = arith.index_cast %parallel_loop3A_589 : i32 to index
        %parallel_loop3A_592 = arith.index_cast %parallel_loop3A_346 : i32 to index
        %parallel_loop3A_593 = tpu.vector_load %arg7[%parallel_loop3A_590, %parallel_loop3A_591, %parallel_loop3A_592] {strides = array<i32>} : memref<2x32x1024xf32, #tpu.memory_space<vmem>>, vector<1x1x16xf32>,
        %parallel_loop3A_594 = vector.shape_cast %parallel_loop3A_593 : vector<1x1x16xf32> to vector<16xf32>
        %parallel_loop3A_595 = arith.constant 1 : i32
        %parallel_loop3A_596 = arith.constant 29 : i32
        %parallel_loop3A_597 = arith.index_cast %parallel_loop3A_595 : i32 to index
        %parallel_loop3A_598 = arith.index_cast %parallel_loop3A_596 : i32 to index
        %parallel_loop3A_599 = arith.index_cast %parallel_loop3A_346 : i32 to index
        %parallel_loop3A_600 = tpu.vector_load %arg7[%parallel_loop3A_597, %parallel_loop3A_598, %parallel_loop3A_599] {strides = array<i32>} : memref<2x32x1024xf32, #tpu.memory_space<vmem>>, vector<1x1x16xf32>,
        %parallel_loop3A_601 = vector.shape_cast %parallel_loop3A_600 : vector<1x1x16xf32> to vector<16xf32>
        %parallel_loop3A_602 = arith.constant 1 : i32
        %parallel_loop3A_603 = arith.constant 30 : i32
        %parallel_loop3A_604 = arith.index_cast %parallel_loop3A_602 : i32 to index
        %parallel_loop3A_605 = arith.index_cast %parallel_loop3A_603 : i32 to index
        %parallel_loop3A_606 = arith.index_cast %parallel_loop3A_346 : i32 to index
        %parallel_loop3A_607 = tpu.vector_load %arg7[%parallel_loop3A_604, %parallel_loop3A_605, %parallel_loop3A_606] {strides = array<i32>} : memref<2x32x1024xf32, #tpu.memory_space<vmem>>, vector<1x1x16xf32>,
        %parallel_loop3A_608 = vector.shape_cast %parallel_loop3A_607 : vector<1x1x16xf32> to vector<16xf32>
        %parallel_loop3A_609 = arith.constant 1 : i32
        %parallel_loop3A_610 = arith.constant 31 : i32
        %parallel_loop3A_611 = arith.index_cast %parallel_loop3A_609 : i32 to index
        %parallel_loop3A_612 = arith.index_cast %parallel_loop3A_610 : i32 to index
        %parallel_loop3A_613 = arith.index_cast %parallel_loop3A_346 : i32 to index
        %parallel_loop3A_614 = tpu.vector_load %arg7[%parallel_loop3A_611, %parallel_loop3A_612, %parallel_loop3A_613] {strides = array<i32>} : memref<2x32x1024xf32, #tpu.memory_space<vmem>>, vector<1x1x16xf32>,
        %parallel_loop3A_615 = vector.shape_cast %parallel_loop3A_614 : vector<1x1x16xf32> to vector<16xf32>
        %parallel_loop3A_616 = arith.addf %parallel_loop3A_566, %parallel_loop3A_573 : vector<16xf32>
        %parallel_loop3A_617 = arith.addf %parallel_loop3A_580, %parallel_loop3A_587 : vector<16xf32>
        %parallel_loop3A_618 = arith.addf %parallel_loop3A_594, %parallel_loop3A_601 : vector<16xf32>
        %parallel_loop3A_619 = arith.addf %parallel_loop3A_608, %parallel_loop3A_615 : vector<16xf32>
        %parallel_loop3A_620 = arith.addf %parallel_loop3A_616, %parallel_loop3A_617 : vector<16xf32>
        %parallel_loop3A_621 = arith.addf %parallel_loop3A_618, %parallel_loop3A_619 : vector<16xf32>
        %parallel_loop3A_622 = arith.addf %parallel_loop3A_620, %parallel_loop3A_621 : vector<16xf32>
        %parallel_loop3A_623 = arith.constant 3 : i32
        %parallel_loop3A_624 = arith.constant 3 : i32
        %parallel_loop3A_625 = arith.index_cast %parallel_loop3A_623 : i32 to index
        %parallel_loop3A_626 = arith.index_cast %parallel_loop3A_624 : i32 to index
        %parallel_loop3A_627 = arith.index_cast %parallel_loop3A_346 : i32 to index
        %parallel_loop3A_628 = tpu.vector_load %arg8[%parallel_loop3A_625, %parallel_loop3A_626, %parallel_loop3A_627] {strides = array<i32>} : memref<4x4x1024xf32, #tpu.memory_space<vmem>>, vector<1x1x16xf32>,
        %parallel_loop3A_629 = vector.shape_cast %parallel_loop3A_628 : vector<1x1x16xf32> to vector<16xf32>
        %parallel_loop3A_630 = vector.shape_cast %parallel_loop3A_622 : vector<16xf32> to vector<1x1x16xf32>
        tpu.vector_store %arg8[%parallel_loop3A_625, %parallel_loop3A_626, %parallel_loop3A_627], %parallel_loop3A_630 {add = true, strides = array<i32>} : memref<4x4x1024xf32, #tpu.memory_space<vmem>>, vector<1x1x16xf32>,
      } {sc.loop_unroll_factor = 2 : i64, sc.parallel_access}
      %mul3A_321 = arith.constant 4 : i32
      %mul3A_322 = arith.muli %add3A_290, %mul3A_321 : i32
      %add3A_323 = arith.addi %mul3A_2, %mul3A_322 : i32
      %dma_start3A_324 = arith.constant 3 : i32
      %dma_start3A_325 = arith.constant 0 : i32
      %dma_start3A_326 = arith.constant 0 : i32
      %dma_start3A_327 = tpu.memref_slice %arg8[%dma_start3A_324, %dma_start3A_325, %dma_start3A_326] : memref<4x4x1024xf32, #tpu.memory_space<vmem>> -> memref<1x4x1024xf32, #tpu.memory_space<vmem>>
      %dma_start3A_328 = tpu.memref_squeeze %dma_start3A_327 : memref<1x4x1024xf32, #tpu.memory_space<vmem>> -> memref<4x1024xf32, #tpu.memory_space<vmem>>
      %dma_start3A_329 = arith.constant 0 : i32
      %dma_start3A_330 = tpu.memref_slice %arg5[%add3A_323, %dma_start3A_329] : memref<16384x1024xf32, #tpu.memory_space<hbm>> -> memref<4x1024xf32, #tpu.memory_space<hbm>>
      %dma_start3A_331 = arith.constant 0 : i32
      %dma_start3A_332 = tpu.memref_slice %arg5[%add3A_323, %dma_start3A_331] : memref<16384x1024xf32, #tpu.memory_space<hbm>> -> memref<4x1024xf32, #tpu.memory_space<hbm>>
      %dma_start3A_333 = arith.constant 0 : i32
      %dma_start3A_334 = arith.constant 0 : i32
      %dma_start3A_335 = tpu.memref_slice %arg8[%dma_start3A_324, %dma_start3A_333, %dma_start3A_334] : memref<4x4x1024xf32, #tpu.memory_space<vmem>> -> memref<1x4x1024xf32, #tpu.memory_space<vmem>>
      %dma_start3A_336 = tpu.memref_squeeze %dma_start3A_335 : memref<1x4x1024xf32, #tpu.memory_space<vmem>> -> memref<4x1024xf32, #tpu.memory_space<vmem>>
      tpu.enqueue_dma source(%dma_start3A_336 : memref<4x1024xf32, #tpu.memory_space<vmem>>) target(%dma_start3A_332 : memref<4x1024xf32, #tpu.memory_space<hbm>>) target_semaphore(%arg18 : memref<!tpu.dma_semaphore, #tpu.memory_space<semaphore_mem>>)
      %add3A_337 = arith.constant 2 : i32
      %add3A_338 = arith.addi %add3A_290, %add3A_337 : i32
      %lt3A_339 = arith.constant 128 : i32
      %lt3A_340 = arith.cmpi slt, %add3A_338, %lt3A_339 : i32
      %convert_element_type3A_341 = arith.extui %lt3A_340 : i1 to i32
      %cond3A_342 = arith.constant 0 : i32
      %cond3A_343 = arith.cmpi ne, %convert_element_type3A_341, %cond3A_342 : i32
      scf.if %cond3A_343 {
        %dma_start3A_344 = arith.constant 1 : i32
        %dma_start3A_345 = arith.constant 0 : i32
        %dma_start3A_346 = arith.constant 0 : i32
        %dma_start3A_347 = tpu.memref_slice %arg7[%dma_start3A_344, %dma_start3A_345, %dma_start3A_346] : memref<2x32x1024xf32, #tpu.memory_space<vmem>> -> memref<1x32x1024xf32, #tpu.memory_space<vmem>>
        %dma_start3A_348 = tpu.memref_squeeze %dma_start3A_347 : memref<1x32x1024xf32, #tpu.memory_space<vmem>> -> memref<32x1024xf32, #tpu.memory_space<vmem>>
        %dma_start3A_349 = arith.constant 0 : i32
        %dma_start3A_350 = tpu.memref_slice %arg6[%add3A_338, %dma_start3A_349] : memref<128x32xi32, #tpu.memory_space<vmem>> -> memref<1x32xi32, #tpu.memory_space<vmem>>
        %dma_start3A_351 = tpu.memref_squeeze %dma_start3A_350 : memref<1x32xi32, #tpu.memory_space<vmem>> -> memref<32xi32, #tpu.memory_space<vmem>>
        %dma_start3A_352 = arith.constant 0 : i32
        %dma_start3A_353 = arith.constant 0 : i32
        %dma_start3A_354 = tpu.memref_slice %arg2[%dma_start3A_352, %dma_start3A_353] : memref<8200x1024xf32, #tpu.memory_space<hbm>> -> memref<8200x1024xf32, #tpu.memory_space<hbm>>
        tpu.enqueue_indirect_dma source(%dma_start3A_354 : memref<8200x1024xf32, #tpu.memory_space<hbm>>) target(%dma_start3A_348 : memref<32x1024xf32, #tpu.memory_space<vmem>>) offsets(%dma_start3A_351 : memref<32xi32, #tpu.memory_space<vmem>>) semaphore(%arg10 : memref<!tpu.dma_semaphore, #tpu.memory_space<semaphore_mem>>)
        %ge3A = arith.constant 4 : i32
        %ge3A_355 = arith.cmpi sge, %add3A_338, %ge3A : i32
        %convert_element_type3A_356 = arith.extui %ge3A_355 : i1 to i32
        %cond3A_357 = arith.constant 0 : i32
        %cond3A_358 = arith.cmpi ne, %convert_element_type3A_356, %cond3A_357 : i32
        scf.if %cond3A_358 {
          %dma_wait3A_377 = arith.constant 1 : i32
          %dma_wait3A_378 = arith.constant 0 : i32
          %dma_wait3A_379 = arith.constant 0 : i32
          %dma_wait3A_380 = tpu.memref_slice %arg8[%dma_wait3A_377, %dma_wait3A_378, %dma_wait3A_379] : memref<4x4x1024xf32, #tpu.memory_space<vmem>> -> memref<1x4x1024xf32, #tpu.memory_space<vmem>>
          %dma_wait3A_381 = tpu.memref_squeeze %dma_wait3A_380 : memref<1x4x1024xf32, #tpu.memory_space<vmem>> -> memref<4x1024xf32, #tpu.memory_space<vmem>>
          %dma_wait3A_382 = arith.constant 0 : i32
          %dma_wait3A_383 = arith.constant 0 : i32
          %dma_wait3A_384 = tpu.memref_slice %arg5[%dma_wait3A_382, %dma_wait3A_383] : memref<16384x1024xf32, #tpu.memory_space<hbm>> -> memref<4x1024xf32, #tpu.memory_space<hbm>>
          %dma_wait3A_385 = arith.constant 0 : i32
          %dma_wait3A_386 = arith.constant 0 : i32
          %dma_wait3A_387 = tpu.memref_slice %arg5[%dma_wait3A_385, %dma_wait3A_386] : memref<16384x1024xf32, #tpu.memory_space<hbm>> -> memref<4x1024xf32, #tpu.memory_space<hbm>>
          %dma_wait3A_388 = arith.constant 0 : i32
          %dma_wait3A_389 = arith.constant 0 : i32
          %dma_wait3A_390 = tpu.memref_slice %arg8[%dma_wait3A_377, %dma_wait3A_388, %dma_wait3A_389] : memref<4x4x1024xf32, #tpu.memory_space<vmem>> -> memref<1x4x1024xf32, #tpu.memory_space<vmem>>
          %dma_wait3A_391 = tpu.memref_squeeze %dma_wait3A_390 : memref<1x4x1024xf32, #tpu.memory_space<vmem>> -> memref<4x1024xf32, #tpu.memory_space<vmem>>
          tpu.wait_dma2 semaphore(%arg16 : memref<!tpu.dma_semaphore, #tpu.memory_space<semaphore_mem>>) src(%dma_wait3A_391 : memref<4x1024xf32, #tpu.memory_space<vmem>>) dst(%dma_wait3A_387 : memref<4x1024xf32, #tpu.memory_space<hbm>>)
        } else {
        }
        %mul3A_359 = arith.constant 4 : i32
        %mul3A_360 = arith.muli %add3A_338, %mul3A_359 : i32
        %add3A_361 = arith.addi %mul3A_2, %mul3A_360 : i32
        %rem3A_362 = arith.constant 2048 : i32
        %rem3A_363 = arith.remsi %add3A_361, %rem3A_362 : i32
        %dma_start3A_364 = arith.constant 1 : i32
        %dma_start3A_365 = arith.constant 0 : i32
        %dma_start3A_366 = arith.constant 0 : i32
        %dma_start3A_367 = tpu.memref_slice %arg8[%dma_start3A_364, %dma_start3A_365, %dma_start3A_366] : memref<4x4x1024xf32, #tpu.memory_space<vmem>> -> memref<1x4x1024xf32, #tpu.memory_space<vmem>>
        %dma_start3A_368 = tpu.memref_squeeze %dma_start3A_367 : memref<1x4x1024xf32, #tpu.memory_space<vmem>> -> memref<4x1024xf32, #tpu.memory_space<vmem>>
        %dma_start3A_369 = arith.constant 0 : i32
        %dma_start3A_370 = tpu.memref_slice %arg4[%rem3A_363, %dma_start3A_369] : memref<8192x1024xf32, #tpu.memory_space<hbm>> -> memref<4x1024xf32, #tpu.memory_space<hbm>>
        %dma_start3A_371 = arith.constant 0 : i32
        %dma_start3A_372 = arith.constant 0 : i32
        %dma_start3A_373 = tpu.memref_slice %arg8[%dma_start3A_364, %dma_start3A_371, %dma_start3A_372] : memref<4x4x1024xf32, #tpu.memory_space<vmem>> -> memref<1x4x1024xf32, #tpu.memory_space<vmem>>
        %dma_start3A_374 = tpu.memref_squeeze %dma_start3A_373 : memref<1x4x1024xf32, #tpu.memory_space<vmem>> -> memref<4x1024xf32, #tpu.memory_space<vmem>>
        %dma_start3A_375 = arith.constant 0 : i32
        %dma_start3A_376 = tpu.memref_slice %arg4[%rem3A_363, %dma_start3A_375] : memref<8192x1024xf32, #tpu.memory_space<hbm>> -> memref<4x1024xf32, #tpu.memory_space<hbm>>
        tpu.enqueue_dma source(%dma_start3A_376 : memref<4x1024xf32, #tpu.memory_space<hbm>>) target(%dma_start3A_374 : memref<4x1024xf32, #tpu.memory_space<vmem>>) target_semaphore(%arg12 : memref<!tpu.dma_semaphore, #tpu.memory_space<semaphore_mem>>)
      } else {
      }
    }
    %scan3A_65 = arith.constant 32 : i32
    %dma_wait3A = arith.constant 0 : i32
    %dma_wait3A_66 = arith.constant 0 : i32
    %dma_wait3A_67 = arith.constant 0 : i32
    %dma_wait3A_68 = tpu.memref_slice %arg8[%dma_wait3A, %dma_wait3A_66, %dma_wait3A_67] : memref<4x4x1024xf32, #tpu.memory_space<vmem>> -> memref<1x4x1024xf32, #tpu.memory_space<vmem>>
    %dma_wait3A_69 = tpu.memref_squeeze %dma_wait3A_68 : memref<1x4x1024xf32, #tpu.memory_space<vmem>> -> memref<4x1024xf32, #tpu.memory_space<vmem>>
    %dma_wait3A_70 = arith.constant 0 : i32
    %dma_wait3A_71 = arith.constant 0 : i32
    %dma_wait3A_72 = tpu.memref_slice %arg5[%dma_wait3A_70, %dma_wait3A_71] : memref<16384x1024xf32, #tpu.memory_space<hbm>> -> memref<4x1024xf32, #tpu.memory_space<hbm>>
    %dma_wait3A_73 = arith.constant 0 : i32
    %dma_wait3A_74 = arith.constant 0 : i32
    %dma_wait3A_75 = tpu.memref_slice %arg5[%dma_wait3A_73, %dma_wait3A_74] : memref<16384x1024xf32, #tpu.memory_space<hbm>> -> memref<4x1024xf32, #tpu.memory_space<hbm>>
    %dma_wait3A_76 = arith.constant 0 : i32
    %dma_wait3A_77 = arith.constant 0 : i32
    %dma_wait3A_78 = tpu.memref_slice %arg8[%dma_wait3A, %dma_wait3A_76, %dma_wait3A_77] : memref<4x4x1024xf32, #tpu.memory_space<vmem>> -> memref<1x4x1024xf32, #tpu.memory_space<vmem>>
    %dma_wait3A_79 = tpu.memref_squeeze %dma_wait3A_78 : memref<1x4x1024xf32, #tpu.memory_space<vmem>> -> memref<4x1024xf32, #tpu.memory_space<vmem>>
    tpu.wait_dma2 semaphore(%arg15 : memref<!tpu.dma_semaphore, #tpu.memory_space<semaphore_mem>>) src(%dma_wait3A_79 : memref<4x1024xf32, #tpu.memory_space<vmem>>) dst(%dma_wait3A_75 : memref<4x1024xf32, #tpu.memory_space<hbm>>)
    %dma_wait3A_80 = arith.constant 1 : i32
    %dma_wait3A_81 = arith.constant 0 : i32
    %dma_wait3A_82 = arith.constant 0 : i32
    %dma_wait3A_83 = tpu.memref_slice %arg8[%dma_wait3A_80, %dma_wait3A_81, %dma_wait3A_82] : memref<4x4x1024xf32, #tpu.memory_space<vmem>> -> memref<1x4x1024xf32, #tpu.memory_space<vmem>>
    %dma_wait3A_84 = tpu.memref_squeeze %dma_wait3A_83 : memref<1x4x1024xf32, #tpu.memory_space<vmem>> -> memref<4x1024xf32, #tpu.memory_space<vmem>>
    %dma_wait3A_85 = arith.constant 0 : i32
    %dma_wait3A_86 = arith.constant 0 : i32
    %dma_wait3A_87 = tpu.memref_slice %arg5[%dma_wait3A_85, %dma_wait3A_86] : memref<16384x1024xf32, #tpu.memory_space<hbm>> -> memref<4x1024xf32, #tpu.memory_space<hbm>>
    %dma_wait3A_88 = arith.constant 0 : i32
    %dma_wait3A_89 = arith.constant 0 : i32
    %dma_wait3A_90 = tpu.memref_slice %arg5[%dma_wait3A_88, %dma_wait3A_89] : memref<16384x1024xf32, #tpu.memory_space<hbm>> -> memref<4x1024xf32, #tpu.memory_space<hbm>>
    %dma_wait3A_91 = arith.constant 0 : i32
    %dma_wait3A_92 = arith.constant 0 : i32
    %dma_wait3A_93 = tpu.memref_slice %arg8[%dma_wait3A_80, %dma_wait3A_91, %dma_wait3A_92] : memref<4x4x1024xf32, #tpu.memory_space<vmem>> -> memref<1x4x1024xf32, #tpu.memory_space<vmem>>
    %dma_wait3A_94 = tpu.memref_squeeze %dma_wait3A_93 : memref<1x4x1024xf32, #tpu.memory_space<vmem>> -> memref<4x1024xf32, #tpu.memory_space<vmem>>
    tpu.wait_dma2 semaphore(%arg16 : memref<!tpu.dma_semaphore, #tpu.memory_space<semaphore_mem>>) src(%dma_wait3A_94 : memref<4x1024xf32, #tpu.memory_space<vmem>>) dst(%dma_wait3A_90 : memref<4x1024xf32, #tpu.memory_space<hbm>>)
    %dma_wait3A_95 = arith.constant 2 : i32
    %dma_wait3A_96 = arith.constant 0 : i32
    %dma_wait3A_97 = arith.constant 0 : i32
    %dma_wait3A_98 = tpu.memref_slice %arg8[%dma_wait3A_95, %dma_wait3A_96, %dma_wait3A_97] : memref<4x4x1024xf32, #tpu.memory_space<vmem>> -> memref<1x4x1024xf32, #tpu.memory_space<vmem>>
    %dma_wait3A_99 = tpu.memref_squeeze %dma_wait3A_98 : memref<1x4x1024xf32, #tpu.memory_space<vmem>> -> memref<4x1024xf32, #tpu.memory_space<vmem>>
    %dma_wait3A_100 = arith.constant 0 : i32
    %dma_wait3A_101 = arith.constant 0 : i32
    %dma_wait3A_102 = tpu.memref_slice %arg5[%dma_wait3A_100, %dma_wait3A_101] : memref<16384x1024xf32, #tpu.memory_space<hbm>> -> memref<4x1024xf32, #tpu.memory_space<hbm>>
    %dma_wait3A_103 = arith.constant 0 : i32
    %dma_wait3A_104 = arith.constant 0 : i32
    %dma_wait3A_105 = tpu.memref_slice %arg5[%dma_wait3A_103, %dma_wait3A_104] : memref<16384x1024xf32, #tpu.memory_space<hbm>> -> memref<4x1024xf32, #tpu.memory_space<hbm>>
    %dma_wait3A_106 = arith.constant 0 : i32
    %dma_wait3A_107 = arith.constant 0 : i32
    %dma_wait3A_108 = tpu.memref_slice %arg8[%dma_wait3A_95, %dma_wait3A_106, %dma_wait3A_107] : memref<4x4x1024xf32, #tpu.memory_space<vmem>> -> memref<1x4x1024xf32, #tpu.memory_space<vmem>>
    %dma_wait3A_109 = tpu.memref_squeeze %dma_wait3A_108 : memref<1x4x1024xf32, #tpu.memory_space<vmem>> -> memref<4x1024xf32, #tpu.memory_space<vmem>>
    tpu.wait_dma2 semaphore(%arg17 : memref<!tpu.dma_semaphore, #tpu.memory_space<semaphore_mem>>) src(%dma_wait3A_109 : memref<4x1024xf32, #tpu.memory_space<vmem>>) dst(%dma_wait3A_105 : memref<4x1024xf32, #tpu.memory_space<hbm>>)
    %dma_wait3A_110 = arith.constant 3 : i32
    %dma_wait3A_111 = arith.constant 0 : i32
    %dma_wait3A_112 = arith.constant 0 : i32
    %dma_wait3A_113 = tpu.memref_slice %arg8[%dma_wait3A_110, %dma_wait3A_111, %dma_wait3A_112] : memref<4x4x1024xf32, #tpu.memory_space<vmem>> -> memref<1x4x1024xf32, #tpu.memory_space<vmem>>
    %dma_wait3A_114 = tpu.memref_squeeze %dma_wait3A_113 : memref<1x4x1024xf32, #tpu.memory_space<vmem>> -> memref<4x1024xf32, #tpu.memory_space<vmem>>
    %dma_wait3A_115 = arith.constant 0 : i32
    %dma_wait3A_116 = arith.constant 0 : i32
    %dma_wait3A_117 = tpu.memref_slice %arg5[%dma_wait3A_115, %dma_wait3A_116] : memref<16384x1024xf32, #tpu.memory_space<hbm>> -> memref<4x1024xf32, #tpu.memory_space<hbm>>
    %dma_wait3A_118 = arith.constant 0 : i32
    %dma_wait3A_119 = arith.constant 0 : i32
    %dma_wait3A_120 = tpu.memref_slice %arg5[%dma_wait3A_118, %dma_wait3A_119] : memref<16384x1024xf32, #tpu.memory_space<hbm>> -> memref<4x1024xf32, #tpu.memory_space<hbm>>
    %dma_wait3A_121 = arith.constant 0 : i32
    %dma_wait3A_122 = arith.constant 0 : i32
    %dma_wait3A_123 = tpu.memref_slice %arg8[%dma_wait3A_110, %dma_wait3A_121, %dma_wait3A_122] : memref<4x4x1024xf32, #tpu.memory_space<vmem>> -> memref<1x4x1024xf32, #tpu.memory_space<vmem>>
    %dma_wait3A_124 = tpu.memref_squeeze %dma_wait3A_123 : memref<1x4x1024xf32, #tpu.memory_space<vmem>> -> memref<4x1024xf32, #tpu.memory_space<vmem>>
    tpu.wait_dma2 semaphore(%arg18 : memref<!tpu.dma_semaphore, #tpu.memory_space<semaphore_mem>>) src(%dma_wait3A_124 : memref<4x1024xf32, #tpu.memory_space<vmem>>) dst(%dma_wait3A_120 : memref<4x1024xf32, #tpu.memory_space<hbm>>)
    return
  }
}

</mosaic_0001>

<sc_bundles>
// kernel: kernel.3.cloned.1.call-start
scs
__scs_entry_jumppad:
0x0: {  	(pc) =	sbr.rel $0x88, $3  }
0x1: {  	(tag) =	ssettag $0x0;
	lr =	simm.s32 $0x1  }
0x2: {  	[smem:$0x3F9E] =	sst lr;
	_ =	strace $0xD0000000  }
0x3: {  	_ = 	snop  }
0x4: {  	_ = 	snop  }
0x5: {  	_ = 	snop  }
0x6: {  	_ = 	snop  }
0x7: {  	_ = 	snop  }
__scs_overlays_trampoline_lowered:
0x8: {  	[smem:$0x3FAD] =	sst s0  }
0x9: {  	[smem:$0x3FAE] =	sst s1  }
0xa: {  	[smem:$0x3FAF] =	sst s2  }
0xb: {  	[smem:$0x3FB0] =	sst s3  }
0xc: {  	[smem:$0x3FB1] =	sst s4  }
0xd: {  	[smem:$0x3FB2] =	sst s5  }
0xe: {  	[smem:$0x3FB3] =	sst s6  }
0xf: {  	[smem:$0x3FB4] =	sst s7  }
0x10: {  	[smem:$0x3FB5] =	sst s8  }
0x11: {  	[smem:$0x3FB6] =	sst s9;
	s0 =	simm.s32 @!p0 $0x0  }
0x12: {  	s1 =	sld [smem:$0x3F9C];
	s0 =	simm.s32 @p0 $0x1  }
0x13: {  	[smem:$0x3FB7] =	sst s0;
	s0 =	simm.s32 @!p1 $0x0  }
0x14: {  	s2 =	sld [smem:$0x3F9B];
	s0 =	simm.s32 @p1 $0x1  }
0x15: {  	[smem:$0x3FB8] =	sst s0;
	s0 =	simm.s32 @!p2 $0x0  }
0x16: {  	s3 =	sld [smem:$0x3FDB];
	s0 =	simm.s32 @p2 $0x1  }
0x17: {  	s4 =	simm.s32 $0x1BF5;
	[smem:$0x3FBA] =	sst s0  }
0x18: {  	s0 =	sld [smem:$0x3F9D];
	_ =	swait.ge [sflag:s4], $0x0  }
0x19: {  	s7 =	sld [smem:$0x3F9E]  }
0x1a: {  	s8 =	sadd.s32 $0xFFFFE003, lr  }
0x1b: {  	s9 =	sadd.s32 $0xFFFFFEF7, lr;
	s5 =	simm.s32 $0xFFFFFFFF;
	p2 =	slt.u32 s8, $0xFFFFF086  }
0x1c: {  	p1 =	slt.u32 s9, $0xF7A;
	s5 =	simm.s32 @!p2 $0x0  }
0x1d: {  	s5 =	simm.s32 @p1 $0x1;
	p0 =	seq.s32 s7, s2  }
0x1e: {  	s7 =	smul.u32 @!p0 $0xF7A, s2;
	p2 =	seq.s32 @!p0 s5, $0x0  }
0x1f: {  	s9 =	smul.u32 $0xF7A, s1;
	s8 =	simm.s32 @!p0 $0x1BF5;
	p2 =	por !p2, p0  }
0x20: {  	[sflag:s8] =	ssyncset.s32 @!p0 $0xFFFFF086;
	s6 =	sadd.s32 @!p0 s3, s7;
	s7 =	simm.s32 @!p0 $0x108  }
0x21: {  	s3 =	sadd.s32 s3, s9;
	s6 =	sadd.s32 @!p0 $0x88, s6;
	s7 =	simm.s32 @p2 $0x1082  }
0x22: {  	[simem:s7], [sflag:s8] =	dma.local @!p0 [hbm:s6], $0xF7A  }
0x23: {  	s9 =	sor.u32 $0xD0000000, s2;
	s6 =	simm.s32 $0x108;
	_ =	swait.ge @!p0 [sflag:s8], $0x0  }
0x24: {  	s3 =	sadd.s32 $0x88, s3;
	s6 =	simm.s32 @!p1 $0x1082;
	[sflag:s4] =	ssyncset.s32 $0xFFFFF086  }
0x25: {  	[simem:s6], [sflag:s4] =	dma.local [hbm:s3], $0xF7A  }
0x26: {  	[smem:$0x3F9E] =	sst s1;
	(tag) =	ssettag s2;
	_ =	strace s9  }
0x27: {  	s1 =	sld [smem:$0x3FAE]  }
0x28: {  	s2 =	sld [smem:$0x3FAF]  }
0x29: {  	s4 =	sld [smem:$0x3FB1]  }
0x2a: {  	p0 =	seq.s32 s5, $0x0;
	s5 =	sld [smem:$0x3FB2]  }
0x2b: {  	s6 =	sld [smem:$0x3FB3]  }
0x2c: {  	s7 =	sld [smem:$0x3FB4]  }
0x2d: {  	s3 =	simm.s32 $0x108;
	s8 =	sld [smem:$0x3FB5]  }
0x2e: {  	s3 =	simm.s32 @!p0 $0x1082;
	s9 =	sld [smem:$0x3FB6]  }
0x2f: {  	lr =	sadd.s32 s0, s3;
	s0 =	sld [smem:$0x3FAD]  }
0x30: {  	s3 =	sld [smem:$0x3FB0]  }
0x31: {  	[smem:$0x3FB9] =	sst s10  }
0x32: {  	s10 =	sld [smem:$0x3FB7];
	_ =	sdelay $0x3  }
0x33: {  	p0 =	seq.s32 s10, $0x1;
	s10 =	sld [smem:$0x3FB9];
	_ =	sdelay $0x3  }
0x34: {  	[smem:$0x3FB9] =	sst s10  }
0x35: {  	s10 =	sld [smem:$0x3FB8];
	_ =	sdelay $0x3  }
0x36: {  	p1 =	seq.s32 s10, $0x1;
	s10 =	sld [smem:$0x3FB9];
	_ =	sdelay $0x3  }
0x37: {  	[smem:$0x3FB9] =	sst s10  }
0x38: {  	s10 =	sld [smem:$0x3FBA]  }
0x39: {  	_ = 	snop;
	(pc) =	sbr.ind lr, $3  }
0x3a: {  	_ = 	snop  }
0x3b: {  	_ = 	snop  }
0x3c: {  	p2 =	seq.s32 s10, $0x1;
	s10 =	sld [smem:$0x3FB9]  }
0x3d: {  	_ =	shalt  }
0x3e: {  	_ =	shalt  }
0x3f: {  	_ =	shalt  }
0x40: {  	_ =	shalt  }
0x41: {  	_ =	shalt  }
0x42: {  	_ =	shalt  }
0x43: {  	_ =	shalt  }
0x44: {  	_ =	shalt  }
0x45: {  	_ =	shalt  }
0x46: {  	_ =	shalt  }
0x47: {  	_ =	shalt  }
0x48: {  	_ =	shalt  }
0x49: {  	_ =	shalt  }
0x4a: {  	_ =	shalt  }
0x4b: {  	_ =	shalt  }
0x4c: {  	_ =	shalt  }
0x4d: {  	_ =	shalt  }
0x4e: {  	_ =	shalt  }
0x4f: {  	_ =	shalt  }
0x50: {  	_ =	shalt  }
0x51: {  	_ =	shalt  }
0x52: {  	_ =	shalt  }
0x53: {  	_ =	shalt  }
0x54: {  	_ =	shalt  }
0x55: {  	_ =	shalt  }
0x56: {  	_ =	shalt  }
0x57: {  	_ =	shalt  }
0x58: {  	_ =	shalt  }
0x59: {  	_ =	shalt  }
0x5a: {  	_ =	shalt  }
0x5b: {  	_ =	shalt  }
0x5c: {  	_ =	shalt  }
0x5d: {  	_ =	shalt  }
0x5e: {  	_ =	shalt  }
0x5f: {  	_ =	shalt  }
0x60: {  	_ =	shalt  }
0x61: {  	_ =	shalt  }
0x62: {  	_ =	shalt  }
0x63: {  	_ =	shalt  }
0x64: {  	_ =	shalt  }
0x65: {  	_ =	shalt  }
0x66: {  	_ =	shalt  }
0x67: {  	_ =	shalt  }
0x68: {  	_ =	shalt  }
0x69: {  	_ =	shalt  }
0x6a: {  	_ =	shalt  }
0x6b: {  	_ =	shalt  }
0x6c: {  	_ =	shalt  }
0x6d: {  	_ =	shalt  }
0x6e: {  	_ =	shalt  }
0x6f: {  	_ =	shalt  }
0x70: {  	_ =	shalt  }
0x71: {  	_ =	shalt  }
0x72: {  	_ =	shalt  }
0x73: {  	_ =	shalt  }
0x74: {  	_ =	shalt  }
0x75: {  	_ =	shalt  }
0x76: {  	_ =	shalt  }
0x77: {  	_ =	shalt  }
0x78: {  	_ =	shalt  }
0x79: {  	_ =	shalt  }
0x7a: {  	_ =	shalt  }
0x7b: {  	_ =	shalt  }
0x7c: {  	_ =	shalt  }
0x7d: {  	_ =	shalt  }
0x7e: {  	_ =	shalt  }
0x7f: {  	_ =	shalt  }
0x80: {  	_ =	shalt  }
0x81: {  	_ =	shalt  }
0x82: {  	_ =	shalt  }
0x83: {  	_ =	shalt  }
0x84: {  	_ =	shalt  }
0x85: {  	_ =	shalt  }
0x86: {  	_ =	shalt  }
0x87: {  	_ =	shalt  }
.Lfunc_end0:
.L_simem_size_0:
called_computation.1_lowered:
.L_overlay_start_0:
0x88: {  	s2 =	sld [smem:$0x3FD9]  }
0x89: {  	s3 =	sld [smem:$0x3FFE];
	_ =	sdelay $0x1  }
0x8a: {  	s1 =	srdreg.scid  }
0x8b: {  	s0 =	sand.u32 $0x1, s1  }
0x8c: {  	s17 =	sshll.u32 s0, $0xA;
	s2 =	sadd.s32 s3, s2  }
0x8d: {  	s2 =	sadd.s32 s2, s17  }
0x8e: {  	[smem:$0x3FC5] =	sst s2  }
0x8f: {  	_ = 	snop  }
0x90: {  	s2 =	sld [smem:$0x3FC7]  }
0x91: {  	s18 =	sld [smem:$0x3FD0];
	(tm) =	ssettm $0x1  }
0x92: {  	s4 =	sld [smem:$0x3FFB];
	_ =	sdelay $0x3  }
0x93: {  	_ =	strace s4  }
0x94: {  	s4 =	sld [smem:$0x3FFC];
	_ =	sdelay $0x3  }
0x95: {  	_ =	strace s4  }
0x96: {  	s4 =	sld [smem:$0x3FFD];
	_ =	sdelay $0x3  }
0x97: {  	_ =	strace s4  }
0x98: {  	_ =	strace $0x8FFFFFFF  }
0x99: {  	s19 =	sld [smem:$0x3FDB];
	_ =	sdelay $0x1  }
0x9a: {  	s5 =	simm.s32 $_scs_section_size  }
0x9b: {  	s6 =	simm.s32 $_size__tile_overlayer_lowered;
	s7 =	simm.s32 $_tile_overlayer_lowered  }
0x9c: {  	s22 =	simm.s32 $0x1BFF;
	s21 =	sshll.u32 s7, $0x1;
	s4 =	sadd.s32 s5, s19  }
0x9d: {  	s8 =	simm.s32 $0x0;
	s20 =	sshll.u32 s6, $0x1;
	s6 =	sadd.s32 s21, s4  }
0x9e: {  	[timem:s8], [sflag:s22] =	dma.local [hbm:s6], s20  }
0x9f: {  	_ =	swait.ge [sflag:s22], s20  }
0xa0: {  	s5 =	ssub.s32 $0x0, s20;
	[sflag:s22] =	ssyncset.done $0x0  }
0xa1: {  	[sflag:s22] =	ssyncadd.s32 s5;
	_ =	sdelay $0x1  }
0xa2: {  	s23 =	simm.s32 $0x1B8B  }
0xa3: {  	_ =	swait.ge [sflag:s23], $0x1  }
0xa4: {  	[sflag:s23] =	ssyncset.done $0x0  }
0xa5: {  	s25 =	simm.s32 $0x1B8E;
	s24 =	sld [smem:$0x3FFE];
	[sflag:s23] =	ssyncadd.s32 $0xFFFFFFFF  }
0xa6: {  	s26 =	simm.s32 $execute0_lowered;
	[smem:$0x3FD2] =	sst s25  }
0xa7: {  	s6 =	sshll.u32 s26, $0x1;
	_ =	strace $0x80000049;
	[dreg:$0x1] =	wrdreg $0xFFFFFFFF  }
0xa8: {  	s28 =	simm.s32 $_size_execute0_lowered;
	s4 =	sadd.s32 s4, s6;
	[dreg:$0x0] =	wrdreg $0x0  }
0xa9: {  	s6 =	sshll.u32 s28, $0x1;
	[dreg:$0x2] =	wrdreg s4  }
0xaa: {  	[dreg:$0x3] =	wrdreg s6  }
0xab: {  	[dreg:$0x4] =	wrdreg $0xC0  }
0xac: {  	_ =	task [dreg:s8], $0x5FFFF  }
0xad: {  	[dreg:$0x1] =	wrdreg $0xFFFFFFFF  }
0xae: {  	[dreg:$0x0] =	wrdreg $0x60  }
0xaf: {  	[dreg:$0x2] =	wrdreg s24  }
0xb0: {  	[dreg:$0x3] =	wrdreg s2  }
0xb1: {  	[dreg:$0x4] =	wrdreg s18  }
0xb2: {  	[dreg:$0x5] =	wrdreg $0x9  }
0xb3: {  	_ =	task.clear_ibuf [dreg:s8], $0x6FFFF;
	_ =	strace $0x90000049  }
0xb4: {  	s29 =	simm.s32 $0x9;
	_ =	strace $0x8000004B  }
0xb5: {  	_ =	swait.ge [sflag:s29], $0x1  }
0xb6: {  	[sflag:s29] =	ssyncadd.s32 $0xFFFFFFFF  }
0xb7: {  	_ =	strace $0x9000004B  }
0xb8: {  	_ =	sfence  }
0xb9: {  	s30 =	sld [smem:$0x0];
	_ =	sdelay $0x2  }
0xba: {  	s31 =	sshll.u32 s1, $0xD;
	s1 =	sshrl.u32 s1, $0x2  }
0xbb: {  	s3 =	sand.u32 $0x4000, s31;
	s1 =	sadd.s32 s1, s30  }
0xbc: {  	s0 =	sor.u32 s3, s0;
	s1 =	sshll.u32 s1, $0x11  }
0xbd: {  	s0 =	sor.u32 s1, s0  }
0xbe: {  	s0 =	sadd.s32 $0x8F2B, s0  }
0xbf: {  	[sflag:s0] =	ssyncadd.remote.s32 $0x1  }
0xc0: {  	_ =	sfence.sel $0xFFFF  }
0xc1: {  	[dreg:$0x0] =	wrdreg $0xFFFFFFFF;
	(pc) =	sbr.abs _section_cstart, $3  }
0xc2: {  	[dreg:$0x1] =	wrdreg $0xFFFFFFFF  }
0xc3: {  	_ =	task.clear_ibuf [dreg:s8], $0x2FFFF;
	_ =	strace $0x9FFFFFFF  }
0xc4: {  	(tm) =	ssettm $0x7FFFFFFF  }
0xc5: {  	_ =	shalt  }
tec
execute0_lowered:
.L_overlay_start_1:
0x0: {  	(tag) =	ssettag $0x1  }
0x1: {  	s0 =	rddreg [dreg:$0x0]  }
0x2: {  	s7 =	rddreg [dreg:$0x1]  }
0x3: {  	s11 =	rddreg [dreg:$0x2];
	s1 =	srdreg.scid  }
0x4: {  	s2 =	stileid.u32;
	s4 =	simm.s32 $0x0;
	s16 =	simm.s32 $0x400  }
0x5: {  	s1 =	sand.u32 $0x1, s1;
	s2 =	sshll.u32 s2, $0x1;
	[smem:$0x7FF] =	sst s4  }
0x6: {  	s5 =	sadd.s32 $0xA00, s0;
	s8 =	sadd.s32 $0xB00, s0;
	s28 =	sadd.s32 $0x40, s7  }
0x7: {  	s29 =	sadd.s32 $0x40, s11;
	s2 =	sor.u32 s1, s2;
	_ =	strace $0x8000004A  }
0x8: {  	s1 =	ssub.s32 $0x2, s1;
	[dreg:$0x6] =	wrdreg s28;
	s3 =	sshll.u32 s2, $0xB  }
0x9: {  	[dreg:$0x8] =	wrdreg s29;
	s6 =	sshrl.u32 s1, $0x1;
	s3 =	sadd.s32 s3, s0  }
0xa: {  	s1 =	ssub.s32 s1, s6;
	s6 =	sshll.u32 s2, $0x10;
	s24 =	sadd.s32 $0x100E00, s3  }
.Ltmp0:
0xb: {  	s30 =	sadd.s32 s11, s6;
	[dreg:$0x4] =	wrdreg s24;
	(pc) =	sbr.rel .LBB2_1-.Ltmp0, $4  }
0xc: {  	s25 =	sand.u32 $0x30000, s6;
	s31 =	smax.u32 s1, $0x1;
	[dreg:$0x9] =	wrdreg s30  }
0xd: {  	v2 =	vlaneseq.u32;
	s9 =	sadd.s32 $0xC00, s0;
	s26 =	sadd.s32 s7, s25;
	[dreg:$0xa] =	wrdreg s31  }
0xe: {  	vm0 =	vmmov $0xffff;
	s10 =	sadd.s32 $0xD00, s0;
	v1 =	vshrl.u32 v2, $0x3;
	s0 =	sadd.s32 s25, s28;
	[dreg:$0x5] =	wrdreg s26  }
0xf: {  	v0 =	vand.u32 $0x7, v2;
	v2 =	vor.u32 $0x8, v2;
	v1 =	vmul.u32 $0x8, v1;
	s2 =	simm.s32 $0x200;
	s3 =	simm.s32 $0x0;
	[dreg:$0x7] =	wrdreg s0  }
.LBB2_14:
0x10: {  	s0 =	simm.s32 $0x7  }
0x11: {  	_ =	swait.ge [sflag:s0], $0x1000  }
0x12: {  	[sflag:s0] =	ssyncset.done $0x0  }
0x13: {  	s29 =	simm.s32 $0x8;
	[sflag:s0] =	ssyncadd.s32 $0xFFFFF000  }
0x14: {  	_ =	swait.ge [sflag:s29], $0x1000  }
0x15: {  	[sflag:s29] =	ssyncset.done $0x0  }
0x16: {  	s30 =	simm.s32 $0x9;
	[sflag:s29] =	ssyncadd.s32 $0xFFFFF000  }
0x17: {  	_ =	swait.ge [sflag:s30], $0x1000  }
0x18: {  	[sflag:s30] =	ssyncset.done $0x0  }
0x19: {  	s1 =	simm.s32 $0xA;
	[sflag:s30] =	ssyncadd.s32 $0xFFFFF000  }
0x1a: {  	_ =	swait.ge [sflag:s1], $0x1000  }
0x1b: {  	s3 =	rddreg [dreg:$0xb]  }
0x1c: {  	s31 =	rddreg [dreg:$0xa];
	s3 =	sadd.s32 $0x1, s3  }
0x1d: {  	p0 =	sne.s32 s3, s31  }
.Ltmp1:
0x1e: {  	_ = 	snop;
	(pc) =	sbr.rel @!p0 .LBB2_15-.Ltmp1, $3  }
0x1f: {  	_ =	sdelay $0x1  }
0x20: {  	[sflag:s1] =	ssyncset.done $0x0  }
0x21: {  	[sflag:s1] =	ssyncadd.s32 $0xFFFFF000  }
.LBB2_1:
0x22: {  	[dreg:$0xb] =	wrdreg s3  }
0x23: {  	s0 =	rddreg [dreg:$0x4];
	s17 =	simm.s32 $0xB  }
0x24: {  	[tilespmem:s4], [sflag:$0xB] =	stream.linear.gather [hbm4b:s0+s4], $0x4000, $0x38;
	[tilespmem:$0x18000] =	vst v63  }
0x25: {  	_ =	swait.ge [sflag:s17], $0x4000  }
0x26: {  	[sflag:s17] =	ssyncset.done $0x0  }
0x27: {  	[sflag:s17] =	ssyncadd.s32 $0xFFFFC000  }
0x28: {  	v3 =	vld [tilespmem:$0x0];
	_ =	sdelay $0x4  }
0x29: {  	v4 =	vshll.u32 v3, $0x3  }
0x2a: {  	v3 =	vand.u32 $0x7, v3;
	v4 =	vand.u32 $0xFFFFFFC0, v4  }
0x2b: {  	v3 =	vor.u32 v3, v4  }
0x2c: {  	v4 =	vperm.xlane v3, v0;
	_ =	sdelay $0x1  }
0x2d: {  	v4 =	vadd.s32 v1, v4;
	_ =	sdelay $0x3  }
0x2e: {  	s18 =	simm.s32 $0x4000  }
0x2f: {  	[tilespmem:s18], [sflag:$0x1] =	stream.indirect_vreg.gather [hbm4b:s5+s4], $0x80, v4, vm0, $0xb8;
	[tilespmem:$0x18000] =	vst v63  }
0x30: {  	s19 =	simm.s32 $0x4800;
	v3 =	vperm.xlane v3, v2  }
0x31: {  	[tilespmem:s19], [sflag:$0x1] =	stream.indirect_vreg.gather [hbm4b:s8+s4], $0x80, v4, vm0, $0xb8;
	[tilespmem:$0x18000] =	vst v63  }
0x32: {  	s20 =	simm.s32 $0x5000;
	v3 =	vadd.s32 v1, v3  }
0x33: {  	[tilespmem:s20], [sflag:$0x1] =	stream.indirect_vreg.gather [hbm4b:s9+s4], $0x80, v4, vm0, $0xb8;
	[tilespmem:$0x18000] =	vst v63  }
0x34: {  	s21 =	simm.s32 $0x5800  }
0x35: {  	[tilespmem:s21], [sflag:$0x1] =	stream.indirect_vreg.gather [hbm4b:s10+s4], $0x80, v4, vm0, $0xb8;
	[tilespmem:$0x18000] =	vst v63  }
0x36: {  	s22 =	simm.s32 $0x6000  }
0x37: {  	[tilespmem:s22], [sflag:$0x1] =	stream.indirect_vreg.gather [hbm4b:s5+s4], $0x80, v3, vm0, $0xb8;
	[tilespmem:$0x18000] =	vst v63  }
0x38: {  	s23 =	simm.s32 $0x6800  }
0x39: {  	[tilespmem:s23], [sflag:$0x1] =	stream.indirect_vreg.gather [hbm4b:s8+s4], $0x80, v3, vm0, $0xb8;
	[tilespmem:$0x18000] =	vst v63  }
0x3a: {  	s24 =	simm.s32 $0x7000  }
0x3b: {  	[tilespmem:s24], [sflag:$0x1] =	stream.indirect_vreg.gather [hbm4b:s9+s4], $0x80, v3, vm0, $0xb8;
	[tilespmem:$0x18000] =	vst v63  }
0x3c: {  	s25 =	simm.s32 $0x7800  }
0x3d: {  	[tilespmem:s25], [sflag:$0x1] =	stream.indirect_vreg.gather [hbm4b:s10+s4], $0x80, v3, vm0, $0xb8;
	[tilespmem:$0x18000] =	vst v63  }
0x3e: {  	v3 =	vld [tilespmem:$0x10];
	_ =	sdelay $0x4  }
0x3f: {  	v61 =	vshll.u32 v3, $0x3  }
0x40: {  	v3 =	vand.u32 $0x7, v3;
	v4 =	vand.u32 $0xFFFFFFC0, v61  }
0x41: {  	v3 =	vor.u32 v3, v4  }
0x42: {  	v4 =	vperm.xlane v3, v0;
	_ =	sdelay $0x1  }
0x43: {  	v4 =	vadd.s32 v1, v4;
	_ =	sdelay $0x3  }
0x44: {  	s26 =	simm.s32 $0x8000  }
0x45: {  	[tilespmem:s26], [sflag:$0x1] =	stream.indirect_vreg.gather [hbm4b:s5+s4], $0x80, v4, vm0, $0xb8;
	[tilespmem:$0x18000] =	vst v63  }
0x46: {  	s28 =	simm.s32 $0x8800;
	v3 =	vperm.xlane v3, v2  }
0x47: {  	[tilespmem:s28], [sflag:$0x1] =	stream.indirect_vreg.gather [hbm4b:s8+s4], $0x80, v4, vm0, $0xb8;
	[tilespmem:$0x18000] =	vst v63  }
0x48: {  	s29 =	simm.s32 $0x9000;
	v3 =	vadd.s32 v1, v3  }
0x49: {  	[tilespmem:s29], [sflag:$0x1] =	stream.indirect_vreg.gather [hbm4b:s9+s4], $0x80, v4, vm0, $0xb8;
	[tilespmem:$0x18000] =	vst v63  }
0x4a: {  	s30 =	simm.s32 $0x9800  }
0x4b: {  	[tilespmem:s30], [sflag:$0x1] =	stream.indirect_vreg.gather [hbm4b:s10+s4], $0x80, v4, vm0, $0xb8;
	[tilespmem:$0x18000] =	vst v63  }
0x4c: {  	s31 =	simm.s32 $0xA000  }
0x4d: {  	[tilespmem:s31], [sflag:$0x1] =	stream.indirect_vreg.gather [hbm4b:s5+s4], $0x80, v3, vm0, $0xb8;
	[tilespmem:$0x18000] =	vst v63  }
0x4e: {  	s1 =	simm.s32 $0xA800  }
0x4f: {  	[tilespmem:s1], [sflag:$0x1] =	stream.indirect_vreg.gather [hbm4b:s8+s4], $0x80, v3, vm0, $0xb8;
	[tilespmem:$0x18000] =	vst v63  }
0x50: {  	s3 =	simm.s32 $0xB000  }
0x51: {  	[tilespmem:s3], [sflag:$0x1] =	stream.indirect_vreg.gather [hbm4b:s9+s4], $0x80, v3, vm0, $0xb8;
	[tilespmem:$0x18000] =	vst v63  }
0x52: {  	s7 =	simm.s32 $0xB800  }
0x53: {  	[tilespmem:s7], [sflag:$0x1] =	stream.indirect_vreg.gather [hbm4b:s10+s4], $0x80, v3, vm0, $0xb8;
	[tilespmem:$0x18000] =	vst v63  }
0x54: {  	s11 =	rddreg [dreg:$0x5];
	s1 =	simm.s32 $0x14000  }
0x55: {  	[tilespmem:s1], [sflag:$0x3] =	stream.strided.gather [hbm4b:s11+s2], $0x1000, s16, s2, $0x38;
	[tilespmem:$0x18000] =	vst v63  }
0x56: {  	v3 =	vld [tilespmem:$0x80];
	_ =	sdelay $0x4  }
0x57: {  	v62 =	vshll.u32 v3, $0x3  }
0x58: {  	v3 =	vand.u32 $0x7, v3;
	v4 =	vand.u32 $0xFFFFFFC0, v62  }
0x59: {  	v3 =	vor.u32 v3, v4  }
0x5a: {  	v4 =	vperm.xlane v3, v0;
	_ =	sdelay $0x1  }
0x5b: {  	v4 =	vadd.s32 v1, v4;
	_ =	sdelay $0x3  }
0x5c: {  	s12 =	simm.s32 $0xC000  }
0x5d: {  	[tilespmem:s12], [sflag:$0x2] =	stream.indirect_vreg.gather [hbm4b:s5+s4], $0x80, v4, vm0, $0xb8;
	[tilespmem:$0x18000] =	vst v63  }
0x5e: {  	s13 =	simm.s32 $0xC800;
	v3 =	vperm.xlane v3, v2  }
0x5f: {  	[tilespmem:s13], [sflag:$0x2] =	stream.indirect_vreg.gather [hbm4b:s8+s4], $0x80, v4, vm0, $0xb8;
	[tilespmem:$0x18000] =	vst v63  }
0x60: {  	s14 =	simm.s32 $0xD000;
	v3 =	vadd.s32 v1, v3  }
0x61: {  	[tilespmem:s14], [sflag:$0x2] =	stream.indirect_vreg.gather [hbm4b:s9+s4], $0x80, v4, vm0, $0xb8;
	[tilespmem:$0x18000] =	vst v63  }
0x62: {  	s15 =	simm.s32 $0xD800  }
0x63: {  	[tilespmem:s15], [sflag:$0x2] =	stream.indirect_vreg.gather [hbm4b:s10+s4], $0x80, v4, vm0, $0xb8;
	[tilespmem:$0x18000] =	vst v63  }
0x64: {  	s17 =	simm.s32 $0xE000  }
0x65: {  	[tilespmem:s17], [sflag:$0x2] =	stream.indirect_vreg.gather [hbm4b:s5+s4], $0x80, v3, vm0, $0xb8;
	[tilespmem:$0x18000] =	vst v63  }
0x66: {  	s18 =	simm.s32 $0xE800  }
0x67: {  	[tilespmem:s18], [sflag:$0x2] =	stream.indirect_vreg.gather [hbm4b:s8+s4], $0x80, v3, vm0, $0xb8;
	[tilespmem:$0x18000] =	vst v63  }
0x68: {  	s19 =	simm.s32 $0xF000  }
0x69: {  	[tilespmem:s19], [sflag:$0x2] =	stream.indirect_vreg.gather [hbm4b:s9+s4], $0x80, v3, vm0, $0xb8;
	[tilespmem:$0x18000] =	vst v63  }
0x6a: {  	s20 =	simm.s32 $0xF800  }
0x6b: {  	[tilespmem:s20], [sflag:$0x2] =	stream.indirect_vreg.gather [hbm4b:s10+s4], $0x80, v3, vm0, $0xb8;
	[tilespmem:$0x18000] =	vst v63  }
0x6c: {  	v3 =	vld [tilespmem:$0x90];
	_ =	sdelay $0x4  }
0x6d: {  	v63 =	vshll.u32 v3, $0x3  }
0x6e: {  	v3 =	vand.u32 $0x7, v3;
	v4 =	vand.u32 $0xFFFFFFC0, v63  }
0x6f: {  	v3 =	vor.u32 v3, v4  }
0x70: {  	v4 =	vperm.xlane v3, v0;
	_ =	sdelay $0x1  }
0x71: {  	v4 =	vadd.s32 v1, v4;
	_ =	sdelay $0x3  }
0x72: {  	s21 =	simm.s32 $0x10000  }
0x73: {  	[tilespmem:s21], [sflag:$0x2] =	stream.indirect_vreg.gather [hbm4b:s5+s4], $0x80, v4, vm0, $0xb8;
	[tilespmem:$0x18000] =	vst v63  }
0x74: {  	s22 =	simm.s32 $0x10800;
	v3 =	vperm.xlane v3, v2  }
0x75: {  	[tilespmem:s22], [sflag:$0x2] =	stream.indirect_vreg.gather [hbm4b:s8+s4], $0x80, v4, vm0, $0xb8;
	[tilespmem:$0x18000] =	vst v63  }
0x76: {  	s23 =	simm.s32 $0x11000;
	v3 =	vadd.s32 v1, v3  }
0x77: {  	[tilespmem:s23], [sflag:$0x2] =	stream.indirect_vreg.gather [hbm4b:s9+s4], $0x80, v4, vm0, $0xb8;
	[tilespmem:$0x18000] =	vst v63  }
0x78: {  	s24 =	simm.s32 $0x11800  }
0x79: {  	[tilespmem:s24], [sflag:$0x2] =	stream.indirect_vreg.gather [hbm4b:s10+s4], $0x80, v4, vm0, $0xb8;
	[tilespmem:$0x18000] =	vst v63  }
0x7a: {  	s25 =	simm.s32 $0x12000  }
0x7b: {  	[tilespmem:s25], [sflag:$0x2] =	stream.indirect_vreg.gather [hbm4b:s5+s4], $0x80, v3, vm0, $0xb8;
	[tilespmem:$0x18000] =	vst v63  }
0x7c: {  	s26 =	simm.s32 $0x12800  }
0x7d: {  	[tilespmem:s26], [sflag:$0x2] =	stream.indirect_vreg.gather [hbm4b:s8+s4], $0x80, v3, vm0, $0xb8;
	[tilespmem:$0x18000] =	vst v63  }
0x7e: {  	s28 =	simm.s32 $0x13000  }
0x7f: {  	[tilespmem:s28], [sflag:$0x2] =	stream.indirect_vreg.gather [hbm4b:s9+s4], $0x80, v3, vm0, $0xb8;
	[tilespmem:$0x18000] =	vst v63  }
0x80: {  	s29 =	simm.s32 $0x13800  }
0x81: {  	[tilespmem:s29], [sflag:$0x2] =	stream.indirect_vreg.gather [hbm4b:s10+s4], $0x80, v3, vm0, $0xb8;
	[tilespmem:$0x18000] =	vst v63  }
0x82: {  	s30 =	rddreg [dreg:$0x7];
	s31 =	simm.s32 $0x15000;
	s22 =	simm.s32 $0x0  }
0x83: {  	[tilespmem:s31], [sflag:$0x4] =	stream.strided.gather [hbm4b:s30+s2], $0x1000, s16, s2, $0x38;
	[tilespmem:$0x18000] =	vst v63  }
.LBB2_2:
0x84: {  	s0 =	simm.s32 $0x1  }
0x85: {  	_ =	swait.ge [sflag:s0], $0x8000  }
0x86: {  	s23 =	simm.s32 $0x0;
	[sflag:s0] =	ssyncset.done $0x0  }
0x87: {  	s1 =	simm.s32 $0x0;
	s7 =	simm.s32 $0x3;
	[sflag:s0] =	ssyncadd.s32 $0xFFFF8000  }
0x88: {  	s15 =	sand.u32 $0x3FFFFC00, s1;
	s0 =	sand.u32 $0x60, s23;
	_ =	swait.ge [sflag:s7], $0x1000  }
0x89: {  	s3 =	sadd.s32 $0x4000, s15;
	s1 =	sor.u32 $0x10, s0;
	[sflag:s7] =	ssyncset.done $0x0  }
0x8a: {  	s11 =	sor.u32 s1, s3;
	[sflag:s7] =	ssyncadd.s32 $0xFFFFF000  }
0x8b: {  	v3 =	vld [tilespmem:s11+$0x0]  }
0x8c: {  	v4 =	vld [tilespmem:s11+$0x80]  }
0x8d: {  	v5 =	vld [tilespmem:s11+$0x100]  }
0x8e: {  	v6 =	vld [tilespmem:s11+$0x180]  }
0x8f: {  	v7 =	vld [tilespmem:s11+$0x200]  }
0x90: {  	v8 =	vld [tilespmem:s11+$0x280]  }
0x91: {  	v9 =	vld [tilespmem:s11+$0x300]  }
0x92: {  	v10 =	vld [tilespmem:s11+$0x380]  }
0x93: {  	s3 =	sor.u32 s0, s3  }
0x94: {  	v11 =	vld [tilespmem:s3+$0x0]  }
0x95: {  	v12 =	vld [tilespmem:s3+$0x80]  }
0x96: {  	v13 =	vld [tilespmem:s3+$0x100];
	v3 =	vadd.f32 v4, v3;
	v4 =	vadd.f32 v6, v5  }
0x97: {  	v5 =	vld [tilespmem:s3+$0x180];
	v6 =	vadd.f32 v8, v7;
	v7 =	vadd.f32 v10, v9  }
0x98: {  	v8 =	vld [tilespmem:s3+$0x200]  }
0x99: {  	s20 =	simm.s32 $0x0;
	v9 =	vld [tilespmem:s3+$0x280];
	v3 =	vadd.f32 v4, v3;
	v4 =	vadd.f32 v7, v6  }
0x9a: {  	s11 =	sand.u32 $0x3FFFFE00, s20;
	v6 =	vld [tilespmem:s3+$0x300]  }
0x9b: {  	s21 =	sadd.s32 $0x14000, s11;
	v7 =	vld [tilespmem:s3+$0x380];
	v3 =	vadd.f32 v4, v3  }
0x9c: {  	s17 =	sadd.s32 $0x6000, s15;
	s24 =	sor.u32 s1, s21  }
0x9d: {  	s18 =	sadd.s32 $0x6080, s15;
	s26 =	sor.u32 s1, s17;
	[tilespmem:s24+$0x0] =	vst.add.f32.msk $0xffff, v3  }
0x9e: {  	s19 =	sadd.s32 $0x6100, s15;
	s28 =	sor.u32 s1, s18;
	v3 =	vld [tilespmem:s26+$0x0]  }
0x9f: {  	s29 =	sor.u32 s1, s19;
	s20 =	sadd.s32 $0x6180, s15;
	v4 =	vadd.f32 v12, v11;
	v5 =	vadd.f32 v5, v13;
	v10 =	vld [tilespmem:s28+$0x0]  }
0xa0: {  	s25 =	sadd.s32 $0x6200, s15;
	s7 =	sor.u32 s1, s20;
	v8 =	vadd.f32 v9, v8;
	v6 =	vadd.f32 v7, v6;
	v7 =	vld [tilespmem:s29+$0x0]  }
0xa1: {  	s12 =	sor.u32 s1, s25;
	s26 =	sadd.s32 $0x6280, s15;
	v9 =	vld [tilespmem:s7+$0x0]  }
0xa2: {  	v4 =	vadd.f32 v5, v4;
	s29 =	sadd.s32 $0x6380, s15;
	s13 =	sor.u32 s1, s26;
	v5 =	vadd.f32 v6, v8;
	v6 =	vld [tilespmem:s12+$0x0]  }
0xa3: {  	s28 =	sadd.s32 $0x6300, s15;
	s30 =	sor.u32 s1, s29;
	v8 =	vld [tilespmem:s13+$0x0]  }
0xa4: {  	s14 =	sor.u32 s1, s28;
	v11 =	vld [tilespmem:s30+$0x0];
	v4 =	vadd.f32 v5, v4  }
0xa5: {  	s11 =	sor.u32 s0, s21;
	v5 =	vld [tilespmem:s14+$0x0]  }
0xa6: {  	s17 =	sor.u32 s0, s17;
	[tilespmem:s11+$0x0] =	vst.add.f32.msk $0xffff, v4  }
0xa7: {  	s18 =	sor.u32 s0, s18;
	v4 =	vld [tilespmem:s17+$0x0]  }
0xa8: {  	s19 =	sor.u32 s0, s19;
	v60 =	vld [tilespmem:s18+$0x0]  }
0xa9: {  	s21 =	sor.u32 s0, s20;
	v3 =	vadd.f32 v10, v3;
	v7 =	vadd.f32 v9, v7;
	v61 =	vld [tilespmem:s19+$0x0]  }
0xaa: {  	s25 =	sor.u32 s0, s25;
	v9 =	vld [tilespmem:s21+$0x0];
	v6 =	vadd.f32 v8, v6;
	v5 =	vadd.f32 v11, v5  }
0xab: {  	s26 =	sor.u32 s0, s26;
	v8 =	vld [tilespmem:s25+$0x0]  }
0xac: {  	s12 =	sor.u32 s0, s29;
	v10 =	vld [tilespmem:s26+$0x0];
	v3 =	vadd.f32 v7, v3;
	v5 =	vadd.f32 v5, v6  }
0xad: {  	s7 =	sor.u32 s0, s28;
	v7 =	vld [tilespmem:s12+$0x0]  }
0xae: {  	v6 =	vld [tilespmem:s7+$0x0];
	v3 =	vadd.f32 v5, v3  }
0xaf: {  	s3 =	sadd.s32 $0x8000, s15;
	s13 =	sor.u32 $0x80, s24  }
0xb0: {  	s14 =	sor.u32 s1, s3;
	s18 =	sadd.s32 $0x8080, s15;
	[tilespmem:s13+$0x0] =	vst.add.f32.msk $0xffff, v3  }
0xb1: {  	s19 =	sadd.s32 $0x8100, s15;
	s20 =	sor.u32 s1, s18;
	v3 =	vld [tilespmem:s14+$0x0]  }
0xb2: {  	s21 =	sadd.s32 $0x8180, s15;
	s26 =	sor.u32 s1, s19;
	v4 =	vadd.f32 v60, v4;
	v5 =	vadd.f32 v9, v61;
	v9 =	vld [tilespmem:s20+$0x0]  }
0xb3: {  	s12 =	sadd.s32 $0x8380, s15;
	s28 =	sor.u32 s1, s21;
	v8 =	vadd.f32 v10, v8;
	v6 =	vadd.f32 v7, v6;
	v7 =	vld [tilespmem:s26+$0x0]  }
0xb4: {  	s25 =	sadd.s32 $0x8200, s15;
	v10 =	vld [tilespmem:s28+$0x0];
	s14 =	sor.u32 s1, s12  }
0xb5: {  	s29 =	sor.u32 s1, s25;
	v4 =	vadd.f32 v5, v4;
	s26 =	sadd.s32 $0x8280, s15;
	v11 =	vld [tilespmem:s14+$0x0];
	v5 =	vadd.f32 v6, v8  }
0xb6: {  	s28 =	sadd.s32 $0x8300, s15;
	s7 =	sor.u32 s1, s26;
	v6 =	vld [tilespmem:s29+$0x0]  }
0xb7: {  	s13 =	sor.u32 s1, s28;
	v8 =	vld [tilespmem:s7+$0x0];
	v4 =	vadd.f32 v5, v4  }
0xb8: {  	s30 =	sor.u32 $0x80, s11;
	v5 =	vld [tilespmem:s13+$0x0]  }
0xb9: {  	s3 =	sor.u32 s0, s3;
	[tilespmem:s30+$0x0] =	vst.add.f32.msk $0xffff, v4  }
0xba: {  	s18 =	sor.u32 s0, s18;
	v4 =	vld [tilespmem:s3+$0x0]  }
0xbb: {  	s19 =	sor.u32 s0, s19;
	v62 =	vld [tilespmem:s18+$0x0]  }
0xbc: {  	s21 =	sor.u32 s0, s21;
	v3 =	vadd.f32 v9, v3;
	v7 =	vadd.f32 v10, v7;
	v63 =	vld [tilespmem:s19+$0x0]  }
0xbd: {  	s25 =	sor.u32 s0, s25;
	v9 =	vld [tilespmem:s21+$0x0];
	v6 =	vadd.f32 v8, v6;
	v5 =	vadd.f32 v11, v5  }
0xbe: {  	s26 =	sor.u32 s0, s26;
	v8 =	vld [tilespmem:s25+$0x0]  }
0xbf: {  	s7 =	sor.u32 s0, s12;
	v10 =	vld [tilespmem:s26+$0x0];
	v3 =	vadd.f32 v7, v3;
	v5 =	vadd.f32 v5, v6  }
0xc0: {  	s28 =	sor.u32 s0, s28;
	v7 =	vld [tilespmem:s7+$0x0]  }
0xc1: {  	v6 =	vld [tilespmem:s28+$0x0];
	v3 =	vadd.f32 v5, v3  }
0xc2: {  	s12 =	sor.u32 $0x100, s24;
	s3 =	sadd.s32 $0xA000, s15  }
0xc3: {  	s18 =	sadd.s32 $0xA080, s15;
	s13 =	sor.u32 s1, s3;
	[tilespmem:s12+$0x0] =	vst.add.f32.msk $0xffff, v3  }
0xc4: {  	s19 =	sadd.s32 $0xA100, s15;
	s14 =	sor.u32 s1, s18;
	v3 =	vld [tilespmem:s13+$0x0]  }
0xc5: {  	s20 =	sadd.s32 $0xA180, s15;
	s21 =	sor.u32 s1, s19;
	v11 =	vadd.f32 v62, v4;
	v9 =	vadd.f32 v9, v63;
	v4 =	vld [tilespmem:s14+$0x0]  }
0xc6: {  	s25 =	sor.u32 s1, s20;
	s28 =	sadd.s32 $0xA200, s15;
	v8 =	vadd.f32 v10, v8;
	v7 =	vadd.f32 v7, v6;
	v5 =	vld [tilespmem:s21+$0x0]  }
0xc7: {  	s26 =	simm.s32 $0x0;
	s7 =	sadd.s32 $0xA280, s15;
	v6 =	vld [tilespmem:s25+$0x0];
	s13 =	sor.u32 s1, s28  }
0xc8: {  	s30 =	sor.u32 s0, s3;
	v9 =	vadd.f32 v9, v11;
	s12 =	sadd.s32 $0xA300, s15;
	s14 =	sor.u32 s1, s7;
	v10 =	vadd.f32 v7, v8;
	v7 =	vld [tilespmem:s13+$0x0]  }
0xc9: {  	s31 =	sor.u32 s0, s18;
	s15 =	sadd.s32 $0xA380, s15;
	s17 =	sor.u32 s1, s12;
	v8 =	vld [tilespmem:s14+$0x0]  }
0xca: {  	s3 =	sor.u32 s0, s19;
	s19 =	sor.u32 s0, s20;
	s1 =	sor.u32 s1, s15;
	v11 =	vadd.f32 v10, v9;
	v9 =	vld [tilespmem:s17+$0x0]  }
0xcb: {  	s21 =	sor.u32 $0x100, s11;
	s25 =	sor.u32 $0x180, s11;
	s11 =	sor.u32 s0, s7;
	v10 =	vld [tilespmem:s1+$0x0]  }
0xcc: {  	s18 =	sor.u32 s0, s12;
	s17 =	sor.u32 s0, s28;
	s1 =	sor.u32 s0, s15;
	[tilespmem:s21+$0x0] =	vst.add.f32.msk $0xffff, v11  }
.LBB2_3:
0xcd: {  	s26 =	sadd.s32 $0x2, s26;
	v11 =	vld [tilespmem:s30+$0x0]  }
0xce: {  	s23 =	sadd.s32 $0x20, s23;
	s12 =	sshll.u32 s26, $0x7;
	p0 =	slt.u32 s26, $0x3E;
	v12 =	vld [tilespmem:s31+$0x0]  }
0xcf: {  	v3 =	vadd.f32 v4, v3;
	v4 =	vadd.f32 v6, v5;
	s0 =	sand.u32 $0x60, s23;
	s29 =	sand.u32 $0x3FFFFC00, s12;
	v13 =	vld [tilespmem:s3+$0x0]  }
0xd0: {  	v6 =	vadd.f32 v8, v7;
	s28 =	sor.u32 $0x10, s0;
	s3 =	sadd.s32 $0x4000, s29;
	v5 =	vld [tilespmem:s19+$0x0];
	v7 =	vadd.f32 v10, v9  }
0xd1: {  	s12 =	sor.u32 s0, s3;
	s3 =	sor.u32 s28, s3;
	v8 =	vld [tilespmem:s17+$0x0]  }
0xd2: {  	v3 =	vadd.f32 v4, v3;
	v9 =	vld [tilespmem:s3+$0x0];
	v4 =	vadd.f32 v7, v6  }
0xd3: {  	v6 =	vld [tilespmem:s3+$0x80];
	v7 =	vadd.f32 v12, v11  }
0xd4: {  	v10 =	vld [tilespmem:s3+$0x100];
	v3 =	vadd.f32 v4, v3  }
0xd5: {  	s15 =	sor.u32 $0x180, s24;
	v4 =	vld [tilespmem:s3+$0x180];
	v5 =	vadd.f32 v5, v13  }
0xd6: {  	[tilespmem:s15+$0x0] =	vst.add.f32.msk $0xffff, v3  }
0xd7: {  	v11 =	vld [tilespmem:s3+$0x200];
	v3 =	vadd.f32 v5, v7  }
0xd8: {  	v5 =	vld [tilespmem:s3+$0x280]  }
0xd9: {  	v7 =	vld [tilespmem:s3+$0x300]  }
0xda: {  	v12 =	vld [tilespmem:s3+$0x380]  }
0xdb: {  	v13 =	vld [tilespmem:s12+$0x0]  }
0xdc: {  	v14 =	vld [tilespmem:s12+$0x80]  }
0xdd: {  	v15 =	vld [tilespmem:s12+$0x100]  }
0xde: {  	v6 =	vadd.f32 v6, v9;
	v4 =	vadd.f32 v4, v10;
	v16 =	vld [tilespmem:s12+$0x180]  }
0xdf: {  	v5 =	vadd.f32 v5, v11;
	v9 =	vld [tilespmem:s12+$0x200];
	v7 =	vadd.f32 v12, v7  }
0xe0: {  	v10 =	vld [tilespmem:s12+$0x280]  }
0xe1: {  	s3 =	sshll.u32 s26, $0x6;
	v4 =	vadd.f32 v4, v6;
	v11 =	vld [tilespmem:s12+$0x300];
	v5 =	vadd.f32 v7, v5  }
0xe2: {  	s3 =	sand.u32 $0x3FFFFE00, s3;
	v7 =	vadd.f32 v14, v13;
	v6 =	vld [tilespmem:s12+$0x380]  }
0xe3: {  	s3 =	sadd.s32 $0x14000, s3;
	v12 =	vadd.f32 v16, v15;
	v4 =	vadd.f32 v5, v4;
	v5 =	vld [tilespmem:s11+$0x0]  }
0xe4: {  	s24 =	sor.u32 s28, s3;
	s12 =	sor.u32 s0, s3;
	s11 =	sadd.s32 $0x6000, s29;
	v13 =	vld [tilespmem:s18+$0x0]  }
0xe5: {  	s15 =	sadd.s32 $0x6080, s29;
	s3 =	sor.u32 s0, s11;
	s11 =	sor.u32 s28, s11;
	v9 =	vadd.f32 v10, v9;
	v7 =	vadd.f32 v12, v7;
	[tilespmem:s24+$0x0] =	vst.add.f32.msk $0xffff, v4  }
0xe6: {  	s17 =	sor.u32 s0, s15;
	s18 =	sadd.s32 $0x6100, s29;
	v4 =	vld [tilespmem:s11+$0x0];
	s11 =	sor.u32 s28, s15  }
0xe7: {  	s19 =	sor.u32 s0, s18;
	s15 =	sadd.s32 $0x6180, s29;
	v6 =	vadd.f32 v6, v11;
	v10 =	vld [tilespmem:s11+$0x0];
	s11 =	sor.u32 s28, s18  }
0xe8: {  	s20 =	sor.u32 s0, s15;
	s18 =	sadd.s32 $0x6200, s29;
	v11 =	vld [tilespmem:s11+$0x0];
	s11 =	sor.u32 s28, s15;
	v5 =	vadd.f32 v5, v8  }
0xe9: {  	s21 =	sor.u32 s0, s18;
	s15 =	sadd.s32 $0x6280, s29;
	v6 =	vadd.f32 v6, v9;
	v8 =	vld [tilespmem:s11+$0x0];
	s11 =	sor.u32 s28, s18  }
0xea: {  	s30 =	sor.u32 s0, s15;
	s18 =	sadd.s32 $0x6300, s29;
	v9 =	vld [tilespmem:s11+$0x0];
	s11 =	sor.u32 s28, s15  }
0xeb: {  	s31 =	sor.u32 s0, s18;
	s15 =	sadd.s32 $0x6380, s29;
	v6 =	vadd.f32 v6, v7;
	v7 =	vld [tilespmem:s11+$0x0];
	s11 =	sor.u32 s28, s18  }
0xec: {  	s14 =	sor.u32 s0, s15;
	s18 =	sor.u32 $0x80, s12;
	s7 =	sor.u32 s28, s15;
	v12 =	vld [tilespmem:s11+$0x0]  }
0xed: {  	s15 =	sor.u32 $0x100, s12;
	s11 =	sor.u32 $0x180, s12;
	v14 =	vld [tilespmem:s7+$0x0]  }
0xee: {  	[tilespmem:s12+$0x0] =	vst.add.f32.msk $0xffff, v6  }
0xef: {  	v6 =	vld [tilespmem:s3+$0x0]  }
0xf0: {  	v15 =	vld [tilespmem:s17+$0x0]  }
0xf1: {  	v4 =	vadd.f32 v10, v4;
	v8 =	vadd.f32 v8, v11;
	v16 =	vld [tilespmem:s19+$0x0]  }
0xf2: {  	v7 =	vadd.f32 v7, v9;
	v10 =	vld [tilespmem:s20+$0x0];
	v9 =	vadd.f32 v14, v12  }
0xf3: {  	v11 =	vld [tilespmem:s21+$0x0]  }
0xf4: {  	v4 =	vadd.f32 v8, v4;
	v12 =	vld [tilespmem:s30+$0x0];
	v7 =	vadd.f32 v9, v7  }
0xf5: {  	v8 =	vld [tilespmem:s31+$0x0];
	v6 =	vadd.f32 v15, v6  }
0xf6: {  	v9 =	vld [tilespmem:s14+$0x0];
	v4 =	vadd.f32 v7, v4  }
0xf7: {  	s7 =	sor.u32 $0x80, s24;
	s3 =	sadd.s32 $0x8000, s29;
	v7 =	vadd.f32 v10, v16;
	v10 =	vld [tilespmem:s1+$0x0]  }
0xf8: {  	s12 =	sadd.s32 $0x8080, s29;
	s1 =	sor.u32 s0, s3;
	s3 =	sor.u32 s28, s3;
	[tilespmem:s7+$0x0] =	vst.add.f32.msk $0xffff, v4  }
0xf9: {  	s14 =	sadd.s32 $0x8100, s29;
	s7 =	sor.u32 s0, s12;
	v4 =	vadd.f32 v12, v11;
	v6 =	vadd.f32 v7, v6;
	v7 =	vld [tilespmem:s3+$0x0];
	s3 =	sor.u32 s28, s12  }
0xfa: {  	s17 =	sadd.s32 $0x8180, s29;
	s12 =	sor.u32 s0, s14;
	v11 =	vld [tilespmem:s3+$0x0];
	s3 =	sor.u32 s28, s14  }
0xfb: {  	s19 =	sadd.s32 $0x8200, s29;
	s14 =	sor.u32 s0, s17;
	v8 =	vadd.f32 v9, v8;
	v9 =	vld [tilespmem:s3+$0x0];
	s3 =	sor.u32 s28, s17  }
0xfc: {  	s20 =	sadd.s32 $0x8280, s29;
	s17 =	sor.u32 s0, s19;
	v12 =	vld [tilespmem:s3+$0x0];
	s3 =	sor.u32 s28, s19;
	v10 =	vadd.f32 v10, v13  }
0xfd: {  	s21 =	sadd.s32 $0x8300, s29;
	s19 =	sor.u32 s0, s20;
	v4 =	vadd.f32 v8, v4;
	v8 =	vld [tilespmem:s3+$0x0];
	s3 =	sor.u32 s28, s20  }
0xfe: {  	s30 =	sadd.s32 $0x8380, s29;
	s20 =	sor.u32 s0, s21;
	v13 =	vld [tilespmem:s3+$0x0];
	s3 =	sor.u32 s28, s21;
	v5 =	vadd.f32 v10, v5  }
0xff: {  	s21 =	sor.u32 s0, s30;
	v4 =	vadd.f32 v4, v6;
	v6 =	vld [tilespmem:s3+$0x0];
	s3 =	sor.u32 s28, s30  }
0x100: {  	v10 =	vld [tilespmem:s3+$0x0];
	v3 =	vadd.f32 v5, v3  }
0x101: {  	[tilespmem:s18+$0x0] =	vst.add.f32.msk $0xffff, v4  }
0x102: {  	v4 =	vld [tilespmem:s1+$0x0]  }
0x103: {  	v5 =	vld [tilespmem:s7+$0x0]  }
0x104: {  	v7 =	vadd.f32 v11, v7;
	v9 =	vadd.f32 v12, v9;
	v14 =	vld [tilespmem:s12+$0x0]  }
0x105: {  	v8 =	vadd.f32 v13, v8;
	v11 =	vld [tilespmem:s14+$0x0];
	v6 =	vadd.f32 v10, v6  }
0x106: {  	v10 =	vld [tilespmem:s17+$0x0]  }
0x107: {  	v7 =	vadd.f32 v9, v7;
	v12 =	vld [tilespmem:s19+$0x0];
	v6 =	vadd.f32 v6, v8  }
0x108: {  	v8 =	vld [tilespmem:s20+$0x0];
	v4 =	vadd.f32 v5, v4  }
0x109: {  	s3 =	sor.u32 $0x100, s24;
	v5 =	vld [tilespmem:s21+$0x0];
	v6 =	vadd.f32 v6, v7  }
0x10a: {  	s1 =	sadd.s32 $0xA000, s29;
	s7 =	sadd.s32 $0xA080, s29;
	v7 =	vadd.f32 v11, v14;
	[tilespmem:s25+$0x0] =	vst.add.f32.msk $0xffff, v3;
	s25 =	smov.u32 s11  }
0x10b: {  	s30 =	sor.u32 s0, s1;
	s1 =	sor.u32 s28, s1;
	s31 =	sor.u32 s0, s7;
	[tilespmem:s3+$0x0] =	vst.add.f32.msk $0xffff, v6  }
0x10c: {  	s12 =	sadd.s32 $0xA300, s29;
	s11 =	sadd.s32 $0xA100, s29;
	v9 =	vadd.f32 v12, v10;
	v10 =	vadd.f32 v7, v4;
	v3 =	vld [tilespmem:s1+$0x0];
	s1 =	sor.u32 s28, s7  }
0x10d: {  	s3 =	sor.u32 s0, s11;
	s7 =	sadd.s32 $0xA180, s29;
	v4 =	vld [tilespmem:s1+$0x0];
	s1 =	sor.u32 s28, s11  }
0x10e: {  	s19 =	sor.u32 s0, s7;
	s11 =	sadd.s32 $0xA200, s29;
	v7 =	vadd.f32 v5, v8;
	v5 =	vld [tilespmem:s1+$0x0];
	s1 =	sor.u32 s28, s7  }
0x10f: {  	s17 =	sor.u32 s0, s11;
	s7 =	sadd.s32 $0xA280, s29;
	v6 =	vld [tilespmem:s1+$0x0];
	s1 =	sor.u32 s28, s11  }
.Ltmp2:
0x110: {  	s11 =	sor.u32 s0, s7;
	v9 =	vadd.f32 v7, v9;
	v7 =	vld [tilespmem:s1+$0x0];
	s1 =	sor.u32 s28, s7;
	(pc) =	sbr.rel @p0 .LBB2_3-.Ltmp2, $4  }
0x111: {  	s18 =	sor.u32 s0, s12;
	s12 =	sor.u32 s28, s12;
	s7 =	sadd.s32 $0xA380, s29;
	v8 =	vld [tilespmem:s1+$0x0]  }
0x112: {  	s1 =	sor.u32 s0, s7;
	s0 =	sor.u32 s28, s7;
	v11 =	vadd.f32 v9, v10;
	v9 =	vld [tilespmem:s12+$0x0]  }
0x113: {  	v10 =	vld [tilespmem:s0+$0x0]  }
0x114: {  	[tilespmem:s15+$0x0] =	vst.add.f32.msk $0xffff, v11  }
0x115: {  	v11 =	vld [tilespmem:s30+$0x0]  }
0x116: {  	v12 =	vld [tilespmem:s31+$0x0]  }
0x117: {  	v13 =	vld [tilespmem:s3+$0x0]  }
0x118: {  	v14 =	vld [tilespmem:s19+$0x0]  }
0x119: {  	v15 =	vld [tilespmem:s17+$0x0]  }
0x11a: {  	v16 =	vld [tilespmem:s11+$0x0]  }
0x11b: {  	v17 =	vld [tilespmem:s18+$0x0]  }
0x11c: {  	v18 =	vld [tilespmem:s1+$0x0];
	_ =	sdelay $0x1  }
0x11d: {  	v3 =	vadd.f32 v4, v3;
	v4 =	vadd.f32 v6, v5  }
0x11e: {  	v5 =	vadd.f32 v8, v7;
	v6 =	vadd.f32 v10, v9  }
0x11f: {  	v7 =	vadd.f32 v12, v11;
	v8 =	vadd.f32 v14, v13  }
0x120: {  	v9 =	vadd.f32 v16, v15;
	v10 =	vadd.f32 v18, v17  }
0x121: {  	v3 =	vadd.f32 v4, v3;
	v4 =	vadd.f32 v6, v5  }
0x122: {  	v5 =	vadd.f32 v8, v7;
	v6 =	vadd.f32 v10, v9  }
0x123: {  	v3 =	vadd.f32 v4, v3  }
0x124: {  	s0 =	sor.u32 $0x180, s24;
	s23 =	sshll.u32 s22, $0xB;
	v4 =	vadd.f32 v6, v5  }
0x125: {  	s17 =	rddreg [dreg:$0x2];
	s24 =	sadd.s32 s6, s23;
	[tilespmem:s0+$0x0] =	vst.add.f32.msk $0xffff, v3  }
0x126: {  	s18 =	simm.s32 $0x14000;
	s0 =	sadd.s32 s17, s24;
	[tilespmem:s25+$0x0] =	vst.add.f32.msk $0xffff, v4;
	s25 =	sor.u32 $0x400, s23  }
0x127: {  	[hbm4b:s0+s2] =	stream.strided.scatter [tilespmem:s18], [sflag:$0x7], $0x1000, s16, s2, $0x38;
	[tilespmem:$0x18000] =	vst v63  }
0x128: {  	s19 =	sshrl.u32 s25, $0x2  }
0x129: {  	v3 =	vld [tilespmem:s19+$0x0];
	_ =	sdelay $0x4  }
0x12a: {  	v4 =	vshll.u32 v3, $0x3  }
0x12b: {  	v3 =	vand.u32 $0x7, v3;
	v4 =	vand.u32 $0xFFFFFFC0, v4  }
0x12c: {  	v3 =	vor.u32 v3, v4  }
0x12d: {  	v4 =	vperm.xlane v3, v0;
	_ =	sdelay $0x1  }
0x12e: {  	v4 =	vadd.s32 v1, v4;
	_ =	sdelay $0x3  }
0x12f: {  	s20 =	simm.s32 $0x4000  }
0x130: {  	[tilespmem:s20], [sflag:$0x1] =	stream.indirect_vreg.gather [hbm4b:s5+s4], $0x80, v4, vm0, $0xb8;
	[tilespmem:$0x18000] =	vst v63  }
0x131: {  	s21 =	simm.s32 $0x4800;
	v3 =	vperm.xlane v3, v2  }
0x132: {  	[tilespmem:s21], [sflag:$0x1] =	stream.indirect_vreg.gather [hbm4b:s8+s4], $0x80, v4, vm0, $0xb8;
	[tilespmem:$0x18000] =	vst v63  }
0x133: {  	s26 =	simm.s32 $0x5000;
	v3 =	vadd.s32 v1, v3  }
0x134: {  	[tilespmem:s26], [sflag:$0x1] =	stream.indirect_vreg.gather [hbm4b:s9+s4], $0x80, v4, vm0, $0xb8;
	[tilespmem:$0x18000] =	vst v63  }
0x135: {  	s3 =	simm.s32 $0x5800  }
0x136: {  	[tilespmem:s3], [sflag:$0x1] =	stream.indirect_vreg.gather [hbm4b:s10+s4], $0x80, v4, vm0, $0xb8;
	[tilespmem:$0x18000] =	vst v63  }
0x137: {  	s7 =	simm.s32 $0x6000  }
0x138: {  	[tilespmem:s7], [sflag:$0x1] =	stream.indirect_vreg.gather [hbm4b:s5+s4], $0x80, v3, vm0, $0xb8;
	[tilespmem:$0x18000] =	vst v63  }
0x139: {  	s11 =	simm.s32 $0x6800  }
0x13a: {  	[tilespmem:s11], [sflag:$0x1] =	stream.indirect_vreg.gather [hbm4b:s8+s4], $0x80, v3, vm0, $0xb8;
	[tilespmem:$0x18000] =	vst v63  }
0x13b: {  	s12 =	simm.s32 $0x7000  }
0x13c: {  	[tilespmem:s12], [sflag:$0x1] =	stream.indirect_vreg.gather [hbm4b:s9+s4], $0x80, v3, vm0, $0xb8;
	[tilespmem:$0x18000] =	vst v63  }
0x13d: {  	s13 =	simm.s32 $0x7800  }
0x13e: {  	[tilespmem:s13], [sflag:$0x1] =	stream.indirect_vreg.gather [hbm4b:s10+s4], $0x80, v3, vm0, $0xb8;
	[tilespmem:$0x18000] =	vst v63  }
0x13f: {  	v3 =	vld [tilespmem:s19+$0x10];
	_ =	sdelay $0x4  }
0x140: {  	v4 =	vshll.u32 v3, $0x3  }
0x141: {  	v3 =	vand.u32 $0x7, v3;
	v4 =	vand.u32 $0xFFFFFFC0, v4  }
0x142: {  	v3 =	vor.u32 v3, v4  }
0x143: {  	v4 =	vperm.xlane v3, v0;
	_ =	sdelay $0x1  }
0x144: {  	v4 =	vadd.s32 v1, v4;
	_ =	sdelay $0x3  }
0x145: {  	s14 =	simm.s32 $0x8000  }
0x146: {  	[tilespmem:s14], [sflag:$0x1] =	stream.indirect_vreg.gather [hbm4b:s5+s4], $0x80, v4, vm0, $0xb8;
	[tilespmem:$0x18000] =	vst v63  }
0x147: {  	s15 =	simm.s32 $0x8800;
	v3 =	vperm.xlane v3, v2  }
0x148: {  	[tilespmem:s15], [sflag:$0x1] =	stream.indirect_vreg.gather [hbm4b:s8+s4], $0x80, v4, vm0, $0xb8;
	[tilespmem:$0x18000] =	vst v63  }
0x149: {  	s17 =	simm.s32 $0x9000;
	v3 =	vadd.s32 v1, v3  }
0x14a: {  	[tilespmem:s17], [sflag:$0x1] =	stream.indirect_vreg.gather [hbm4b:s9+s4], $0x80, v4, vm0, $0xb8;
	[tilespmem:$0x18000] =	vst v63  }
0x14b: {  	s18 =	simm.s32 $0x9800  }
0x14c: {  	[tilespmem:s18], [sflag:$0x1] =	stream.indirect_vreg.gather [hbm4b:s10+s4], $0x80, v4, vm0, $0xb8;
	[tilespmem:$0x18000] =	vst v63  }
0x14d: {  	s19 =	simm.s32 $0xA000  }
0x14e: {  	[tilespmem:s19], [sflag:$0x1] =	stream.indirect_vreg.gather [hbm4b:s5+s4], $0x80, v3, vm0, $0xb8;
	[tilespmem:$0x18000] =	vst v63  }
0x14f: {  	s20 =	simm.s32 $0xA800  }
0x150: {  	[tilespmem:s20], [sflag:$0x1] =	stream.indirect_vreg.gather [hbm4b:s8+s4], $0x80, v3, vm0, $0xb8;
	[tilespmem:$0x18000] =	vst v63  }
0x151: {  	p0 =	seq.s32 s22, $0x0;
	s21 =	simm.s32 $0xB000  }
0x152: {  	[tilespmem:s21], [sflag:$0x1] =	stream.indirect_vreg.gather [hbm4b:s9+s4], $0x80, v3, vm0, $0xb8;
	[tilespmem:$0x18000] =	vst v63  }
0x153: {  	s0 =	simm.s32 @!p0 $0x9;
	s26 =	simm.s32 $0xB800  }
0x154: {  	[tilespmem:s26], [sflag:$0x1] =	stream.indirect_vreg.gather [hbm4b:s10+s4], $0x80, v3, vm0, $0xb8;
	[tilespmem:$0x18000] =	vst v63  }
0x155: {  	_ =	swait.ge @!p0 [sflag:s0], $0x1000  }
0x156: {  	s3 =	simm.s32 $0x16000;
	[sflag:s0] =	ssyncset.done @!p0 $0x0;
	s1 =	rddreg [dreg:$0x5]  }
0x157: {  	s7 =	simm.s32 $0x2;
	[sflag:s0] =	ssyncadd.s32 @!p0 $0xFFFFF000;
	s0 =	sadd.s32 s25, s1  }
0x158: {  	[tilespmem:s3], [sflag:$0x5] =	stream.strided.gather [hbm4b:s0+s2], $0x1000, s16, s2, $0x38;
	[tilespmem:$0x18000] =	vst v63  }
0x159: {  	_ =	swait.ge [sflag:s7], $0x8000  }
0x15a: {  	s28 =	simm.s32 $0x0;
	[sflag:s7] =	ssyncset.done $0x0  }
0x15b: {  	s11 =	simm.s32 $0x0;
	s12 =	simm.s32 $0x4;
	[sflag:s7] =	ssyncadd.s32 $0xFFFF8000  }
0x15c: {  	s26 =	sand.u32 $0x60, s28;
	s0 =	sand.u32 $0x3FFFFC00, s11;
	_ =	swait.ge [sflag:s12], $0x1000  }
0x15d: {  	s29 =	sor.u32 $0x10, s26;
	s1 =	sadd.s32 $0xC000, s0;
	[sflag:s12] =	ssyncset.done $0x0  }
0x15e: {  	s3 =	sadd.s32 $0xC080, s0;
	s7 =	sor.u32 s29, s1;
	[sflag:s12] =	ssyncadd.s32 $0xFFFFF000  }
0x15f: {  	s11 =	sadd.s32 $0xC100, s0;
	s13 =	sor.u32 s29, s3;
	v3 =	vld [tilespmem:s7+$0x0]  }
0x160: {  	s17 =	sadd.s32 $0xC280, s0;
	s14 =	sor.u32 s29, s11;
	v4 =	vld [tilespmem:s13+$0x0]  }
0x161: {  	s19 =	sadd.s32 $0xC300, s0;
	s20 =	sor.u32 s29, s17;
	v5 =	vld [tilespmem:s14+$0x0]  }
0x162: {  	s18 =	sadd.s32 $0xC380, s0;
	s21 =	sor.u32 s29, s19;
	v8 =	vld [tilespmem:s20+$0x0]  }
0x163: {  	s2 =	sor.u32 s29, s18;
	s12 =	sadd.s32 $0xC180, s0;
	v9 =	vld [tilespmem:s21+$0x0]  }
0x164: {  	s15 =	sor.u32 s29, s12;
	s14 =	sadd.s32 $0xC200, s0;
	v10 =	vld [tilespmem:s2+$0x0]  }
0x165: {  	v6 =	vld [tilespmem:s15+$0x0];
	s15 =	sor.u32 s29, s14  }
0x166: {  	v7 =	vld [tilespmem:s15+$0x0]  }
0x167: {  	s1 =	sor.u32 s26, s1  }
0x168: {  	s3 =	sor.u32 s26, s3;
	v11 =	vld [tilespmem:s1+$0x0]  }
0x169: {  	s11 =	sor.u32 s26, s11;
	v58 =	vld [tilespmem:s3+$0x0]  }
0x16a: {  	s13 =	sor.u32 s26, s12;
	v59 =	vld [tilespmem:s11+$0x0];
	v3 =	vadd.f32 v4, v3;
	v4 =	vadd.f32 v6, v5  }
0x16b: {  	s14 =	sor.u32 s26, s14;
	v5 =	vld [tilespmem:s13+$0x0];
	v6 =	vadd.f32 v8, v7;
	v7 =	vadd.f32 v10, v9  }
0x16c: {  	s15 =	sor.u32 s26, s17;
	v8 =	vld [tilespmem:s14+$0x0]  }
0x16d: {  	s19 =	sor.u32 s26, s19;
	s20 =	simm.s32 $0x0;
	v9 =	vld [tilespmem:s15+$0x0];
	v3 =	vadd.f32 v4, v3;
	v4 =	vadd.f32 v7, v6  }
0x16e: {  	s21 =	sor.u32 s26, s18;
	s30 =	sand.u32 $0x3FFFFE00, s20;
	v6 =	vld [tilespmem:s19+$0x0]  }
0x16f: {  	s1 =	sadd.s32 $0x15000, s30;
	v7 =	vld [tilespmem:s21+$0x0];
	v3 =	vadd.f32 v4, v3  }
0x170: {  	s3 =	sadd.s32 $0xE000, s0;
	s2 =	sor.u32 s29, s1  }
0x171: {  	s11 =	sadd.s32 $0xE080, s0;
	s12 =	sor.u32 s29, s3;
	[tilespmem:s2+$0x0] =	vst.add.f32.msk $0xffff, v3  }
0x172: {  	s13 =	sadd.s32 $0xE100, s0;
	s15 =	sor.u32 s29, s11;
	v3 =	vld [tilespmem:s12+$0x0]  }
0x173: {  	s14 =	sadd.s32 $0xE180, s0;
	s17 =	sor.u32 s29, s13;
	v4 =	vadd.f32 v58, v11;
	v5 =	vadd.f32 v5, v59;
	v10 =	vld [tilespmem:s15+$0x0]  }
0x174: {  	s18 =	sor.u32 s29, s14;
	v8 =	vadd.f32 v9, v8;
	v6 =	vadd.f32 v7, v6;
	s15 =	sadd.s32 $0xE200, s0;
	v7 =	vld [tilespmem:s17+$0x0]  }
0x175: {  	s17 =	sadd.s32 $0xE280, s0;
	v9 =	vld [tilespmem:s18+$0x0];
	s19 =	sor.u32 s29, s15  }
0x176: {  	v4 =	vadd.f32 v5, v4;
	s18 =	sadd.s32 $0xE300, s0;
	s20 =	sor.u32 s29, s17;
	v5 =	vadd.f32 v6, v8;
	v6 =	vld [tilespmem:s19+$0x0]  }
0x177: {  	s21 =	sor.u32 s29, s18;
	s19 =	sadd.s32 $0xE380, s0;
	v8 =	vld [tilespmem:s20+$0x0]  }
0x178: {  	s2 =	sor.u32 s29, s19;
	v4 =	vadd.f32 v5, v4;
	v5 =	vld [tilespmem:s21+$0x0]  }
0x179: {  	s1 =	sor.u32 s26, s1;
	v11 =	vld [tilespmem:s2+$0x0]  }
0x17a: {  	s3 =	sor.u32 s26, s3;
	[tilespmem:s1+$0x0] =	vst.add.f32.msk $0xffff, v4  }
0x17b: {  	s11 =	sor.u32 s26, s11;
	v4 =	vld [tilespmem:s3+$0x0]  }
0x17c: {  	s13 =	sor.u32 s26, s13;
	v60 =	vld [tilespmem:s11+$0x0]  }
0x17d: {  	s14 =	sor.u32 s26, s14;
	v3 =	vadd.f32 v10, v3;
	v7 =	vadd.f32 v9, v7;
	v61 =	vld [tilespmem:s13+$0x0]  }
0x17e: {  	s15 =	sor.u32 s26, s15;
	v9 =	vld [tilespmem:s14+$0x0];
	v6 =	vadd.f32 v8, v6;
	v5 =	vadd.f32 v11, v5  }
0x17f: {  	s20 =	sor.u32 s26, s17;
	v8 =	vld [tilespmem:s15+$0x0]  }
0x180: {  	s2 =	sor.u32 s26, s19;
	v10 =	vld [tilespmem:s20+$0x0];
	v3 =	vadd.f32 v7, v3;
	v5 =	vadd.f32 v5, v6  }
0x181: {  	s21 =	sor.u32 s26, s18;
	v7 =	vld [tilespmem:s2+$0x0]  }
0x182: {  	s3 =	sadd.s32 $0x15080, s30;
	v6 =	vld [tilespmem:s21+$0x0];
	v3 =	vadd.f32 v5, v3  }
0x183: {  	s11 =	sadd.s32 $0x10000, s0;
	s12 =	sor.u32 s29, s3  }
0x184: {  	s13 =	sadd.s32 $0x10080, s0;
	s14 =	sor.u32 s29, s11;
	[tilespmem:s12+$0x0] =	vst.add.f32.msk $0xffff, v3  }
0x185: {  	s15 =	sor.u32 s29, s13;
	s12 =	sadd.s32 $0x10100, s0;
	v3 =	vld [tilespmem:s14+$0x0]  }
0x186: {  	v4 =	vadd.f32 v60, v4;
	v5 =	vadd.f32 v9, v61;
	s14 =	sadd.s32 $0x10180, s0;
	v9 =	vld [tilespmem:s15+$0x0];
	s17 =	sor.u32 s29, s12  }
0x187: {  	v8 =	vadd.f32 v10, v8;
	v6 =	vadd.f32 v7, v6;
	s15 =	sadd.s32 $0x10200, s0;
	v7 =	vld [tilespmem:s17+$0x0];
	s18 =	sor.u32 s29, s14  }
0x188: {  	s17 =	sadd.s32 $0x10280, s0;
	s19 =	sor.u32 s29, s15;
	v10 =	vld [tilespmem:s18+$0x0]  }
0x189: {  	v4 =	vadd.f32 v5, v4;
	v5 =	vadd.f32 v6, v8;
	s18 =	sadd.s32 $0x10300, s0;
	v6 =	vld [tilespmem:s19+$0x0];
	s20 =	sor.u32 s29, s17  }
0x18a: {  	s19 =	sadd.s32 $0x10380, s0;
	v8 =	vld [tilespmem:s20+$0x0];
	s21 =	sor.u32 s29, s18  }
0x18b: {  	s2 =	sor.u32 s29, s19;
	v4 =	vadd.f32 v5, v4;
	v5 =	vld [tilespmem:s21+$0x0]  }
0x18c: {  	s1 =	sor.u32 s26, s3;
	v11 =	vld [tilespmem:s2+$0x0]  }
0x18d: {  	s3 =	sor.u32 s26, s11;
	[tilespmem:s1+$0x0] =	vst.add.f32.msk $0xffff, v4  }
0x18e: {  	s13 =	sor.u32 s26, s13;
	v4 =	vld [tilespmem:s3+$0x0]  }
0x18f: {  	s20 =	sor.u32 s26, s12;
	v62 =	vld [tilespmem:s13+$0x0]  }
0x190: {  	s21 =	sor.u32 s26, s14;
	v3 =	vadd.f32 v9, v3;
	v63 =	vld [tilespmem:s20+$0x0];
	v7 =	vadd.f32 v10, v7  }
0x191: {  	s7 =	sor.u32 s26, s17;
	v9 =	vld [tilespmem:s21+$0x0];
	v6 =	vadd.f32 v8, v6;
	v5 =	vadd.f32 v11, v5  }
0x192: {  	s2 =	sor.u32 s26, s15;
	v10 =	vld [tilespmem:s7+$0x0]  }
0x193: {  	s12 =	sor.u32 s26, s19;
	v8 =	vld [tilespmem:s2+$0x0];
	v3 =	vadd.f32 v7, v3;
	v5 =	vadd.f32 v5, v6  }
0x194: {  	s11 =	sor.u32 s26, s18;
	v7 =	vld [tilespmem:s12+$0x0]  }
0x195: {  	s13 =	sadd.s32 $0x15100, s30;
	v6 =	vld [tilespmem:s11+$0x0];
	v3 =	vadd.f32 v5, v3  }
0x196: {  	s3 =	sadd.s32 $0x12000, s0;
	s14 =	sor.u32 s29, s13  }
0x197: {  	s15 =	sor.u32 s29, s3;
	s11 =	sadd.s32 $0x12080, s0;
	[tilespmem:s14+$0x0] =	vst.add.f32.msk $0xffff, v3  }
0x198: {  	s12 =	sadd.s32 $0x12100, s0;
	s17 =	sor.u32 s29, s11;
	v3 =	vld [tilespmem:s15+$0x0]  }
0x199: {  	s18 =	sor.u32 s29, s12;
	v11 =	vadd.f32 v62, v4;
	v9 =	vadd.f32 v9, v63;
	s14 =	sadd.s32 $0x12180, s0;
	v4 =	vld [tilespmem:s17+$0x0]  }
0x19a: {  	v8 =	vadd.f32 v10, v8;
	v7 =	vadd.f32 v7, v6;
	s15 =	sadd.s32 $0x12200, s0;
	v5 =	vld [tilespmem:s18+$0x0];
	s19 =	sor.u32 s29, s14  }
0x19b: {  	s18 =	sadd.s32 $0x12280, s0;
	v6 =	vld [tilespmem:s19+$0x0];
	s20 =	sor.u32 s29, s15  }
0x19c: {  	s31 =	simm.s32 $0x0;
	s21 =	sadd.s32 $0x12300, s0;
	v9 =	vadd.f32 v9, v11;
	s2 =	sor.u32 s29, s18;
	v10 =	vadd.f32 v7, v8;
	v7 =	vld [tilespmem:s20+$0x0]  }
0x19d: {  	s13 =	sor.u32 s26, s13;
	s0 =	sadd.s32 $0x12380, s0;
	s19 =	sor.u32 s29, s21;
	v8 =	vld [tilespmem:s2+$0x0]  }
0x19e: {  	s1 =	sor.u32 s26, s3;
	s17 =	sor.u32 s26, s11;
	s20 =	sor.u32 s29, s0;
	v11 =	vadd.f32 v10, v9;
	v9 =	vld [tilespmem:s19+$0x0]  }
0x19f: {  	s11 =	sor.u32 s26, s21;
	s3 =	sor.u32 s26, s15;
	s18 =	sor.u32 s26, s18;
	v10 =	vld [tilespmem:s20+$0x0]  }
0x1a0: {  	s15 =	sor.u32 s26, s0;
	s19 =	sor.u32 s26, s12;
	s20 =	sor.u32 s26, s14;
	[tilespmem:s13+$0x0] =	vst.add.f32.msk $0xffff, v11  }
.LBB2_5:
0x1a1: {  	s31 =	sadd.s32 $0x2, s31;
	v11 =	vld [tilespmem:s1+$0x0]  }
0x1a2: {  	s28 =	sadd.s32 $0x20, s28;
	s0 =	sshll.u32 s31, $0x7;
	p1 =	slt.u32 s31, $0x3E;
	v12 =	vld [tilespmem:s17+$0x0]  }
0x1a3: {  	v3 =	vadd.f32 v4, v3;
	v4 =	vadd.f32 v6, v5;
	s2 =	sand.u32 $0x60, s28;
	s0 =	sand.u32 $0x3FFFFC00, s0;
	v13 =	vld [tilespmem:s19+$0x0]  }
0x1a4: {  	v6 =	vadd.f32 v8, v7;
	s7 =	sor.u32 $0x10, s2;
	s1 =	sadd.s32 $0xC000, s0;
	v5 =	vld [tilespmem:s20+$0x0];
	v7 =	vadd.f32 v10, v9  }
0x1a5: {  	s14 =	sadd.s32 $0xC080, s0;
	s12 =	sor.u32 s2, s1;
	s1 =	sor.u32 s7, s1;
	v8 =	vld [tilespmem:s3+$0x0]  }
0x1a6: {  	v3 =	vadd.f32 v4, v3;
	s17 =	sadd.s32 $0xC100, s0;
	s3 =	sor.u32 s2, s14;
	v9 =	vld [tilespmem:s1+$0x0];
	s1 =	sor.u32 s7, s14;
	v4 =	vadd.f32 v7, v6  }
0x1a7: {  	s19 =	sadd.s32 $0xC180, s0;
	s14 =	sor.u32 s2, s17;
	v6 =	vld [tilespmem:s1+$0x0];
	s1 =	sor.u32 s7, s17;
	v7 =	vadd.f32 v12, v11  }
0x1a8: {  	s17 =	sor.u32 s2, s19;
	v10 =	vld [tilespmem:s1+$0x0];
	s1 =	sor.u32 s7, s19;
	s19 =	sadd.s32 $0x15180, s30;
	v3 =	vadd.f32 v4, v3  }
0x1a9: {  	s20 =	sadd.s32 $0xC200, s0;
	v4 =	vld [tilespmem:s1+$0x0];
	v5 =	vadd.f32 v5, v13;
	s1 =	sor.u32 s26, s19;
	s19 =	sor.u32 s29, s19  }
0x1aa: {  	s21 =	sor.u32 s2, s20;
	s20 =	sor.u32 s7, s20;
	s26 =	sadd.s32 $0xC280, s0;
	[tilespmem:s19+$0x0] =	vst.add.f32.msk $0xffff, v3  }
0x1ab: {  	s29 =	sadd.s32 $0xC300, s0;
	s19 =	sor.u32 s2, s26;
	v11 =	vld [tilespmem:s20+$0x0];
	s20 =	sor.u32 s7, s26;
	v3 =	vadd.f32 v5, v7  }
0x1ac: {  	s30 =	sor.u32 s2, s29;
	s26 =	sadd.s32 $0xC380, s0;
	v5 =	vld [tilespmem:s20+$0x0];
	s20 =	sor.u32 s7, s29  }
0x1ad: {  	s13 =	sor.u32 s2, s26;
	v7 =	vld [tilespmem:s20+$0x0];
	s20 =	sor.u32 s7, s26;
	s26 =	smov.u32 s2  }
0x1ae: {  	s29 =	smov.u32 s7;
	v12 =	vld [tilespmem:s20+$0x0]  }
0x1af: {  	v13 =	vld [tilespmem:s12+$0x0]  }
0x1b0: {  	v14 =	vld [tilespmem:s3+$0x0]  }
0x1b1: {  	v15 =	vld [tilespmem:s14+$0x0]  }
0x1b2: {  	v6 =	vadd.f32 v6, v9;
	v4 =	vadd.f32 v4, v10;
	v16 =	vld [tilespmem:s17+$0x0]  }
0x1b3: {  	v5 =	vadd.f32 v5, v11;
	v9 =	vld [tilespmem:s21+$0x0];
	v7 =	vadd.f32 v12, v7  }
0x1b4: {  	v10 =	vld [tilespmem:s19+$0x0]  }
0x1b5: {  	s2 =	sshll.u32 s31, $0x6;
	v4 =	vadd.f32 v4, v6;
	v11 =	vld [tilespmem:s30+$0x0];
	v5 =	vadd.f32 v7, v5  }
0x1b6: {  	v7 =	vadd.f32 v14, v13;
	s30 =	sand.u32 $0x3FFFFE00, s2;
	v6 =	vld [tilespmem:s13+$0x0]  }
0x1b7: {  	s2 =	sadd.s32 $0x15000, s30;
	v12 =	vadd.f32 v16, v15;
	v4 =	vadd.f32 v5, v4;
	v5 =	vld [tilespmem:s18+$0x0]  }
0x1b8: {  	s7 =	sadd.s32 $0xE000, s0;
	s3 =	sor.u32 s26, s2;
	s2 =	sor.u32 s29, s2;
	v13 =	vld [tilespmem:s11+$0x0]  }
0x1b9: {  	s12 =	sadd.s32 $0xE080, s0;
	s11 =	sor.u32 s26, s7;
	v9 =	vadd.f32 v10, v9;
	v7 =	vadd.f32 v12, v7;
	[tilespmem:s2+$0x0] =	vst.add.f32.msk $0xffff, v4;
	s2 =	sor.u32 s29, s7  }
0x1ba: {  	s13 =	sadd.s32 $0xE100, s0;
	s7 =	sor.u32 s26, s12;
	v4 =	vld [tilespmem:s2+$0x0];
	s2 =	sor.u32 s29, s12  }
0x1bb: {  	s14 =	sadd.s32 $0xE180, s0;
	s12 =	sor.u32 s26, s13;
	v6 =	vadd.f32 v6, v11;
	v10 =	vld [tilespmem:s2+$0x0];
	s2 =	sor.u32 s29, s13  }
0x1bc: {  	s17 =	sadd.s32 $0xE200, s0;
	s13 =	sor.u32 s26, s14;
	v11 =	vld [tilespmem:s2+$0x0];
	s2 =	sor.u32 s29, s14;
	v5 =	vadd.f32 v5, v8  }
0x1bd: {  	s18 =	sadd.s32 $0xE280, s0;
	s14 =	sor.u32 s26, s17;
	v6 =	vadd.f32 v6, v9;
	v8 =	vld [tilespmem:s2+$0x0];
	s2 =	sor.u32 s29, s17  }
0x1be: {  	s19 =	sadd.s32 $0xE300, s0;
	s17 =	sor.u32 s26, s18;
	v9 =	vld [tilespmem:s2+$0x0];
	s2 =	sor.u32 s29, s18  }
0x1bf: {  	s20 =	sadd.s32 $0xE380, s0;
	s18 =	sor.u32 s26, s19;
	v6 =	vadd.f32 v6, v7;
	v7 =	vld [tilespmem:s2+$0x0];
	s2 =	sor.u32 s29, s19  }
0x1c0: {  	s19 =	sor.u32 s26, s20;
	v12 =	vld [tilespmem:s2+$0x0];
	s2 =	sor.u32 s29, s20  }
0x1c1: {  	v14 =	vld [tilespmem:s2+$0x0]  }
0x1c2: {  	[tilespmem:s3+$0x0] =	vst.add.f32.msk $0xffff, v6  }
0x1c3: {  	v6 =	vld [tilespmem:s11+$0x0]  }
0x1c4: {  	v15 =	vld [tilespmem:s7+$0x0]  }
0x1c5: {  	v4 =	vadd.f32 v10, v4;
	v8 =	vadd.f32 v8, v11;
	v16 =	vld [tilespmem:s12+$0x0]  }
0x1c6: {  	v7 =	vadd.f32 v7, v9;
	v10 =	vld [tilespmem:s13+$0x0];
	v9 =	vadd.f32 v14, v12  }
0x1c7: {  	v11 =	vld [tilespmem:s14+$0x0]  }
0x1c8: {  	v4 =	vadd.f32 v8, v4;
	v12 =	vld [tilespmem:s17+$0x0];
	v7 =	vadd.f32 v9, v7  }
0x1c9: {  	v8 =	vld [tilespmem:s18+$0x0];
	v6 =	vadd.f32 v15, v6  }
0x1ca: {  	s2 =	sadd.s32 $0x15080, s30;
	v9 =	vld [tilespmem:s19+$0x0];
	v4 =	vadd.f32 v7, v4  }
0x1cb: {  	s3 =	sor.u32 s26, s2;
	s2 =	sor.u32 s29, s2;
	s7 =	sadd.s32 $0x10000, s0;
	v7 =	vadd.f32 v10, v16;
	v10 =	vld [tilespmem:s15+$0x0]  }
0x1cc: {  	s11 =	sor.u32 s26, s7;
	s12 =	sadd.s32 $0x10080, s0;
	[tilespmem:s2+$0x0] =	vst.add.f32.msk $0xffff, v4;
	s2 =	sor.u32 s29, s7  }
0x1cd: {  	s13 =	sadd.s32 $0x10100, s0;
	s7 =	sor.u32 s26, s12;
	v4 =	vadd.f32 v12, v11;
	v6 =	vadd.f32 v7, v6;
	v7 =	vld [tilespmem:s2+$0x0];
	s2 =	sor.u32 s29, s12  }
0x1ce: {  	s14 =	sadd.s32 $0x10180, s0;
	s12 =	sor.u32 s26, s13;
	v11 =	vld [tilespmem:s2+$0x0];
	s2 =	sor.u32 s29, s13  }
0x1cf: {  	s15 =	sadd.s32 $0x10200, s0;
	s13 =	sor.u32 s26, s14;
	v8 =	vadd.f32 v9, v8;
	v9 =	vld [tilespmem:s2+$0x0];
	s2 =	sor.u32 s29, s14  }
0x1d0: {  	s17 =	sadd.s32 $0x10280, s0;
	s14 =	sor.u32 s26, s15;
	v12 =	vld [tilespmem:s2+$0x0];
	s2 =	sor.u32 s29, s15;
	v10 =	vadd.f32 v10, v13  }
0x1d1: {  	s18 =	sadd.s32 $0x10300, s0;
	s15 =	sor.u32 s26, s17;
	v4 =	vadd.f32 v8, v4;
	v8 =	vld [tilespmem:s2+$0x0];
	s2 =	sor.u32 s29, s17  }
0x1d2: {  	s19 =	sadd.s32 $0x10380, s0;
	s17 =	sor.u32 s26, s18;
	v13 =	vld [tilespmem:s2+$0x0];
	s2 =	sor.u32 s29, s18;
	v5 =	vadd.f32 v10, v5  }
0x1d3: {  	s18 =	sor.u32 s26, s19;
	v4 =	vadd.f32 v4, v6;
	v6 =	vld [tilespmem:s2+$0x0];
	s2 =	sor.u32 s29, s19  }
0x1d4: {  	v10 =	vld [tilespmem:s2+$0x0];
	v3 =	vadd.f32 v5, v3  }
0x1d5: {  	[tilespmem:s3+$0x0] =	vst.add.f32.msk $0xffff, v4  }
0x1d6: {  	v4 =	vld [tilespmem:s11+$0x0]  }
0x1d7: {  	v5 =	vld [tilespmem:s7+$0x0]  }
0x1d8: {  	v7 =	vadd.f32 v11, v7;
	v9 =	vadd.f32 v12, v9;
	v14 =	vld [tilespmem:s12+$0x0]  }
0x1d9: {  	v8 =	vadd.f32 v13, v8;
	v11 =	vld [tilespmem:s13+$0x0];
	v6 =	vadd.f32 v10, v6  }
0x1da: {  	v10 =	vld [tilespmem:s14+$0x0]  }
0x1db: {  	v7 =	vadd.f32 v9, v7;
	v12 =	vld [tilespmem:s15+$0x0];
	v6 =	vadd.f32 v6, v8  }
0x1dc: {  	v8 =	vld [tilespmem:s17+$0x0];
	v4 =	vadd.f32 v5, v4  }
0x1dd: {  	s2 =	sadd.s32 $0x15100, s30;
	s3 =	sadd.s32 $0x12000, s0;
	v5 =	vld [tilespmem:s18+$0x0];
	v6 =	vadd.f32 v6, v7  }
0x1de: {  	s11 =	sadd.s32 $0x12080, s0;
	s7 =	sor.u32 s26, s2;
	s2 =	sor.u32 s29, s2;
	v7 =	vadd.f32 v11, v14;
	[tilespmem:s1+$0x0] =	vst.add.f32.msk $0xffff, v3  }
0x1df: {  	s12 =	sadd.s32 $0x12200, s0;
	s1 =	sor.u32 s26, s3;
	[tilespmem:s2+$0x0] =	vst.add.f32.msk $0xffff, v6;
	s2 =	sor.u32 s29, s3  }
0x1e0: {  	s17 =	sor.u32 s26, s11;
	s3 =	sadd.s32 $0x12100, s0;
	v9 =	vadd.f32 v12, v10;
	v10 =	vadd.f32 v7, v4;
	v3 =	vld [tilespmem:s2+$0x0];
	s2 =	sor.u32 s29, s11  }
0x1e1: {  	s19 =	sor.u32 s26, s3;
	s11 =	sadd.s32 $0x12180, s0;
	v4 =	vld [tilespmem:s2+$0x0];
	s2 =	sor.u32 s29, s3  }
0x1e2: {  	s20 =	sor.u32 s26, s11;
	v7 =	vadd.f32 v5, v8;
	v5 =	vld [tilespmem:s2+$0x0];
	s2 =	sor.u32 s29, s11;
	s11 =	sadd.s32 $0x12280, s0  }
0x1e3: {  	s3 =	sor.u32 s26, s12;
	v6 =	vld [tilespmem:s2+$0x0];
	s2 =	sor.u32 s29, s12;
	s18 =	sor.u32 s26, s11  }
.Ltmp3:
0x1e4: {  	s12 =	sadd.s32 $0x12300, s0;
	v9 =	vadd.f32 v7, v9;
	v7 =	vld [tilespmem:s2+$0x0];
	s2 =	sor.u32 s29, s11;
	(pc) =	sbr.rel @p1 .LBB2_5-.Ltmp3, $4  }
0x1e5: {  	s0 =	sadd.s32 $0x12380, s0;
	s11 =	sor.u32 s26, s12;
	v8 =	vld [tilespmem:s2+$0x0];
	s2 =	sor.u32 s29, s12  }
0x1e6: {  	s15 =	sor.u32 s26, s0;
	s0 =	sor.u32 s29, s0;
	v11 =	vadd.f32 v9, v10;
	v9 =	vld [tilespmem:s2+$0x0]  }
0x1e7: {  	v10 =	vld [tilespmem:s0+$0x0]  }
0x1e8: {  	[tilespmem:s7+$0x0] =	vst.add.f32.msk $0xffff, v11  }
0x1e9: {  	v11 =	vld [tilespmem:s1+$0x0]  }
0x1ea: {  	v12 =	vld [tilespmem:s17+$0x0]  }
0x1eb: {  	v13 =	vld [tilespmem:s19+$0x0]  }
0x1ec: {  	v14 =	vld [tilespmem:s20+$0x0]  }
0x1ed: {  	v15 =	vld [tilespmem:s3+$0x0]  }
0x1ee: {  	v16 =	vld [tilespmem:s18+$0x0]  }
0x1ef: {  	v17 =	vld [tilespmem:s11+$0x0]  }
0x1f0: {  	v18 =	vld [tilespmem:s15+$0x0];
	_ =	sdelay $0x1  }
0x1f1: {  	v3 =	vadd.f32 v4, v3;
	v4 =	vadd.f32 v6, v5  }
0x1f2: {  	v5 =	vadd.f32 v8, v7;
	v6 =	vadd.f32 v10, v9  }
0x1f3: {  	v7 =	vadd.f32 v12, v11;
	v8 =	vadd.f32 v14, v13  }
0x1f4: {  	v9 =	vadd.f32 v16, v15;
	v10 =	vadd.f32 v18, v17  }
0x1f5: {  	v3 =	vadd.f32 v4, v3;
	v4 =	vadd.f32 v6, v5  }
0x1f6: {  	v5 =	vadd.f32 v8, v7;
	v6 =	vadd.f32 v10, v9  }
0x1f7: {  	s0 =	sadd.s32 $0x15180, s30;
	v3 =	vadd.f32 v4, v3  }
0x1f8: {  	s11 =	sor.u32 s29, s0;
	v4 =	vadd.f32 v6, v5  }
0x1f9: {  	s0 =	sor.u32 s26, s0;
	[tilespmem:s11+$0x0] =	vst.add.f32.msk $0xffff, v3  }
0x1fa: {  	[tilespmem:s0+$0x0] =	vst.add.f32.msk $0xffff, v4  }
0x1fb: {  	s2 =	simm.s32 $0x200;
	s0 =	rddreg [dreg:$0x8]  }
0x1fc: {  	s12 =	simm.s32 $0x15000;
	s0 =	sadd.s32 s24, s0;
	s24 =	sor.u32 $0x600, s23  }
0x1fd: {  	[hbm4b:s0+s2] =	stream.strided.scatter [tilespmem:s12], [sflag:$0x8], $0x1000, s16, s2, $0x38;
	[tilespmem:$0x18000] =	vst v63  }
0x1fe: {  	s13 =	sshrl.u32 s24, $0x2  }
0x1ff: {  	v3 =	vld [tilespmem:s13+$0x0];
	_ =	sdelay $0x4  }
0x200: {  	v4 =	vshll.u32 v3, $0x3  }
0x201: {  	v3 =	vand.u32 $0x7, v3;
	v4 =	vand.u32 $0xFFFFFFC0, v4  }
0x202: {  	v3 =	vor.u32 v3, v4  }
0x203: {  	v4 =	vperm.xlane v3, v0;
	_ =	sdelay $0x1  }
0x204: {  	v4 =	vadd.s32 v1, v4;
	_ =	sdelay $0x3  }
0x205: {  	s14 =	simm.s32 $0xC000  }
0x206: {  	[tilespmem:s14], [sflag:$0x2] =	stream.indirect_vreg.gather [hbm4b:s5+s4], $0x80, v4, vm0, $0xb8;
	[tilespmem:$0x18000] =	vst v63  }
0x207: {  	s15 =	simm.s32 $0xC800;
	v3 =	vperm.xlane v3, v2  }
0x208: {  	[tilespmem:s15], [sflag:$0x2] =	stream.indirect_vreg.gather [hbm4b:s8+s4], $0x80, v4, vm0, $0xb8;
	[tilespmem:$0x18000] =	vst v63  }
0x209: {  	s17 =	simm.s32 $0xD000;
	v3 =	vadd.s32 v1, v3  }
0x20a: {  	[tilespmem:s17], [sflag:$0x2] =	stream.indirect_vreg.gather [hbm4b:s9+s4], $0x80, v4, vm0, $0xb8;
	[tilespmem:$0x18000] =	vst v63  }
0x20b: {  	s18 =	simm.s32 $0xD800  }
0x20c: {  	[tilespmem:s18], [sflag:$0x2] =	stream.indirect_vreg.gather [hbm4b:s10+s4], $0x80, v4, vm0, $0xb8;
	[tilespmem:$0x18000] =	vst v63  }
0x20d: {  	s19 =	simm.s32 $0xE000  }
0x20e: {  	[tilespmem:s19], [sflag:$0x2] =	stream.indirect_vreg.gather [hbm4b:s5+s4], $0x80, v3, vm0, $0xb8;
	[tilespmem:$0x18000] =	vst v63  }
0x20f: {  	s20 =	simm.s32 $0xE800  }
0x210: {  	[tilespmem:s20], [sflag:$0x2] =	stream.indirect_vreg.gather [hbm4b:s8+s4], $0x80, v3, vm0, $0xb8;
	[tilespmem:$0x18000] =	vst v63  }
0x211: {  	s21 =	simm.s32 $0xF000  }
0x212: {  	[tilespmem:s21], [sflag:$0x2] =	stream.indirect_vreg.gather [hbm4b:s9+s4], $0x80, v3, vm0, $0xb8;
	[tilespmem:$0x18000] =	vst v63  }
0x213: {  	s26 =	simm.s32 $0xF800  }
0x214: {  	[tilespmem:s26], [sflag:$0x2] =	stream.indirect_vreg.gather [hbm4b:s10+s4], $0x80, v3, vm0, $0xb8;
	[tilespmem:$0x18000] =	vst v63  }
0x215: {  	v3 =	vld [tilespmem:s13+$0x10];
	_ =	sdelay $0x4  }
0x216: {  	v4 =	vshll.u32 v3, $0x3  }
0x217: {  	v3 =	vand.u32 $0x7, v3;
	v4 =	vand.u32 $0xFFFFFFC0, v4  }
0x218: {  	v3 =	vor.u32 v3, v4  }
0x219: {  	v4 =	vperm.xlane v3, v0;
	_ =	sdelay $0x1  }
0x21a: {  	v4 =	vadd.s32 v1, v4;
	_ =	sdelay $0x3  }
0x21b: {  	s1 =	simm.s32 $0x10000  }
0x21c: {  	[tilespmem:s1], [sflag:$0x2] =	stream.indirect_vreg.gather [hbm4b:s5+s4], $0x80, v4, vm0, $0xb8;
	[tilespmem:$0x18000] =	vst v63  }
0x21d: {  	s3 =	simm.s32 $0x10800;
	v3 =	vperm.xlane v3, v2  }
0x21e: {  	[tilespmem:s3], [sflag:$0x2] =	stream.indirect_vreg.gather [hbm4b:s8+s4], $0x80, v4, vm0, $0xb8;
	[tilespmem:$0x18000] =	vst v63  }
0x21f: {  	s7 =	simm.s32 $0x11000;
	v3 =	vadd.s32 v1, v3  }
0x220: {  	[tilespmem:s7], [sflag:$0x2] =	stream.indirect_vreg.gather [hbm4b:s9+s4], $0x80, v4, vm0, $0xb8;
	[tilespmem:$0x18000] =	vst v63  }
0x221: {  	s11 =	simm.s32 $0x11800  }
0x222: {  	[tilespmem:s11], [sflag:$0x2] =	stream.indirect_vreg.gather [hbm4b:s10+s4], $0x80, v4, vm0, $0xb8;
	[tilespmem:$0x18000] =	vst v63  }
0x223: {  	s12 =	simm.s32 $0x12000  }
0x224: {  	[tilespmem:s12], [sflag:$0x2] =	stream.indirect_vreg.gather [hbm4b:s5+s4], $0x80, v3, vm0, $0xb8;
	[tilespmem:$0x18000] =	vst v63  }
0x225: {  	s13 =	simm.s32 $0x12800  }
0x226: {  	[tilespmem:s13], [sflag:$0x2] =	stream.indirect_vreg.gather [hbm4b:s8+s4], $0x80, v3, vm0, $0xb8;
	[tilespmem:$0x18000] =	vst v63  }
0x227: {  	s14 =	simm.s32 $0x13000  }
0x228: {  	[tilespmem:s14], [sflag:$0x2] =	stream.indirect_vreg.gather [hbm4b:s9+s4], $0x80, v3, vm0, $0xb8;
	[tilespmem:$0x18000] =	vst v63  }
0x229: {  	s0 =	simm.s32 @!p0 $0xA;
	s15 =	simm.s32 $0x13800  }
0x22a: {  	[tilespmem:s15], [sflag:$0x2] =	stream.indirect_vreg.gather [hbm4b:s10+s4], $0x80, v3, vm0, $0xb8;
	[tilespmem:$0x18000] =	vst v63  }
0x22b: {  	s17 =	sor.u32 s6, s24;
	s19 =	simm.s32 $0x17000;
	_ =	swait.ge @!p0 [sflag:s0], $0x1000  }
0x22c: {  	s1 =	sand.u32 $0x3FC00, s17;
	[sflag:s0] =	ssyncset.done @!p0 $0x0;
	s18 =	rddreg [dreg:$0x6]  }
0x22d: {  	s20 =	simm.s32 $0x1;
	[sflag:s0] =	ssyncadd.s32 @!p0 $0xFFFFF000;
	s0 =	sadd.s32 s1, s18  }
0x22e: {  	[tilespmem:s19], [sflag:$0x6] =	stream.strided.gather [hbm4b:s0+s2], $0x1000, s16, s2, $0x38;
	[tilespmem:$0x18000] =	vst v63  }
0x22f: {  	_ =	swait.ge [sflag:s20], $0x8000  }
0x230: {  	s29 =	simm.s32 $0x0;
	[sflag:s20] =	ssyncset.done $0x0  }
0x231: {  	s21 =	simm.s32 $0x0;
	s1 =	simm.s32 $0x5;
	[sflag:s20] =	ssyncadd.s32 $0xFFFF8000  }
0x232: {  	s26 =	sand.u32 $0x60, s29;
	s0 =	sand.u32 $0x3FFFFC00, s21;
	_ =	swait.ge [sflag:s1], $0x1000  }
0x233: {  	s28 =	sor.u32 $0x10, s26;
	s3 =	sadd.s32 $0x4000, s0;
	[sflag:s1] =	ssyncset.done $0x0  }
0x234: {  	s7 =	sor.u32 s28, s3;
	[sflag:s1] =	ssyncadd.s32 $0xFFFFF000  }
0x235: {  	v3 =	vld [tilespmem:s7+$0x0]  }
0x236: {  	v4 =	vld [tilespmem:s7+$0x80]  }
0x237: {  	v5 =	vld [tilespmem:s7+$0x100]  }
0x238: {  	v6 =	vld [tilespmem:s7+$0x180]  }
0x239: {  	v7 =	vld [tilespmem:s7+$0x200]  }
0x23a: {  	v8 =	vld [tilespmem:s7+$0x280]  }
0x23b: {  	v9 =	vld [tilespmem:s7+$0x300]  }
0x23c: {  	v10 =	vld [tilespmem:s7+$0x380]  }
0x23d: {  	s1 =	sor.u32 s26, s3  }
0x23e: {  	v11 =	vld [tilespmem:s1+$0x0]  }
0x23f: {  	v58 =	vld [tilespmem:s1+$0x80]  }
0x240: {  	v59 =	vld [tilespmem:s1+$0x100];
	v3 =	vadd.f32 v4, v3;
	v4 =	vadd.f32 v6, v5  }
0x241: {  	v5 =	vld [tilespmem:s1+$0x180];
	v6 =	vadd.f32 v8, v7;
	v7 =	vadd.f32 v10, v9  }
0x242: {  	v8 =	vld [tilespmem:s1+$0x200]  }
0x243: {  	s11 =	simm.s32 $0x0;
	v9 =	vld [tilespmem:s1+$0x280];
	v3 =	vadd.f32 v4, v3;
	v4 =	vadd.f32 v7, v6  }
0x244: {  	s30 =	sand.u32 $0x3FFFFE00, s11;
	v6 =	vld [tilespmem:s1+$0x300]  }
0x245: {  	v7 =	vld [tilespmem:s1+$0x380];
	s1 =	sadd.s32 $0x16000, s30;
	v3 =	vadd.f32 v4, v3  }
0x246: {  	s2 =	sadd.s32 $0x6000, s0;
	s12 =	sor.u32 s28, s1  }
0x247: {  	s13 =	sor.u32 s28, s2;
	s7 =	sadd.s32 $0x6080, s0;
	[tilespmem:s12+$0x0] =	vst.add.f32.msk $0xffff, v3  }
0x248: {  	s11 =	sadd.s32 $0x6100, s0;
	s14 =	sor.u32 s28, s7;
	v3 =	vld [tilespmem:s13+$0x0]  }
0x249: {  	s15 =	sor.u32 s28, s11;
	v4 =	vadd.f32 v58, v11;
	v5 =	vadd.f32 v5, v59;
	s12 =	sadd.s32 $0x6180, s0;
	v10 =	vld [tilespmem:s14+$0x0]  }
0x24a: {  	v8 =	vadd.f32 v9, v8;
	v6 =	vadd.f32 v7, v6;
	s13 =	sadd.s32 $0x6200, s0;
	v7 =	vld [tilespmem:s15+$0x0];
	s17 =	sor.u32 s28, s12  }
0x24b: {  	s14 =	sadd.s32 $0x6280, s0;
	v9 =	vld [tilespmem:s17+$0x0];
	s18 =	sor.u32 s28, s13  }
0x24c: {  	v4 =	vadd.f32 v5, v4;
	s19 =	sor.u32 s28, s14;
	s17 =	sadd.s32 $0x6380, s0;
	v5 =	vadd.f32 v6, v8;
	v6 =	vld [tilespmem:s18+$0x0]  }
0x24d: {  	s15 =	sadd.s32 $0x6300, s0;
	v8 =	vld [tilespmem:s19+$0x0];
	s21 =	sor.u32 s28, s17  }
0x24e: {  	s20 =	sor.u32 s28, s15;
	v11 =	vld [tilespmem:s21+$0x0];
	v4 =	vadd.f32 v5, v4  }
0x24f: {  	s1 =	sor.u32 s26, s1;
	v5 =	vld [tilespmem:s20+$0x0]  }
0x250: {  	s2 =	sor.u32 s26, s2;
	[tilespmem:s1+$0x0] =	vst.add.f32.msk $0xffff, v4  }
0x251: {  	s18 =	sor.u32 s26, s7;
	v4 =	vld [tilespmem:s2+$0x0]  }
0x252: {  	s19 =	sor.u32 s26, s11;
	v60 =	vld [tilespmem:s18+$0x0]  }
0x253: {  	s20 =	sor.u32 s26, s12;
	v3 =	vadd.f32 v10, v3;
	v7 =	vadd.f32 v9, v7;
	v61 =	vld [tilespmem:s19+$0x0]  }
0x254: {  	s21 =	sor.u32 s26, s13;
	v9 =	vld [tilespmem:s20+$0x0];
	v6 =	vadd.f32 v8, v6;
	v5 =	vadd.f32 v11, v5  }
0x255: {  	s3 =	sor.u32 s26, s14;
	v8 =	vld [tilespmem:s21+$0x0]  }
0x256: {  	s11 =	sor.u32 s26, s17;
	v10 =	vld [tilespmem:s3+$0x0];
	v3 =	vadd.f32 v7, v3;
	v5 =	vadd.f32 v5, v6  }
0x257: {  	s7 =	sor.u32 s26, s15;
	v7 =	vld [tilespmem:s11+$0x0]  }
0x258: {  	s1 =	sadd.s32 $0x16080, s30;
	v6 =	vld [tilespmem:s7+$0x0];
	v3 =	vadd.f32 v5, v3  }
0x259: {  	s2 =	sadd.s32 $0x8000, s0;
	s12 =	sor.u32 s28, s1  }
0x25a: {  	s13 =	sor.u32 s28, s2;
	s7 =	sadd.s32 $0x8080, s0;
	[tilespmem:s12+$0x0] =	vst.add.f32.msk $0xffff, v3  }
0x25b: {  	s11 =	sadd.s32 $0x8100, s0;
	s14 =	sor.u32 s28, s7;
	v3 =	vld [tilespmem:s13+$0x0]  }
0x25c: {  	s15 =	sor.u32 s28, s11;
	v4 =	vadd.f32 v60, v4;
	v5 =	vadd.f32 v9, v61;
	s12 =	sadd.s32 $0x8180, s0;
	v9 =	vld [tilespmem:s14+$0x0]  }
0x25d: {  	v8 =	vadd.f32 v10, v8;
	v6 =	vadd.f32 v7, v6;
	s13 =	sadd.s32 $0x8200, s0;
	v7 =	vld [tilespmem:s15+$0x0];
	s17 =	sor.u32 s28, s12  }
0x25e: {  	s14 =	sadd.s32 $0x8280, s0;
	v10 =	vld [tilespmem:s17+$0x0];
	s18 =	sor.u32 s28, s13  }
0x25f: {  	v4 =	vadd.f32 v5, v4;
	s19 =	sor.u32 s28, s14;
	s17 =	sadd.s32 $0x8380, s0;
	v5 =	vadd.f32 v6, v8;
	v6 =	vld [tilespmem:s18+$0x0]  }
0x260: {  	s15 =	sadd.s32 $0x8300, s0;
	v8 =	vld [tilespmem:s19+$0x0];
	s21 =	sor.u32 s28, s17  }
0x261: {  	s20 =	sor.u32 s28, s15;
	v11 =	vld [tilespmem:s21+$0x0];
	v4 =	vadd.f32 v5, v4  }
0x262: {  	s1 =	sor.u32 s26, s1;
	v5 =	vld [tilespmem:s20+$0x0]  }
0x263: {  	s2 =	sor.u32 s26, s2;
	[tilespmem:s1+$0x0] =	vst.add.f32.msk $0xffff, v4  }
0x264: {  	s7 =	sor.u32 s26, s7;
	v4 =	vld [tilespmem:s2+$0x0]  }
0x265: {  	s11 =	sor.u32 s26, s11;
	v62 =	vld [tilespmem:s7+$0x0]  }
0x266: {  	s12 =	sor.u32 s26, s12;
	v3 =	vadd.f32 v9, v3;
	v7 =	vadd.f32 v10, v7;
	v63 =	vld [tilespmem:s11+$0x0]  }
0x267: {  	s18 =	sor.u32 s26, s13;
	v9 =	vld [tilespmem:s12+$0x0];
	v6 =	vadd.f32 v8, v6;
	v5 =	vadd.f32 v11, v5  }
0x268: {  	s19 =	sor.u32 s26, s14;
	v8 =	vld [tilespmem:s18+$0x0]  }
0x269: {  	s21 =	sor.u32 s26, s17;
	v10 =	vld [tilespmem:s19+$0x0];
	v3 =	vadd.f32 v7, v3;
	v5 =	vadd.f32 v5, v6  }
0x26a: {  	s20 =	sor.u32 s26, s15;
	v7 =	vld [tilespmem:s21+$0x0]  }
0x26b: {  	s2 =	sadd.s32 $0x16100, s30;
	v6 =	vld [tilespmem:s20+$0x0];
	v3 =	vadd.f32 v5, v3  }
0x26c: {  	s7 =	sadd.s32 $0xA000, s0;
	s20 =	sor.u32 s28, s2  }
0x26d: {  	s21 =	sadd.s32 $0xA080, s0;
	s13 =	sor.u32 s28, s7;
	[tilespmem:s20+$0x0] =	vst.add.f32.msk $0xffff, v3  }
0x26e: {  	s11 =	sadd.s32 $0xA100, s0;
	s14 =	sor.u32 s28, s21;
	v3 =	vld [tilespmem:s13+$0x0]  }
0x26f: {  	s12 =	sadd.s32 $0xA180, s0;
	s15 =	sor.u32 s28, s11;
	v11 =	vadd.f32 v62, v4;
	v9 =	vadd.f32 v9, v63;
	v4 =	vld [tilespmem:s14+$0x0]  }
0x270: {  	s17 =	sor.u32 s28, s12;
	v8 =	vadd.f32 v10, v8;
	v7 =	vadd.f32 v7, v6;
	s13 =	sadd.s32 $0xA200, s0;
	v5 =	vld [tilespmem:s15+$0x0]  }
0x271: {  	s14 =	sadd.s32 $0xA280, s0;
	v6 =	vld [tilespmem:s17+$0x0];
	s18 =	sor.u32 s28, s13  }
0x272: {  	s31 =	simm.s32 $0x0;
	v9 =	vadd.f32 v9, v11;
	s15 =	sadd.s32 $0xA300, s0;
	s19 =	sor.u32 s28, s14;
	v10 =	vadd.f32 v7, v8;
	v7 =	vld [tilespmem:s18+$0x0]  }
0x273: {  	s1 =	sor.u32 s26, s7;
	s0 =	sadd.s32 $0xA380, s0;
	s20 =	sor.u32 s28, s15;
	v8 =	vld [tilespmem:s19+$0x0]  }
0x274: {  	s17 =	sor.u32 s26, s21;
	s21 =	sor.u32 s28, s0;
	s3 =	sor.u32 s26, s13;
	v11 =	vadd.f32 v10, v9;
	v9 =	vld [tilespmem:s20+$0x0]  }
0x275: {  	s18 =	sor.u32 s26, s2;
	s19 =	sor.u32 s26, s11;
	s11 =	sor.u32 s26, s14;
	v10 =	vld [tilespmem:s21+$0x0]  }
0x276: {  	s20 =	sor.u32 s26, s12;
	[tilespmem:s18+$0x0] =	vst.add.f32.msk $0xffff, v11;
	s18 =	sor.u32 s26, s15;
	s15 =	sor.u32 s26, s0  }
.LBB2_7:
0x277: {  	s31 =	sadd.s32 $0x2, s31;
	v11 =	vld [tilespmem:s1+$0x0]  }
0x278: {  	s29 =	sadd.s32 $0x20, s29;
	s0 =	sshll.u32 s31, $0x7;
	p0 =	slt.u32 s31, $0x3E;
	v12 =	vld [tilespmem:s17+$0x0]  }
0x279: {  	v3 =	vadd.f32 v4, v3;
	v4 =	vadd.f32 v6, v5;
	s2 =	sand.u32 $0x60, s29;
	s0 =	sand.u32 $0x3FFFFC00, s0;
	v13 =	vld [tilespmem:s19+$0x0]  }
0x27a: {  	v6 =	vadd.f32 v8, v7;
	s7 =	sor.u32 $0x10, s2;
	s1 =	sadd.s32 $0x4000, s0;
	v5 =	vld [tilespmem:s20+$0x0];
	v7 =	vadd.f32 v10, v9  }
0x27b: {  	s12 =	sor.u32 s2, s1;
	s13 =	sor.u32 s7, s1;
	v8 =	vld [tilespmem:s3+$0x0]  }
0x27c: {  	v3 =	vadd.f32 v4, v3;
	v9 =	vld [tilespmem:s13+$0x0];
	v4 =	vadd.f32 v7, v6  }
0x27d: {  	v6 =	vld [tilespmem:s13+$0x80];
	v7 =	vadd.f32 v12, v11  }
0x27e: {  	s3 =	sadd.s32 $0x16180, s30;
	v10 =	vld [tilespmem:s13+$0x100];
	v3 =	vadd.f32 v4, v3  }
0x27f: {  	s1 =	sor.u32 s26, s3;
	s3 =	sor.u32 s28, s3;
	s26 =	smov.u32 s2;
	v4 =	vld [tilespmem:s13+$0x180];
	v5 =	vadd.f32 v5, v13  }
0x280: {  	s28 =	smov.u32 s7;
	[tilespmem:s3+$0x0] =	vst.add.f32.msk $0xffff, v3  }
0x281: {  	v11 =	vld [tilespmem:s13+$0x200];
	v3 =	vadd.f32 v5, v7  }
0x282: {  	v5 =	vld [tilespmem:s13+$0x280]  }
0x283: {  	v7 =	vld [tilespmem:s13+$0x300]  }
0x284: {  	v12 =	vld [tilespmem:s13+$0x380]  }
0x285: {  	v13 =	vld [tilespmem:s12+$0x0]  }
0x286: {  	v14 =	vld [tilespmem:s12+$0x80]  }
0x287: {  	v15 =	vld [tilespmem:s12+$0x100]  }
0x288: {  	v6 =	vadd.f32 v6, v9;
	v4 =	vadd.f32 v4, v10;
	v16 =	vld [tilespmem:s12+$0x180]  }
0x289: {  	v5 =	vadd.f32 v5, v11;
	v9 =	vld [tilespmem:s12+$0x200];
	v7 =	vadd.f32 v12, v7  }
0x28a: {  	v10 =	vld [tilespmem:s12+$0x280]  }
0x28b: {  	s2 =	sshll.u32 s31, $0x6;
	v4 =	vadd.f32 v4, v6;
	v11 =	vld [tilespmem:s12+$0x300];
	v5 =	vadd.f32 v7, v5  }
0x28c: {  	s30 =	sand.u32 $0x3FFFFE00, s2;
	v7 =	vadd.f32 v14, v13;
	v6 =	vld [tilespmem:s12+$0x380]  }
0x28d: {  	s2 =	sadd.s32 $0x16000, s30;
	v12 =	vadd.f32 v16, v15;
	v4 =	vadd.f32 v5, v4;
	v5 =	vld [tilespmem:s11+$0x0]  }
0x28e: {  	s7 =	sadd.s32 $0x6000, s0;
	s3 =	sor.u32 s26, s2;
	s2 =	sor.u32 s28, s2;
	v13 =	vld [tilespmem:s18+$0x0]  }
0x28f: {  	s12 =	sadd.s32 $0x6080, s0;
	s11 =	sor.u32 s26, s7;
	v9 =	vadd.f32 v10, v9;
	v7 =	vadd.f32 v12, v7;
	[tilespmem:s2+$0x0] =	vst.add.f32.msk $0xffff, v4;
	s2 =	sor.u32 s28, s7  }
0x290: {  	s13 =	sadd.s32 $0x6100, s0;
	s7 =	sor.u32 s26, s12;
	v4 =	vld [tilespmem:s2+$0x0];
	s2 =	sor.u32 s28, s12  }
0x291: {  	s14 =	sadd.s32 $0x6180, s0;
	s12 =	sor.u32 s26, s13;
	v6 =	vadd.f32 v6, v11;
	v10 =	vld [tilespmem:s2+$0x0];
	s2 =	sor.u32 s28, s13  }
0x292: {  	s17 =	sadd.s32 $0x6200, s0;
	s13 =	sor.u32 s26, s14;
	v11 =	vld [tilespmem:s2+$0x0];
	s2 =	sor.u32 s28, s14;
	v5 =	vadd.f32 v5, v8  }
0x293: {  	s18 =	sadd.s32 $0x6280, s0;
	s14 =	sor.u32 s26, s17;
	v6 =	vadd.f32 v6, v9;
	v8 =	vld [tilespmem:s2+$0x0];
	s2 =	sor.u32 s28, s17  }
0x294: {  	s19 =	sadd.s32 $0x6300, s0;
	s17 =	sor.u32 s26, s18;
	v9 =	vld [tilespmem:s2+$0x0];
	s2 =	sor.u32 s28, s18  }
0x295: {  	s20 =	sadd.s32 $0x6380, s0;
	s18 =	sor.u32 s26, s19;
	v6 =	vadd.f32 v6, v7;
	v7 =	vld [tilespmem:s2+$0x0];
	s2 =	sor.u32 s28, s19  }
0x296: {  	s19 =	sor.u32 s26, s20;
	v12 =	vld [tilespmem:s2+$0x0];
	s2 =	sor.u32 s28, s20  }
0x297: {  	v14 =	vld [tilespmem:s2+$0x0]  }
0x298: {  	[tilespmem:s3+$0x0] =	vst.add.f32.msk $0xffff, v6  }
0x299: {  	v6 =	vld [tilespmem:s11+$0x0]  }
0x29a: {  	v15 =	vld [tilespmem:s7+$0x0]  }
0x29b: {  	v4 =	vadd.f32 v10, v4;
	v8 =	vadd.f32 v8, v11;
	v16 =	vld [tilespmem:s12+$0x0]  }
0x29c: {  	v7 =	vadd.f32 v7, v9;
	v10 =	vld [tilespmem:s13+$0x0];
	v9 =	vadd.f32 v14, v12  }
0x29d: {  	v11 =	vld [tilespmem:s14+$0x0]  }
0x29e: {  	v4 =	vadd.f32 v8, v4;
	v12 =	vld [tilespmem:s17+$0x0];
	v7 =	vadd.f32 v9, v7  }
0x29f: {  	v8 =	vld [tilespmem:s18+$0x0];
	v6 =	vadd.f32 v15, v6  }
0x2a0: {  	s2 =	sadd.s32 $0x16080, s30;
	v9 =	vld [tilespmem:s19+$0x0];
	v4 =	vadd.f32 v7, v4  }
0x2a1: {  	s3 =	sor.u32 s26, s2;
	s2 =	sor.u32 s28, s2;
	s7 =	sadd.s32 $0x8000, s0;
	v7 =	vadd.f32 v10, v16;
	v10 =	vld [tilespmem:s15+$0x0]  }
0x2a2: {  	s11 =	sor.u32 s26, s7;
	s12 =	sadd.s32 $0x8080, s0;
	[tilespmem:s2+$0x0] =	vst.add.f32.msk $0xffff, v4;
	s2 =	sor.u32 s28, s7  }
0x2a3: {  	s13 =	sadd.s32 $0x8100, s0;
	s7 =	sor.u32 s26, s12;
	v4 =	vadd.f32 v12, v11;
	v6 =	vadd.f32 v7, v6;
	v7 =	vld [tilespmem:s2+$0x0];
	s2 =	sor.u32 s28, s12  }
0x2a4: {  	s14 =	sadd.s32 $0x8180, s0;
	s12 =	sor.u32 s26, s13;
	v11 =	vld [tilespmem:s2+$0x0];
	s2 =	sor.u32 s28, s13  }
0x2a5: {  	s15 =	sadd.s32 $0x8200, s0;
	s13 =	sor.u32 s26, s14;
	v8 =	vadd.f32 v9, v8;
	v9 =	vld [tilespmem:s2+$0x0];
	s2 =	sor.u32 s28, s14  }
0x2a6: {  	s17 =	sadd.s32 $0x8280, s0;
	s14 =	sor.u32 s26, s15;
	v12 =	vld [tilespmem:s2+$0x0];
	s2 =	sor.u32 s28, s15;
	v10 =	vadd.f32 v10, v13  }
0x2a7: {  	s18 =	sadd.s32 $0x8300, s0;
	s15 =	sor.u32 s26, s17;
	v4 =	vadd.f32 v8, v4;
	v8 =	vld [tilespmem:s2+$0x0];
	s2 =	sor.u32 s28, s17  }
0x2a8: {  	s19 =	sadd.s32 $0x8380, s0;
	s17 =	sor.u32 s26, s18;
	v13 =	vld [tilespmem:s2+$0x0];
	s2 =	sor.u32 s28, s18;
	v5 =	vadd.f32 v10, v5  }
0x2a9: {  	s18 =	sor.u32 s26, s19;
	v4 =	vadd.f32 v4, v6;
	v6 =	vld [tilespmem:s2+$0x0];
	s2 =	sor.u32 s28, s19  }
0x2aa: {  	v10 =	vld [tilespmem:s2+$0x0];
	v3 =	vadd.f32 v5, v3  }
0x2ab: {  	[tilespmem:s3+$0x0] =	vst.add.f32.msk $0xffff, v4  }
0x2ac: {  	v4 =	vld [tilespmem:s11+$0x0]  }
0x2ad: {  	v5 =	vld [tilespmem:s7+$0x0]  }
0x2ae: {  	v7 =	vadd.f32 v11, v7;
	v9 =	vadd.f32 v12, v9;
	v14 =	vld [tilespmem:s12+$0x0]  }
0x2af: {  	v8 =	vadd.f32 v13, v8;
	v11 =	vld [tilespmem:s13+$0x0];
	v6 =	vadd.f32 v10, v6  }
0x2b0: {  	v10 =	vld [tilespmem:s14+$0x0]  }
0x2b1: {  	v7 =	vadd.f32 v9, v7;
	v12 =	vld [tilespmem:s15+$0x0];
	v6 =	vadd.f32 v6, v8  }
0x2b2: {  	v8 =	vld [tilespmem:s17+$0x0];
	v4 =	vadd.f32 v5, v4  }
0x2b3: {  	s2 =	sadd.s32 $0x16100, s30;
	s3 =	sadd.s32 $0xA000, s0;
	v5 =	vld [tilespmem:s18+$0x0];
	v6 =	vadd.f32 v6, v7  }
0x2b4: {  	s11 =	sadd.s32 $0xA080, s0;
	s7 =	sor.u32 s26, s2;
	s2 =	sor.u32 s28, s2;
	v7 =	vadd.f32 v11, v14;
	[tilespmem:s1+$0x0] =	vst.add.f32.msk $0xffff, v3  }
0x2b5: {  	s12 =	sadd.s32 $0xA200, s0;
	s1 =	sor.u32 s26, s3;
	[tilespmem:s2+$0x0] =	vst.add.f32.msk $0xffff, v6;
	s2 =	sor.u32 s28, s3  }
0x2b6: {  	s17 =	sor.u32 s26, s11;
	s3 =	sadd.s32 $0xA100, s0;
	v9 =	vadd.f32 v12, v10;
	v10 =	vadd.f32 v7, v4;
	v3 =	vld [tilespmem:s2+$0x0];
	s2 =	sor.u32 s28, s11  }
0x2b7: {  	s19 =	sor.u32 s26, s3;
	s11 =	sadd.s32 $0xA180, s0;
	v4 =	vld [tilespmem:s2+$0x0];
	s2 =	sor.u32 s28, s3  }
0x2b8: {  	s13 =	sadd.s32 $0xA280, s0;
	s20 =	sor.u32 s26, s11;
	v7 =	vadd.f32 v5, v8;
	v5 =	vld [tilespmem:s2+$0x0];
	s2 =	sor.u32 s28, s11  }
0x2b9: {  	s3 =	sor.u32 s26, s12;
	s11 =	sor.u32 s26, s13;
	v6 =	vld [tilespmem:s2+$0x0];
	s2 =	sor.u32 s28, s12  }
.Ltmp4:
0x2ba: {  	s12 =	sadd.s32 $0xA300, s0;
	v9 =	vadd.f32 v7, v9;
	v7 =	vld [tilespmem:s2+$0x0];
	s2 =	sor.u32 s28, s13;
	(pc) =	sbr.rel @p0 .LBB2_7-.Ltmp4, $4  }
0x2bb: {  	s0 =	sadd.s32 $0xA380, s0;
	s18 =	sor.u32 s26, s12;
	v8 =	vld [tilespmem:s2+$0x0];
	s2 =	sor.u32 s28, s12  }
0x2bc: {  	s15 =	sor.u32 s26, s0;
	s0 =	sor.u32 s28, s0;
	v11 =	vadd.f32 v9, v10;
	v9 =	vld [tilespmem:s2+$0x0]  }
0x2bd: {  	v10 =	vld [tilespmem:s0+$0x0]  }
0x2be: {  	[tilespmem:s7+$0x0] =	vst.add.f32.msk $0xffff, v11  }
0x2bf: {  	v11 =	vld [tilespmem:s1+$0x0]  }
0x2c0: {  	v12 =	vld [tilespmem:s17+$0x0]  }
0x2c1: {  	v13 =	vld [tilespmem:s19+$0x0]  }
0x2c2: {  	v14 =	vld [tilespmem:s20+$0x0]  }
0x2c3: {  	v15 =	vld [tilespmem:s3+$0x0]  }
0x2c4: {  	v16 =	vld [tilespmem:s11+$0x0]  }
0x2c5: {  	v17 =	vld [tilespmem:s18+$0x0]  }
0x2c6: {  	v18 =	vld [tilespmem:s15+$0x0];
	_ =	sdelay $0x1  }
0x2c7: {  	v3 =	vadd.f32 v4, v3;
	v53 =	vadd.f32 v6, v5  }
0x2c8: {  	v54 =	vadd.f32 v8, v7;
	v55 =	vadd.f32 v10, v9  }
0x2c9: {  	v56 =	vadd.f32 v12, v11;
	v57 =	vadd.f32 v14, v13  }
0x2ca: {  	v58 =	vadd.f32 v16, v15;
	v59 =	vadd.f32 v18, v17  }
0x2cb: {  	v3 =	vadd.f32 v53, v3;
	v60 =	vadd.f32 v55, v54  }
0x2cc: {  	v61 =	vadd.f32 v57, v56;
	v62 =	vadd.f32 v59, v58  }
0x2cd: {  	s0 =	sadd.s32 $0x16180, s30;
	v3 =	vadd.f32 v60, v3  }
0x2ce: {  	p0 =	seq.s32 s22, $0x1F;
	s30 =	sor.u32 s28, s0;
	v63 =	vadd.f32 v62, v61  }
.Ltmp5:
0x2cf: {  	s0 =	sor.u32 s26, s0;
	[tilespmem:s30+$0x0] =	vst.add.f32.msk $0xffff, v3;
	(pc) =	sbr.rel @p0 .LBB2_10-.Ltmp5, $4  }
0x2d0: {  	[tilespmem:s0+$0x0] =	vst.add.f32.msk $0xffff, v63  }
0x2d1: {  	s0 =	rddreg [dreg:$0x9]  }
0x2d2: {  	s3 =	simm.s32 $0x200;
	s31 =	simm.s32 $0x16000;
	s0 =	sadd.s32 s25, s0  }
0x2d3: {  	[hbm4b:s0+s3] =	stream.strided.scatter [tilespmem:s31], [sflag:$0x9], $0x1000, s16, s3, $0x38;
	[tilespmem:$0x18000] =	vst v63  }
0x2d4: {  	s0 =	sadd.s32 $0x800, s23  }
0x2d5: {  	s1 =	sshrl.u32 s0, $0x2  }
0x2d6: {  	v3 =	vld [tilespmem:s1+$0x0];
	_ =	sdelay $0x4  }
0x2d7: {  	v4 =	vshll.u32 v3, $0x3  }
0x2d8: {  	v3 =	vand.u32 $0x7, v3;
	v4 =	vand.u32 $0xFFFFFFC0, v4  }
0x2d9: {  	v3 =	vor.u32 v3, v4  }
0x2da: {  	v4 =	vperm.xlane v3, v0;
	_ =	sdelay $0x1  }
0x2db: {  	v4 =	vadd.s32 v1, v4;
	_ =	sdelay $0x3  }
0x2dc: {  	s2 =	simm.s32 $0x4000  }
0x2dd: {  	[tilespmem:s2], [sflag:$0x1] =	stream.indirect_vreg.gather [hbm4b:s5+s4], $0x80, v4, vm0, $0xb8;
	[tilespmem:$0x18000] =	vst v63  }
0x2de: {  	s7 =	simm.s32 $0x4800;
	v3 =	vperm.xlane v3, v2  }
0x2df: {  	[tilespmem:s7], [sflag:$0x1] =	stream.indirect_vreg.gather [hbm4b:s8+s4], $0x80, v4, vm0, $0xb8;
	[tilespmem:$0x18000] =	vst v63  }
0x2e0: {  	s11 =	simm.s32 $0x5000;
	v3 =	vadd.s32 v1, v3  }
0x2e1: {  	[tilespmem:s11], [sflag:$0x1] =	stream.indirect_vreg.gather [hbm4b:s9+s4], $0x80, v4, vm0, $0xb8;
	[tilespmem:$0x18000] =	vst v63  }
0x2e2: {  	s12 =	simm.s32 $0x5800  }
0x2e3: {  	[tilespmem:s12], [sflag:$0x1] =	stream.indirect_vreg.gather [hbm4b:s10+s4], $0x80, v4, vm0, $0xb8;
	[tilespmem:$0x18000] =	vst v63  }
0x2e4: {  	s13 =	simm.s32 $0x6000  }
0x2e5: {  	[tilespmem:s13], [sflag:$0x1] =	stream.indirect_vreg.gather [hbm4b:s5+s4], $0x80, v3, vm0, $0xb8;
	[tilespmem:$0x18000] =	vst v63  }
0x2e6: {  	s14 =	simm.s32 $0x6800  }
0x2e7: {  	[tilespmem:s14], [sflag:$0x1] =	stream.indirect_vreg.gather [hbm4b:s8+s4], $0x80, v3, vm0, $0xb8;
	[tilespmem:$0x18000] =	vst v63  }
0x2e8: {  	s15 =	simm.s32 $0x7000  }
0x2e9: {  	[tilespmem:s15], [sflag:$0x1] =	stream.indirect_vreg.gather [hbm4b:s9+s4], $0x80, v3, vm0, $0xb8;
	[tilespmem:$0x18000] =	vst v63  }
0x2ea: {  	s17 =	simm.s32 $0x7800  }
0x2eb: {  	[tilespmem:s17], [sflag:$0x1] =	stream.indirect_vreg.gather [hbm4b:s10+s4], $0x80, v3, vm0, $0xb8;
	[tilespmem:$0x18000] =	vst v63  }
0x2ec: {  	v3 =	vld [tilespmem:s1+$0x10];
	_ =	sdelay $0x4  }
0x2ed: {  	v63 =	vshll.u32 v3, $0x3  }
0x2ee: {  	v3 =	vand.u32 $0x7, v3;
	v4 =	vand.u32 $0xFFFFFFC0, v63  }
0x2ef: {  	v3 =	vor.u32 v3, v4  }
0x2f0: {  	v4 =	vperm.xlane v3, v0;
	_ =	sdelay $0x1  }
0x2f1: {  	v4 =	vadd.s32 v1, v4;
	_ =	sdelay $0x3  }
0x2f2: {  	s18 =	simm.s32 $0x8000  }
0x2f3: {  	[tilespmem:s18], [sflag:$0x1] =	stream.indirect_vreg.gather [hbm4b:s5+s4], $0x80, v4, vm0, $0xb8;
	[tilespmem:$0x18000] =	vst v63  }
0x2f4: {  	s19 =	simm.s32 $0x8800;
	v3 =	vperm.xlane v3, v2  }
0x2f5: {  	[tilespmem:s19], [sflag:$0x1] =	stream.indirect_vreg.gather [hbm4b:s8+s4], $0x80, v4, vm0, $0xb8;
	[tilespmem:$0x18000] =	vst v63  }
0x2f6: {  	s20 =	simm.s32 $0x9000;
	v3 =	vadd.s32 v1, v3  }
0x2f7: {  	[tilespmem:s20], [sflag:$0x1] =	stream.indirect_vreg.gather [hbm4b:s9+s4], $0x80, v4, vm0, $0xb8;
	[tilespmem:$0x18000] =	vst v63  }
0x2f8: {  	s21 =	simm.s32 $0x9800  }
0x2f9: {  	[tilespmem:s21], [sflag:$0x1] =	stream.indirect_vreg.gather [hbm4b:s10+s4], $0x80, v4, vm0, $0xb8;
	[tilespmem:$0x18000] =	vst v63  }
0x2fa: {  	s25 =	simm.s32 $0xA000  }
0x2fb: {  	[tilespmem:s25], [sflag:$0x1] =	stream.indirect_vreg.gather [hbm4b:s5+s4], $0x80, v3, vm0, $0xb8;
	[tilespmem:$0x18000] =	vst v63  }
0x2fc: {  	s26 =	simm.s32 $0xA800  }
0x2fd: {  	[tilespmem:s26], [sflag:$0x1] =	stream.indirect_vreg.gather [hbm4b:s8+s4], $0x80, v3, vm0, $0xb8;
	[tilespmem:$0x18000] =	vst v63  }
0x2fe: {  	s28 =	simm.s32 $0xB000  }
0x2ff: {  	[tilespmem:s28], [sflag:$0x1] =	stream.indirect_vreg.gather [hbm4b:s9+s4], $0x80, v3, vm0, $0xb8;
	[tilespmem:$0x18000] =	vst v63  }
0x300: {  	s29 =	simm.s32 $0xB800;
	s30 =	simm.s32 $0x7  }
0x301: {  	[tilespmem:s29], [sflag:$0x1] =	stream.indirect_vreg.gather [hbm4b:s10+s4], $0x80, v3, vm0, $0xb8;
	[tilespmem:$0x18000] =	vst v63  }
0x302: {  	_ =	swait.ge [sflag:s30], $0x1000  }
0x303: {  	[sflag:s30] =	ssyncset.done $0x0  }
0x304: {  	s0 =	sadd.s32 s6, s0;
	[sflag:s30] =	ssyncadd.s32 $0xFFFFF000  }
0x305: {  	s0 =	sand.u32 $0x3F800, s0;
	s1 =	rddreg [dreg:$0x1]  }
0x306: {  	s31 =	simm.s32 $0x14000;
	s0 =	sadd.s32 s1, s0  }
0x307: {  	[tilespmem:s31], [sflag:$0x3] =	stream.strided.gather [hbm4b:s0+s3], $0x1000, s16, s3, $0x38;
	[tilespmem:$0x18000] =	vst v63  }
.LBB2_10:
0x308: {  	s0 =	simm.s32 $0x2  }
0x309: {  	_ =	swait.ge [sflag:s0], $0x8000  }
0x30a: {  	s26 =	simm.s32 $0x0;
	[sflag:s0] =	ssyncset.done $0x0  }
0x30b: {  	s20 =	simm.s32 $0x0;
	s2 =	simm.s32 $0x6;
	[sflag:s0] =	ssyncadd.s32 $0xFFFF8000  }
0x30c: {  	s25 =	sand.u32 $0x60, s26;
	s0 =	sand.u32 $0x3FFFFC00, s20;
	_ =	swait.ge [sflag:s2], $0x1000  }
0x30d: {  	s28 =	sor.u32 $0x10, s25;
	s1 =	sadd.s32 $0xC000, s0;
	[sflag:s2] =	ssyncset.done $0x0  }
0x30e: {  	s21 =	sadd.s32 $0xC080, s0;
	s3 =	sor.u32 s28, s1;
	[sflag:s2] =	ssyncadd.s32 $0xFFFFF000  }
0x30f: {  	s7 =	sadd.s32 $0xC100, s0;
	s13 =	sor.u32 s28, s21;
	v3 =	vld [tilespmem:s3+$0x0]  }
0x310: {  	s11 =	sadd.s32 $0xC180, s0;
	s14 =	sor.u32 s28, s7;
	v4 =	vld [tilespmem:s13+$0x0]  }
0x311: {  	s17 =	sadd.s32 $0xC280, s0;
	s15 =	sor.u32 s28, s11;
	v5 =	vld [tilespmem:s14+$0x0]  }
0x312: {  	s12 =	sadd.s32 $0xC200, s0;
	s18 =	sor.u32 s28, s17;
	v6 =	vld [tilespmem:s15+$0x0]  }
0x313: {  	s13 =	sor.u32 s28, s12;
	s14 =	sadd.s32 $0xC300, s0;
	v8 =	vld [tilespmem:s18+$0x0]  }
0x314: {  	s15 =	sadd.s32 $0xC380, s0;
	v7 =	vld [tilespmem:s13+$0x0];
	s19 =	sor.u32 s28, s14  }
0x315: {  	s20 =	sor.u32 s28, s15;
	v9 =	vld [tilespmem:s19+$0x0]  }
0x316: {  	v10 =	vld [tilespmem:s20+$0x0]  }
0x317: {  	s1 =	sor.u32 s25, s1  }
0x318: {  	s2 =	sor.u32 s25, s21;
	v11 =	vld [tilespmem:s1+$0x0]  }
0x319: {  	s21 =	sor.u32 s25, s7;
	v12 =	vld [tilespmem:s2+$0x0]  }
0x31a: {  	s7 =	sor.u32 s25, s11;
	v13 =	vld [tilespmem:s21+$0x0];
	v3 =	vadd.f32 v4, v3;
	v4 =	vadd.f32 v6, v5  }
0x31b: {  	s11 =	sor.u32 s25, s12;
	v5 =	vld [tilespmem:s7+$0x0];
	v6 =	vadd.f32 v8, v7;
	v7 =	vadd.f32 v10, v9  }
0x31c: {  	s12 =	sor.u32 s25, s17;
	v8 =	vld [tilespmem:s11+$0x0]  }
0x31d: {  	s13 =	sor.u32 s25, s14;
	s14 =	simm.s32 $0x0;
	v9 =	vld [tilespmem:s12+$0x0];
	v3 =	vadd.f32 v4, v3;
	v4 =	vadd.f32 v7, v6  }
0x31e: {  	s17 =	sor.u32 s25, s15;
	s29 =	sand.u32 $0x3FFFFE00, s14;
	v6 =	vld [tilespmem:s13+$0x0]  }
0x31f: {  	s1 =	sadd.s32 $0x17000, s29;
	v7 =	vld [tilespmem:s17+$0x0];
	v3 =	vadd.f32 v4, v3  }
0x320: {  	s2 =	sadd.s32 $0xE000, s0;
	s18 =	sor.u32 s28, s1  }
0x321: {  	s19 =	sor.u32 s28, s2;
	s7 =	sadd.s32 $0xE080, s0;
	[tilespmem:s18+$0x0] =	vst.add.f32.msk $0xffff, v3  }
0x322: {  	s11 =	sadd.s32 $0xE100, s0;
	s20 =	sor.u32 s28, s7;
	v3 =	vld [tilespmem:s19+$0x0]  }
0x323: {  	s12 =	sadd.s32 $0xE180, s0;
	s21 =	sor.u32 s28, s11;
	v5 =	vadd.f32 v5, v13;
	v4 =	vadd.f32 v12, v11;
	v10 =	vld [tilespmem:s20+$0x0]  }
0x324: {  	s14 =	sor.u32 s28, s12;
	s13 =	sadd.s32 $0xE200, s0;
	v8 =	vadd.f32 v9, v8;
	v6 =	vadd.f32 v7, v6;
	v7 =	vld [tilespmem:s21+$0x0]  }
0x325: {  	s15 =	sadd.s32 $0xE280, s0;
	s17 =	sor.u32 s28, s13;
	v9 =	vld [tilespmem:s14+$0x0]  }
0x326: {  	v4 =	vadd.f32 v5, v4;
	s18 =	sadd.s32 $0xE300, s0;
	s19 =	sor.u32 s28, s15;
	v5 =	vadd.f32 v6, v8;
	v6 =	vld [tilespmem:s17+$0x0]  }
0x327: {  	s20 =	sor.u32 s28, s18;
	s17 =	sadd.s32 $0xE380, s0;
	v8 =	vld [tilespmem:s19+$0x0]  }
0x328: {  	s21 =	sor.u32 s28, s17;
	v4 =	vadd.f32 v5, v4;
	v5 =	vld [tilespmem:s20+$0x0]  }
0x329: {  	s1 =	sor.u32 s25, s1;
	v11 =	vld [tilespmem:s21+$0x0]  }
0x32a: {  	s2 =	sor.u32 s25, s2;
	[tilespmem:s1+$0x0] =	vst.add.f32.msk $0xffff, v4  }
0x32b: {  	s3 =	sor.u32 s25, s7;
	v4 =	vld [tilespmem:s2+$0x0]  }
0x32c: {  	s7 =	sor.u32 s25, s11;
	v60 =	vld [tilespmem:s3+$0x0]  }
0x32d: {  	s11 =	sor.u32 s25, s12;
	v3 =	vadd.f32 v10, v3;
	v7 =	vadd.f32 v9, v7;
	v61 =	vld [tilespmem:s7+$0x0]  }
0x32e: {  	s12 =	sor.u32 s25, s13;
	v9 =	vld [tilespmem:s11+$0x0];
	v6 =	vadd.f32 v8, v6;
	v5 =	vadd.f32 v11, v5  }
0x32f: {  	s13 =	sor.u32 s25, s15;
	v8 =	vld [tilespmem:s12+$0x0]  }
0x330: {  	s15 =	sor.u32 s25, s17;
	v10 =	vld [tilespmem:s13+$0x0];
	v3 =	vadd.f32 v7, v3;
	v5 =	vadd.f32 v5, v6  }
0x331: {  	s14 =	sor.u32 s25, s18;
	v7 =	vld [tilespmem:s15+$0x0]  }
0x332: {  	s1 =	sadd.s32 $0x17080, s29;
	v6 =	vld [tilespmem:s14+$0x0];
	v3 =	vadd.f32 v5, v3  }
0x333: {  	s2 =	sadd.s32 $0x10000, s0;
	s17 =	sor.u32 s28, s1  }
0x334: {  	s7 =	sadd.s32 $0x10080, s0;
	s18 =	sor.u32 s28, s2;
	[tilespmem:s17+$0x0] =	vst.add.f32.msk $0xffff, v3  }
0x335: {  	s11 =	sadd.s32 $0x10100, s0;
	s19 =	sor.u32 s28, s7;
	v3 =	vld [tilespmem:s18+$0x0]  }
0x336: {  	s12 =	sadd.s32 $0x10180, s0;
	s20 =	sor.u32 s28, s11;
	v4 =	vadd.f32 v60, v4;
	v5 =	vadd.f32 v9, v61;
	v9 =	vld [tilespmem:s19+$0x0]  }
0x337: {  	s13 =	sadd.s32 $0x10200, s0;
	s21 =	sor.u32 s28, s12;
	v8 =	vadd.f32 v10, v8;
	v6 =	vadd.f32 v7, v6;
	v7 =	vld [tilespmem:s20+$0x0]  }
0x338: {  	s15 =	sor.u32 s28, s13;
	s14 =	sadd.s32 $0x10280, s0;
	v10 =	vld [tilespmem:s21+$0x0]  }
0x339: {  	v4 =	vadd.f32 v5, v4;
	s18 =	sor.u32 s28, s14;
	s19 =	sadd.s32 $0x10380, s0;
	v5 =	vadd.f32 v6, v8;
	v6 =	vld [tilespmem:s15+$0x0]  }
0x33a: {  	s17 =	sadd.s32 $0x10300, s0;
	s21 =	sor.u32 s28, s19;
	v8 =	vld [tilespmem:s18+$0x0]  }
0x33b: {  	s20 =	sor.u32 s28, s17;
	v11 =	vld [tilespmem:s21+$0x0];
	v4 =	vadd.f32 v5, v4  }
0x33c: {  	s1 =	sor.u32 s25, s1;
	v5 =	vld [tilespmem:s20+$0x0]  }
0x33d: {  	s2 =	sor.u32 s25, s2;
	[tilespmem:s1+$0x0] =	vst.add.f32.msk $0xffff, v4  }
0x33e: {  	s3 =	sor.u32 s25, s7;
	v4 =	vld [tilespmem:s2+$0x0]  }
0x33f: {  	s7 =	sor.u32 s25, s11;
	v62 =	vld [tilespmem:s3+$0x0]  }
0x340: {  	s11 =	sor.u32 s25, s12;
	v3 =	vadd.f32 v9, v3;
	v7 =	vadd.f32 v10, v7;
	v63 =	vld [tilespmem:s7+$0x0]  }
0x341: {  	s12 =	sor.u32 s25, s13;
	v9 =	vld [tilespmem:s11+$0x0];
	v6 =	vadd.f32 v8, v6;
	v5 =	vadd.f32 v11, v5  }
0x342: {  	s13 =	sor.u32 s25, s14;
	v8 =	vld [tilespmem:s12+$0x0]  }
0x343: {  	s15 =	sor.u32 s25, s19;
	v10 =	vld [tilespmem:s13+$0x0];
	v3 =	vadd.f32 v7, v3;
	v5 =	vadd.f32 v5, v6  }
0x344: {  	s14 =	sor.u32 s25, s17;
	v7 =	vld [tilespmem:s15+$0x0]  }
0x345: {  	s1 =	sadd.s32 $0x17100, s29;
	v6 =	vld [tilespmem:s14+$0x0];
	v3 =	vadd.f32 v5, v3  }
0x346: {  	s2 =	sadd.s32 $0x12000, s0;
	s17 =	sor.u32 s28, s1  }
0x347: {  	s7 =	sadd.s32 $0x12080, s0;
	s18 =	sor.u32 s28, s2;
	[tilespmem:s17+$0x0] =	vst.add.f32.msk $0xffff, v3  }
0x348: {  	s12 =	sadd.s32 $0x12100, s0;
	s19 =	sor.u32 s28, s7;
	v3 =	vld [tilespmem:s18+$0x0]  }
0x349: {  	s13 =	sadd.s32 $0x12180, s0;
	s20 =	sor.u32 s28, s12;
	v11 =	vadd.f32 v62, v4;
	v9 =	vadd.f32 v9, v63;
	v4 =	vld [tilespmem:s19+$0x0]  }
0x34a: {  	s21 =	sor.u32 s28, s13;
	s14 =	sadd.s32 $0x12200, s0;
	v8 =	vadd.f32 v10, v8;
	v7 =	vadd.f32 v7, v6;
	v5 =	vld [tilespmem:s20+$0x0]  }
0x34b: {  	s15 =	sadd.s32 $0x12280, s0;
	s11 =	sor.u32 s28, s14;
	v6 =	vld [tilespmem:s21+$0x0]  }
0x34c: {  	s30 =	simm.s32 $0x0;
	v9 =	vadd.f32 v9, v11;
	s17 =	sor.u32 s28, s15;
	s18 =	sadd.s32 $0x12300, s0;
	v10 =	vadd.f32 v7, v8;
	v7 =	vld [tilespmem:s11+$0x0]  }
0x34d: {  	s3 =	sor.u32 s25, s12;
	s0 =	sadd.s32 $0x12380, s0;
	s19 =	sor.u32 s28, s18;
	v8 =	vld [tilespmem:s17+$0x0]  }
0x34e: {  	s15 =	sor.u32 s25, s15;
	s20 =	sor.u32 s25, s1;
	s21 =	sor.u32 s28, s0;
	v11 =	vadd.f32 v10, v9;
	v9 =	vld [tilespmem:s19+$0x0]  }
0x34f: {  	s1 =	sor.u32 s25, s2;
	s18 =	sor.u32 s25, s18;
	s31 =	sor.u32 s25, s0;
	v10 =	vld [tilespmem:s21+$0x0]  }
0x350: {  	s11 =	sor.u32 s25, s7;
	s17 =	sor.u32 s25, s14;
	s19 =	sor.u32 s25, s13;
	[tilespmem:s20+$0x0] =	vst.add.f32.msk $0xffff, v11  }
.LBB2_11:
0x351: {  	s30 =	sadd.s32 $0x2, s30;
	v11 =	vld [tilespmem:s1+$0x0]  }
0x352: {  	s26 =	sadd.s32 $0x20, s26;
	s0 =	sshll.u32 s30, $0x7;
	p1 =	slt.u32 s30, $0x3E;
	v12 =	vld [tilespmem:s11+$0x0]  }
0x353: {  	v3 =	vadd.f32 v4, v3;
	v4 =	vadd.f32 v6, v5;
	s2 =	sand.u32 $0x60, s26;
	s0 =	sand.u32 $0x3FFFFC00, s0;
	v13 =	vld [tilespmem:s3+$0x0]  }
0x354: {  	v6 =	vadd.f32 v8, v7;
	s3 =	sor.u32 $0x10, s2;
	s1 =	sadd.s32 $0xC000, s0;
	v5 =	vld [tilespmem:s19+$0x0];
	v7 =	vadd.f32 v10, v9  }
0x355: {  	s11 =	sadd.s32 $0xC080, s0;
	s7 =	sor.u32 s2, s1;
	s1 =	sor.u32 s3, s1;
	v8 =	vld [tilespmem:s17+$0x0]  }
0x356: {  	v3 =	vadd.f32 v4, v3;
	s13 =	sadd.s32 $0xC100, s0;
	s12 =	sor.u32 s2, s11;
	v9 =	vld [tilespmem:s1+$0x0];
	s1 =	sor.u32 s3, s11;
	v4 =	vadd.f32 v7, v6  }
0x357: {  	s14 =	sadd.s32 $0xC180, s0;
	s11 =	sor.u32 s2, s13;
	v6 =	vld [tilespmem:s1+$0x0];
	s1 =	sor.u32 s3, s13;
	v7 =	vadd.f32 v12, v11  }
0x358: {  	s13 =	sor.u32 s2, s14;
	v10 =	vld [tilespmem:s1+$0x0];
	s1 =	sor.u32 s3, s14;
	s14 =	sadd.s32 $0x17180, s29;
	v3 =	vadd.f32 v4, v3  }
0x359: {  	s17 =	sadd.s32 $0xC200, s0;
	v4 =	vld [tilespmem:s1+$0x0];
	v5 =	vadd.f32 v5, v13;
	s1 =	sor.u32 s25, s14;
	s14 =	sor.u32 s28, s14  }
0x35a: {  	s20 =	sadd.s32 $0xC280, s0;
	s19 =	sor.u32 s2, s17;
	s17 =	sor.u32 s3, s17;
	[tilespmem:s14+$0x0] =	vst.add.f32.msk $0xffff, v3  }
0x35b: {  	s21 =	sadd.s32 $0xC300, s0;
	s14 =	sor.u32 s2, s20;
	v11 =	vld [tilespmem:s17+$0x0];
	s17 =	sor.u32 s3, s20;
	v3 =	vadd.f32 v5, v7  }
0x35c: {  	s25 =	sadd.s32 $0xC380, s0;
	s20 =	sor.u32 s2, s21;
	v5 =	vld [tilespmem:s17+$0x0];
	s17 =	sor.u32 s3, s21  }
0x35d: {  	s21 =	sor.u32 s2, s25;
	v7 =	vld [tilespmem:s17+$0x0];
	s17 =	sor.u32 s3, s25;
	s25 =	smov.u32 s2  }
0x35e: {  	s28 =	smov.u32 s3;
	v12 =	vld [tilespmem:s17+$0x0]  }
0x35f: {  	v13 =	vld [tilespmem:s7+$0x0]  }
0x360: {  	v14 =	vld [tilespmem:s12+$0x0]  }
0x361: {  	v15 =	vld [tilespmem:s11+$0x0]  }
0x362: {  	v6 =	vadd.f32 v6, v9;
	v4 =	vadd.f32 v4, v10;
	v16 =	vld [tilespmem:s13+$0x0]  }
0x363: {  	v5 =	vadd.f32 v5, v11;
	v9 =	vld [tilespmem:s19+$0x0];
	v7 =	vadd.f32 v12, v7  }
0x364: {  	v10 =	vld [tilespmem:s14+$0x0]  }
0x365: {  	s2 =	sshll.u32 s30, $0x6;
	v4 =	vadd.f32 v4, v6;
	v11 =	vld [tilespmem:s20+$0x0];
	v5 =	vadd.f32 v7, v5  }
0x366: {  	s29 =	sand.u32 $0x3FFFFE00, s2;
	v7 =	vadd.f32 v14, v13;
	v6 =	vld [tilespmem:s21+$0x0]  }
0x367: {  	s2 =	sadd.s32 $0x17000, s29;
	v12 =	vadd.f32 v16, v15;
	v4 =	vadd.f32 v5, v4;
	v5 =	vld [tilespmem:s15+$0x0]  }
0x368: {  	s7 =	sadd.s32 $0xE000, s0;
	s3 =	sor.u32 s25, s2;
	s2 =	sor.u32 s28, s2;
	v13 =	vld [tilespmem:s18+$0x0]  }
0x369: {  	s12 =	sadd.s32 $0xE080, s0;
	s11 =	sor.u32 s25, s7;
	v9 =	vadd.f32 v10, v9;
	v7 =	vadd.f32 v12, v7;
	[tilespmem:s2+$0x0] =	vst.add.f32.msk $0xffff, v4;
	s2 =	sor.u32 s28, s7  }
0x36a: {  	s13 =	sadd.s32 $0xE100, s0;
	s7 =	sor.u32 s25, s12;
	v4 =	vld [tilespmem:s2+$0x0];
	s2 =	sor.u32 s28, s12  }
0x36b: {  	s14 =	sadd.s32 $0xE180, s0;
	s12 =	sor.u32 s25, s13;
	v6 =	vadd.f32 v6, v11;
	v10 =	vld [tilespmem:s2+$0x0];
	s2 =	sor.u32 s28, s13  }
0x36c: {  	s15 =	sadd.s32 $0xE200, s0;
	s13 =	sor.u32 s25, s14;
	v11 =	vld [tilespmem:s2+$0x0];
	s2 =	sor.u32 s28, s14;
	v5 =	vadd.f32 v5, v8  }
0x36d: {  	s17 =	sadd.s32 $0xE280, s0;
	s14 =	sor.u32 s25, s15;
	v6 =	vadd.f32 v6, v9;
	v8 =	vld [tilespmem:s2+$0x0];
	s2 =	sor.u32 s28, s15  }
0x36e: {  	s18 =	sadd.s32 $0xE300, s0;
	s15 =	sor.u32 s25, s17;
	v9 =	vld [tilespmem:s2+$0x0];
	s2 =	sor.u32 s28, s17  }
0x36f: {  	s19 =	sadd.s32 $0xE380, s0;
	s17 =	sor.u32 s25, s18;
	v6 =	vadd.f32 v6, v7;
	v7 =	vld [tilespmem:s2+$0x0];
	s2 =	sor.u32 s28, s18  }
0x370: {  	s18 =	sor.u32 s25, s19;
	v12 =	vld [tilespmem:s2+$0x0];
	s2 =	sor.u32 s28, s19  }
0x371: {  	v14 =	vld [tilespmem:s2+$0x0]  }
0x372: {  	[tilespmem:s3+$0x0] =	vst.add.f32.msk $0xffff, v6  }
0x373: {  	v6 =	vld [tilespmem:s11+$0x0]  }
0x374: {  	v15 =	vld [tilespmem:s7+$0x0]  }
0x375: {  	v4 =	vadd.f32 v10, v4;
	v8 =	vadd.f32 v8, v11;
	v16 =	vld [tilespmem:s12+$0x0]  }
0x376: {  	v7 =	vadd.f32 v7, v9;
	v10 =	vld [tilespmem:s13+$0x0];
	v9 =	vadd.f32 v14, v12  }
0x377: {  	v11 =	vld [tilespmem:s14+$0x0]  }
0x378: {  	v4 =	vadd.f32 v8, v4;
	v12 =	vld [tilespmem:s15+$0x0];
	v7 =	vadd.f32 v9, v7  }
0x379: {  	v8 =	vld [tilespmem:s17+$0x0];
	v6 =	vadd.f32 v15, v6  }
0x37a: {  	s2 =	sadd.s32 $0x17080, s29;
	v9 =	vld [tilespmem:s18+$0x0];
	v4 =	vadd.f32 v7, v4  }
0x37b: {  	s3 =	sor.u32 s25, s2;
	s2 =	sor.u32 s28, s2;
	s7 =	sadd.s32 $0x10000, s0;
	v7 =	vadd.f32 v10, v16;
	v10 =	vld [tilespmem:s31+$0x0]  }
0x37c: {  	s11 =	sor.u32 s25, s7;
	s12 =	sadd.s32 $0x10080, s0;
	[tilespmem:s2+$0x0] =	vst.add.f32.msk $0xffff, v4;
	s2 =	sor.u32 s28, s7  }
0x37d: {  	s13 =	sadd.s32 $0x10100, s0;
	s7 =	sor.u32 s25, s12;
	v4 =	vadd.f32 v12, v11;
	v6 =	vadd.f32 v7, v6;
	v7 =	vld [tilespmem:s2+$0x0];
	s2 =	sor.u32 s28, s12  }
0x37e: {  	s14 =	sadd.s32 $0x10180, s0;
	s12 =	sor.u32 s25, s13;
	v11 =	vld [tilespmem:s2+$0x0];
	s2 =	sor.u32 s28, s13  }
0x37f: {  	s15 =	sadd.s32 $0x10200, s0;
	s13 =	sor.u32 s25, s14;
	v8 =	vadd.f32 v9, v8;
	v9 =	vld [tilespmem:s2+$0x0];
	s2 =	sor.u32 s28, s14  }
0x380: {  	s17 =	sadd.s32 $0x10280, s0;
	s14 =	sor.u32 s25, s15;
	v12 =	vld [tilespmem:s2+$0x0];
	s2 =	sor.u32 s28, s15;
	v10 =	vadd.f32 v10, v13  }
0x381: {  	s18 =	sadd.s32 $0x10300, s0;
	s15 =	sor.u32 s25, s17;
	v4 =	vadd.f32 v8, v4;
	v8 =	vld [tilespmem:s2+$0x0];
	s2 =	sor.u32 s28, s17  }
0x382: {  	s19 =	sadd.s32 $0x10380, s0;
	s17 =	sor.u32 s25, s18;
	v13 =	vld [tilespmem:s2+$0x0];
	s2 =	sor.u32 s28, s18;
	v5 =	vadd.f32 v10, v5  }
0x383: {  	s18 =	sor.u32 s25, s19;
	v4 =	vadd.f32 v4, v6;
	v6 =	vld [tilespmem:s2+$0x0];
	s2 =	sor.u32 s28, s19  }
0x384: {  	v10 =	vld [tilespmem:s2+$0x0];
	v3 =	vadd.f32 v5, v3  }
0x385: {  	[tilespmem:s3+$0x0] =	vst.add.f32.msk $0xffff, v4  }
0x386: {  	v4 =	vld [tilespmem:s11+$0x0]  }
0x387: {  	v5 =	vld [tilespmem:s7+$0x0]  }
0x388: {  	v7 =	vadd.f32 v11, v7;
	v9 =	vadd.f32 v12, v9;
	v14 =	vld [tilespmem:s12+$0x0]  }
0x389: {  	v8 =	vadd.f32 v13, v8;
	v11 =	vld [tilespmem:s13+$0x0];
	v6 =	vadd.f32 v10, v6  }
0x38a: {  	v10 =	vld [tilespmem:s14+$0x0]  }
0x38b: {  	v7 =	vadd.f32 v9, v7;
	v12 =	vld [tilespmem:s15+$0x0];
	v6 =	vadd.f32 v6, v8  }
0x38c: {  	v8 =	vld [tilespmem:s17+$0x0];
	v4 =	vadd.f32 v5, v4  }
0x38d: {  	s2 =	sadd.s32 $0x17100, s29;
	s3 =	sadd.s32 $0x12000, s0;
	v5 =	vld [tilespmem:s18+$0x0];
	v6 =	vadd.f32 v6, v7  }
0x38e: {  	s7 =	sor.u32 s25, s2;
	s2 =	sor.u32 s28, s2;
	s12 =	sadd.s32 $0x12080, s0;
	v7 =	vadd.f32 v11, v14;
	[tilespmem:s1+$0x0] =	vst.add.f32.msk $0xffff, v3  }
0x38f: {  	s11 =	sor.u32 s25, s12;
	s1 =	sor.u32 s25, s3;
	[tilespmem:s2+$0x0] =	vst.add.f32.msk $0xffff, v6;
	s2 =	sor.u32 s28, s3  }
0x390: {  	s13 =	sadd.s32 $0x12100, s0;
	v9 =	vadd.f32 v12, v10;
	v10 =	vadd.f32 v7, v4;
	v3 =	vld [tilespmem:s2+$0x0];
	s2 =	sor.u32 s28, s12;
	s12 =	sadd.s32 $0x12180, s0  }
0x391: {  	s3 =	sor.u32 s25, s13;
	v4 =	vld [tilespmem:s2+$0x0];
	s2 =	sor.u32 s28, s13;
	s19 =	sor.u32 s25, s12  }
0x392: {  	s13 =	sadd.s32 $0x12200, s0;
	v7 =	vadd.f32 v5, v8;
	v5 =	vld [tilespmem:s2+$0x0];
	s2 =	sor.u32 s28, s12;
	s12 =	sadd.s32 $0x12280, s0  }
0x393: {  	s17 =	sor.u32 s25, s13;
	v6 =	vld [tilespmem:s2+$0x0];
	s2 =	sor.u32 s28, s13;
	s15 =	sor.u32 s25, s12  }
.Ltmp6:
0x394: {  	s13 =	sadd.s32 $0x12300, s0;
	v9 =	vadd.f32 v7, v9;
	v7 =	vld [tilespmem:s2+$0x0];
	s2 =	sor.u32 s28, s12;
	(pc) =	sbr.rel @p1 .LBB2_11-.Ltmp6, $4  }
0x395: {  	s0 =	sadd.s32 $0x12380, s0;
	s18 =	sor.u32 s25, s13;
	v8 =	vld [tilespmem:s2+$0x0];
	s2 =	sor.u32 s28, s13  }
0x396: {  	s31 =	sor.u32 s25, s0;
	s0 =	sor.u32 s28, s0;
	v11 =	vadd.f32 v9, v10;
	v9 =	vld [tilespmem:s2+$0x0]  }
0x397: {  	v10 =	vld [tilespmem:s0+$0x0]  }
0x398: {  	[tilespmem:s7+$0x0] =	vst.add.f32.msk $0xffff, v11  }
0x399: {  	v11 =	vld [tilespmem:s1+$0x0]  }
0x39a: {  	v12 =	vld [tilespmem:s11+$0x0]  }
0x39b: {  	v13 =	vld [tilespmem:s3+$0x0]  }
0x39c: {  	v14 =	vld [tilespmem:s19+$0x0]  }
0x39d: {  	v15 =	vld [tilespmem:s17+$0x0]  }
0x39e: {  	v16 =	vld [tilespmem:s15+$0x0]  }
0x39f: {  	v17 =	vld [tilespmem:s18+$0x0]  }
0x3a0: {  	v18 =	vld [tilespmem:s31+$0x0];
	_ =	sdelay $0x1  }
0x3a1: {  	v3 =	vadd.f32 v4, v3;
	v53 =	vadd.f32 v6, v5  }
0x3a2: {  	v54 =	vadd.f32 v8, v7;
	v55 =	vadd.f32 v10, v9  }
0x3a3: {  	v56 =	vadd.f32 v12, v11;
	v57 =	vadd.f32 v14, v13  }
0x3a4: {  	v58 =	vadd.f32 v16, v15;
	v59 =	vadd.f32 v18, v17  }
0x3a5: {  	v3 =	vadd.f32 v53, v3;
	v60 =	vadd.f32 v55, v54  }
0x3a6: {  	v61 =	vadd.f32 v57, v56;
	v62 =	vadd.f32 v59, v58  }
0x3a7: {  	s0 =	sadd.s32 $0x17180, s29;
	v3 =	vadd.f32 v60, v3  }
0x3a8: {  	s29 =	sor.u32 s28, s0;
	v63 =	vadd.f32 v62, v61  }
.Ltmp7:
0x3a9: {  	s0 =	sor.u32 s25, s0;
	[tilespmem:s29+$0x0] =	vst.add.f32.msk $0xffff, v3;
	(pc) =	sbr.rel @p0 .LBB2_14-.Ltmp7, $4  }
0x3aa: {  	s2 =	sand.u32 $0xFC00, s24;
	[tilespmem:s0+$0x0] =	vst.add.f32.msk $0xffff, v63  }
0x3ab: {  	s30 =	sor.u32 s2, s6;
	s0 =	rddreg [dreg:$0x8]  }
0x3ac: {  	s31 =	simm.s32 $0x17000;
	s2 =	simm.s32 $0x200;
	s0 =	sadd.s32 s30, s0  }
0x3ad: {  	[hbm4b:s0+s2] =	stream.strided.scatter [tilespmem:s31], [sflag:$0xA], $0x1000, s16, s2, $0x38;
	[tilespmem:$0x18000] =	vst v63  }
0x3ae: {  	s0 =	sadd.s32 $0xA00, s23  }
0x3af: {  	s1 =	sshrl.u32 s0, $0x2  }
0x3b0: {  	v3 =	vld [tilespmem:s1+$0x0];
	_ =	sdelay $0x4  }
0x3b1: {  	v4 =	vshll.u32 v3, $0x3  }
0x3b2: {  	v3 =	vand.u32 $0x7, v3;
	v4 =	vand.u32 $0xFFFFFFC0, v4  }
0x3b3: {  	v3 =	vor.u32 v3, v4  }
0x3b4: {  	v4 =	vperm.xlane v3, v0;
	_ =	sdelay $0x1  }
0x3b5: {  	v4 =	vadd.s32 v1, v4;
	_ =	sdelay $0x3  }
0x3b6: {  	s3 =	simm.s32 $0xC000  }
0x3b7: {  	[tilespmem:s3], [sflag:$0x2] =	stream.indirect_vreg.gather [hbm4b:s5+s4], $0x80, v4, vm0, $0xb8;
	[tilespmem:$0x18000] =	vst v63  }
0x3b8: {  	s11 =	simm.s32 $0xC800;
	v3 =	vperm.xlane v3, v2  }
0x3b9: {  	[tilespmem:s11], [sflag:$0x2] =	stream.indirect_vreg.gather [hbm4b:s8+s4], $0x80, v4, vm0, $0xb8;
	[tilespmem:$0x18000] =	vst v63  }
0x3ba: {  	s12 =	simm.s32 $0xD000;
	v3 =	vadd.s32 v1, v3  }
0x3bb: {  	[tilespmem:s12], [sflag:$0x2] =	stream.indirect_vreg.gather [hbm4b:s9+s4], $0x80, v4, vm0, $0xb8;
	[tilespmem:$0x18000] =	vst v63  }
0x3bc: {  	s13 =	simm.s32 $0xD800  }
0x3bd: {  	[tilespmem:s13], [sflag:$0x2] =	stream.indirect_vreg.gather [hbm4b:s10+s4], $0x80, v4, vm0, $0xb8;
	[tilespmem:$0x18000] =	vst v63  }
0x3be: {  	s14 =	simm.s32 $0xE000  }
0x3bf: {  	[tilespmem:s14], [sflag:$0x2] =	stream.indirect_vreg.gather [hbm4b:s5+s4], $0x80, v3, vm0, $0xb8;
	[tilespmem:$0x18000] =	vst v63  }
0x3c0: {  	s15 =	simm.s32 $0xE800  }
0x3c1: {  	[tilespmem:s15], [sflag:$0x2] =	stream.indirect_vreg.gather [hbm4b:s8+s4], $0x80, v3, vm0, $0xb8;
	[tilespmem:$0x18000] =	vst v63  }
0x3c2: {  	s17 =	simm.s32 $0xF000  }
0x3c3: {  	[tilespmem:s17], [sflag:$0x2] =	stream.indirect_vreg.gather [hbm4b:s9+s4], $0x80, v3, vm0, $0xb8;
	[tilespmem:$0x18000] =	vst v63  }
0x3c4: {  	s18 =	simm.s32 $0xF800  }
0x3c5: {  	[tilespmem:s18], [sflag:$0x2] =	stream.indirect_vreg.gather [hbm4b:s10+s4], $0x80, v3, vm0, $0xb8;
	[tilespmem:$0x18000] =	vst v63  }
0x3c6: {  	v3 =	vld [tilespmem:s1+$0x10];
	_ =	sdelay $0x4  }
0x3c7: {  	v63 =	vshll.u32 v3, $0x3  }
0x3c8: {  	v3 =	vand.u32 $0x7, v3;
	v4 =	vand.u32 $0xFFFFFFC0, v63  }
0x3c9: {  	v3 =	vor.u32 v3, v4  }
0x3ca: {  	v4 =	vperm.xlane v3, v0;
	_ =	sdelay $0x1  }
0x3cb: {  	v4 =	vadd.s32 v1, v4;
	_ =	sdelay $0x3  }
0x3cc: {  	s19 =	simm.s32 $0x10000  }
0x3cd: {  	[tilespmem:s19], [sflag:$0x2] =	stream.indirect_vreg.gather [hbm4b:s5+s4], $0x80, v4, vm0, $0xb8;
	[tilespmem:$0x18000] =	vst v63  }
0x3ce: {  	s20 =	simm.s32 $0x10800;
	v3 =	vperm.xlane v3, v2  }
0x3cf: {  	[tilespmem:s20], [sflag:$0x2] =	stream.indirect_vreg.gather [hbm4b:s8+s4], $0x80, v4, vm0, $0xb8;
	[tilespmem:$0x18000] =	vst v63  }
0x3d0: {  	s21 =	simm.s32 $0x11000;
	v3 =	vadd.s32 v1, v3  }
0x3d1: {  	[tilespmem:s21], [sflag:$0x2] =	stream.indirect_vreg.gather [hbm4b:s9+s4], $0x80, v4, vm0, $0xb8;
	[tilespmem:$0x18000] =	vst v63  }
0x3d2: {  	s23 =	simm.s32 $0x11800  }
0x3d3: {  	[tilespmem:s23], [sflag:$0x2] =	stream.indirect_vreg.gather [hbm4b:s10+s4], $0x80, v4, vm0, $0xb8;
	[tilespmem:$0x18000] =	vst v63  }
0x3d4: {  	s24 =	simm.s32 $0x12000  }
0x3d5: {  	[tilespmem:s24], [sflag:$0x2] =	stream.indirect_vreg.gather [hbm4b:s5+s4], $0x80, v3, vm0, $0xb8;
	[tilespmem:$0x18000] =	vst v63  }
0x3d6: {  	s25 =	simm.s32 $0x12800  }
0x3d7: {  	[tilespmem:s25], [sflag:$0x2] =	stream.indirect_vreg.gather [hbm4b:s8+s4], $0x80, v3, vm0, $0xb8;
	[tilespmem:$0x18000] =	vst v63  }
0x3d8: {  	s26 =	simm.s32 $0x13000  }
0x3d9: {  	[tilespmem:s26], [sflag:$0x2] =	stream.indirect_vreg.gather [hbm4b:s9+s4], $0x80, v3, vm0, $0xb8;
	[tilespmem:$0x18000] =	vst v63  }
0x3da: {  	s28 =	simm.s32 $0x13800  }
0x3db: {  	[tilespmem:s28], [sflag:$0x2] =	stream.indirect_vreg.gather [hbm4b:s10+s4], $0x80, v3, vm0, $0xb8;
	[tilespmem:$0x18000] =	vst v63  }
.Ltmp8:
0x3dc: {  	s29 =	simm.s32 $0x8;
	(pc) =	sbr.rel .LBB2_2-.Ltmp8, $4  }
0x3dd: {  	s31 =	simm.s32 $0x15000;
	s0 =	sadd.s32 s6, s0;
	_ =	swait.ge [sflag:s29], $0x1000  }
0x3de: {  	s0 =	sand.u32 $0x3F800, s0;
	[sflag:s29] =	ssyncset.done $0x0;
	s30 =	rddreg [dreg:$0x6]  }
0x3df: {  	s22 =	sadd.s32 $0x1, s22;
	[sflag:s29] =	ssyncadd.s32 $0xFFFFF000;
	s0 =	sadd.s32 s0, s30  }
0x3e0: {  	[tilespmem:s31], [sflag:$0x4] =	stream.strided.gather [hbm4b:s0+s2], $0x1000, s16, s2, $0x38;
	[tilespmem:$0x18000] =	vst v63  }
.LBB2_15:
0x3e1: {  	_ =	sfence.sel $0x180000  }
0x3e2: {  	[bflag:$0x0] =	sbarrier.arrive $0xFFFF  }
0x3e3: {  	_ =	strace $0x9000004A  }
0x3e4: {  	s0 =	stileid.u32;
	[bflag:$0x2] =	sbarrier.arrive $0xFFFF  }
0x3e5: {  	p0 =	sne.s32 s0, $0x0;
	s0 =	rddreg [dreg:$0x3]  }
0x3e6: {  	s0 =	sadd.s32 @!p0 $0x100000, s0  }
0x3e7: {  	[sflag:s0] =	ssyncadd.tile.s32 @!p0 $0x1;
	_ =	shalt  }
.Lfunc_end2:
_tile_overlayer_lowered:
.L_overlay_start_2:
0x3e8: {  	(tag) =	ssettag $0x2  }
0x3e9: {  	s0 =	rddreg [dreg:$0x0];
	s2 =	stileid.u32  }
0x3ea: {  	s1 =	rddreg [dreg:$0x1];
	p0 =	sne.s32 s2, $0x0  }
0x3eb: {  	s3 =	rddreg [dreg:$0x2];
	[bflag:$0x3] =	sbarrier.arrive $0xFFFF;
	s2 =	simm.s32 @!p0 $0x1C0B  }
0x3ec: {  	[timem:s3], [sflag:s2] =	dma.local @!p0 [hbm:s0], s1  }
0x3ed: {  	s0 =	simm.s32 @!p0 $0xB  }
0x3ee: {  	_ =	swait.ge @!p0 [sflag:s0], s1  }
0x3ef: {  	s1 =	ssub.s32 @!p0 $0x0, s1;
	[sflag:s0] =	ssyncset.done @!p0 $0x0  }
0x3f0: {  	[sflag:s0] =	ssyncadd.s32 @!p0 s1  }
0x3f1: {  	[bflag:$0x3] =	sbarrier.arrive $0xFFFF  }
0x3f2: {  	_ =	shalt  }

// kernel: sparse-core-data-format-call.cloned.1.call-start
scs
called_computation_lowered:
.L_overlay_start_0:
0x0: {  	s2 =	sld [smem:$0x3FD9]  }
0x1: {  	s3 =	sld [smem:$0x3FFE];
	_ =	sdelay $0x1  }
0x2: {  	s1 =	srdreg.scid  }
0x3: {  	s0 =	sand.u32 $0x1, s1  }
0x4: {  	s18 =	sshll.u32 s0, $0xA;
	s2 =	sadd.s32 s3, s2  }
0x5: {  	s2 =	sadd.s32 s2, s18  }
0x6: {  	[smem:$0x3FC5] =	sst s2  }
0x7: {  	_ = 	snop  }
0x8: {  	s2 =	sld [smem:$0x3FD0];
	(tm) =	ssettm $0x1  }
0x9: {  	s19 =	sld [smem:$0x3FFB];
	_ =	sdelay $0x3  }
0xa: {  	_ =	strace s19  }
0xb: {  	s3 =	sld [smem:$0x3FFC];
	_ =	sdelay $0x3  }
0xc: {  	_ =	strace s3  }
0xd: {  	s3 =	sld [smem:$0x3FFD];
	_ =	sdelay $0x3  }
0xe: {  	_ =	strace s3  }
0xf: {  	_ =	strace $0x8FFFFFFF  }
0x10: {  	s20 =	sld [smem:$0x3FDB];
	_ =	sdelay $0x1  }
0x11: {  	s4 =	simm.s32 $_scs_section_size  }
0x12: {  	s5 =	simm.s32 $_size__tile_overlayer_lowered;
	s6 =	simm.s32 $_tile_overlayer_lowered  }
0x13: {  	s23 =	simm.s32 $0x1BFF;
	s22 =	sshll.u32 s6, $0x1;
	s3 =	sadd.s32 s4, s20  }
0x14: {  	s7 =	simm.s32 $0x0;
	s21 =	sshll.u32 s5, $0x1;
	s5 =	sadd.s32 s22, s3  }
0x15: {  	[timem:s7], [sflag:s23] =	dma.local [hbm:s5], s21  }
0x16: {  	_ =	swait.ge [sflag:s23], s21  }
0x17: {  	s4 =	ssub.s32 $0x0, s21;
	[sflag:s23] =	ssyncset.done $0x0  }
0x18: {  	[sflag:s23] =	ssyncadd.s32 s4;
	_ =	sdelay $0x1  }
0x19: {  	s24 =	simm.s32 $0x1B8B  }
0x1a: {  	_ =	swait.ge [sflag:s24], $0x1  }
0x1b: {  	[sflag:s24] =	ssyncset.done $0x0  }
0x1c: {  	s26 =	simm.s32 $0x1B8E;
	s25 =	sld [smem:$0x3FFE];
	[sflag:s24] =	ssyncadd.s32 $0xFFFFFFFF  }
0x1d: {  	s27 =	simm.s32 $execute0_lowered;
	[smem:$0x3FD2] =	sst s26  }
0x1e: {  	s5 =	sshll.u32 s27, $0x1;
	_ =	strace $0x80000046;
	[dreg:$0x1] =	wrdreg $0xFFFFFFFF  }
0x1f: {  	s28 =	simm.s32 $_size_execute0_lowered;
	s3 =	sadd.s32 s3, s5;
	[dreg:$0x0] =	wrdreg $0x0  }
0x20: {  	s5 =	sshll.u32 s28, $0x1;
	[dreg:$0x2] =	wrdreg s3  }
0x21: {  	[dreg:$0x3] =	wrdreg s5  }
0x22: {  	[dreg:$0x4] =	wrdreg $0xC0  }
0x23: {  	_ =	task [dreg:s7], $0x5FFFF  }
0x24: {  	[dreg:$0x1] =	wrdreg $0xFFFFFFFF  }
0x25: {  	[dreg:$0x0] =	wrdreg $0x60  }
0x26: {  	[dreg:$0x2] =	wrdreg s25  }
0x27: {  	[dreg:$0x3] =	wrdreg s2  }
0x28: {  	[dreg:$0x4] =	wrdreg $0x9  }
0x29: {  	_ =	task.clear_ibuf [dreg:s7], $0x5FFFF;
	_ =	strace $0x90000046  }
0x2a: {  	s29 =	simm.s32 $0x9;
	_ =	strace $0x80000048  }
0x2b: {  	_ =	swait.ge [sflag:s29], $0x1  }
0x2c: {  	[sflag:s29] =	ssyncadd.s32 $0xFFFFFFFF  }
0x2d: {  	_ =	strace $0x90000048  }
0x2e: {  	_ =	sfence  }
0x2f: {  	s30 =	sld [smem:$0x0];
	_ =	sdelay $0x2  }
0x30: {  	s31 =	sshll.u32 s1, $0xD;
	s1 =	sshrl.u32 s1, $0x2  }
0x31: {  	s3 =	sand.u32 $0x4000, s31;
	s1 =	sadd.s32 s1, s30  }
0x32: {  	s0 =	sor.u32 s3, s0;
	s1 =	sshll.u32 s1, $0x11  }
0x33: {  	s0 =	sor.u32 s1, s0  }
0x34: {  	s0 =	sadd.s32 $0x8F2B, s0  }
0x35: {  	[sflag:s0] =	ssyncadd.remote.s32 $0x1  }
0x36: {  	_ =	sfence.sel $0xFFFF  }
0x37: {  	[dreg:$0x0] =	wrdreg $0xFFFFFFFF;
	(pc) =	sbr.abs _section_cstart, $3  }
0x38: {  	[dreg:$0x1] =	wrdreg $0xFFFFFFFF  }
0x39: {  	_ =	task.clear_ibuf [dreg:s7], $0x2FFFF;
	_ =	strace $0x9FFFFFFF  }
0x3a: {  	(tm) =	ssettm $0x7FFFFFFF  }
0x3b: {  	_ =	shalt  }
tec
execute0_lowered:
.L_overlay_start_1:
0x0: {  	(tag) =	ssettag $0x1  }
0x1: {  	s0 =	stileid.u32  }
0x2: {  	s1 =	srdreg.scid;
	s7 =	rddreg [dreg:$0x0]  }
0x3: {  	s3 =	rddreg [dreg:$0x1];
	s8 =	simm.s32 $0x1;
	s31 =	simm.s32 $0x2  }
0x4: {  	s15 =	simm.s32 $0x0;
	s2 =	sshll.u32 s0, $0x5;
	s1 =	sshll.u32 s1, $0x9  }
0x5: {  	s9 =	simm.s32 $0x800;
	s10 =	simm.s32 $0x102000;
	s1 =	sor.u32 s2, s1  }
0x6: {  	s11 =	simm.s32 $0x0;
	s29 =	sshll.u32 s0, $0x3;
	s1 =	sand.u32 $0x300, s1  }
0x7: {  	s14 =	simm.s32 $0x0;
	s4 =	sand.u32 $0x38, s29;
	s5 =	ssub.s32 $0x400, s1  }
0x8: {  	s13 =	simm.s32 $0x0;
	s6 =	ssub.s32 $0x400, s4;
	s30 =	sand.u32 $0x300, s5  }
0x9: {  	s21 =	simm.s32 $0x0;
	s6 =	sshrl.u32 s6, $0x6;
	p0 =	sne.s32 s30, $0x0  }
.Ltmp0:
0xa: {  	s5 =	sshrl.u32 s5, $0xA;
	s8 =	simm.s32 @!p0 $0x0;
	(pc) =	sbr.rel .LBB1_1-.Ltmp0, $4  }
0xb: {  	s2 =	rddreg [dreg:$0x2];
	s6 =	sadd.s32 $0x1, s6;
	s8 =	sadd.s32 s8, s5  }
0xc: {  	_ =	strace $0x80000047;
	s5 =	simm.s32 $0x1;
	s6 =	smul.u32 s6, s8  }
0xd: {  	s12 =	smov.u32 s4;
	s7 =	sadd.s32 s1, s7;
	[sflag:s5] =	ssyncpa.u1 $0x0  }
0xe: {  	s7 =	sadd.s32 $0xA00, s7;
	[sflag:s31] =	ssyncpa.u1 $0x0;
	s8 =	sadd.s32 $0x1, s6  }
.LBB1_7:
0xf: {  	s16 =	sadd.s32 $0x40, s12  }
0x10: {  	p1 =	sgt.s32 s16, $0x400  }
0x11: {  	s16 =	smov.u32 @p1 s4;
	p1 =	sne.s32 s13, s8  }
.Ltmp1:
0x12: {  	p0 =	slt.u32 s13, $0x2;
	(pc) =	sbr.rel @!p1 .LBB1_8-.Ltmp1, $4  }
0x13: {  	s15 =	simm.s32 @!p0 $0x2  }
0x14: {  	s17 =	sadd.s32 $0x1, s13;
	s14 =	smov.u32 s12;
	_ =	swait.ge @!p0 [sflag:s15], $0x4000  }
0x15: {  	s11 =	sadd.s32 $0x4000, s11;
	s13 =	smov.u32 s17;
	[sflag:s15] =	ssyncset.done @!p0 $0x0  }
0x16: {  	s12 =	smov.u32 s16;
	[sflag:s15] =	ssyncadd.s32 @!p0 $0xFFFFC000;
	s15 =	smov.u32 s1  }
.LBB1_1:
0x17: {  	p0 =	sge.u32 s13, s6  }
0x18: {  	p1 =	sgt.s32 @!p0 s12, $0x3F9  }
0x19: {  	s16 =	smov.u32 s12;
	s17 =	sshra.s32 @!p0 s12, $0x1F;
	p1 =	por !p1, p0  }
0x1a: {  	s17 =	sand.u32 @!p0 s17, s12;
	s16 =	simm.s32 @p1 $0x3F9  }
0x1b: {  	s16 =	ssub.s32 @!p0 s16, s17  }
0x1c: {  	s31 =	sadd.s32 $0xFFFFFFFF, s13;
	s18 =	sxor.u32 @!p0 $0xFFFFFFFF, s13;
	s16 =	sadd.s32 @!p0 $0xFFFFFC07, s16  }
0x1d: {  	s19 =	simm.s32 @!p0 $0x800;
	s20 =	simm.s32 @!p0 $0x2000;
	s17 =	sshll.u32 @!p0 s16, $0xB  }
0x1e: {  	p1 =	sgt.s32 @!p0 s16, $0x7;
	s16 =	ssub.s32 @!p0 $0x4000, s17;
	s17 =	sshll.u32 @!p0 s18, $0xE  }
0x1f: {  	p1 =	por !p1, p0;
	s18 =	sshll.u32 @!p0 s12, $0xA;
	s16 =	sand.u32 @!p0 $0x3FFFF800, s16  }
0x20: {  	s17 =	sand.u32 @!p0 $0x4000, s17;
	s18 =	sadd.s32 @!p0 s18, s7;
	s16 =	simm.s32 @!p1 $0x0  }
0x21: {  	[tilespmem:s17], [sflag:$0x1] =	stream.strided.gather @!p0 [hbm4b:s18+s19], s16, s20, s19, $0x38;
	[tilespmem:$0x10000] =	vst v63  }
0x22: {  	p0 =	sge.u32 s31, s6  }
.Ltmp2:
0x23: {  	_ = 	snop;
	(pc) =	sbr.rel @p0 .LBB1_7-.Ltmp2, $1  }
0x24: {  	_ =	sdelay $0x3  }
0x25: {  	p0 =	sgt.s32 s14, $0x3F9;
	s16 =	smov.u32 s14;
	s17 =	sshra.s32 s14, $0x1F  }
0x26: {  	s16 =	simm.s32 @!p0 $0x3F9;
	s17 =	sand.u32 s17, s14  }
0x27: {  	s16 =	ssub.s32 s16, s17  }
0x28: {  	s16 =	sadd.s32 $0xFFFFFC07, s16  }
0x29: {  	s18 =	sshll.u32 s11, $0x2;
	s19 =	sshll.u32 s13, $0xE;
	s31 =	sshll.u32 s16, $0xB  }
0x2a: {  	s22 =	simm.s32 $0x0;
	s23 =	simm.s32 $0x0;
	s17 =	ssub.s32 $0x4000, s31  }
0x2b: {  	s18 =	sand.u32 $0x10000, s18;
	p0 =	sgt.s32 s16, $0x7;
	s16 =	sand.u32 $0x3FFFF800, s17  }
0x2c: {  	s19 =	sand.u32 $0x4000, s19;
	s20 =	sshrl.u32 s18, $0x2;
	s16 =	simm.s32 @p0 $0x0  }
0x2d: {  	s18 =	sor.u32 $0x8410, s20;
	s17 =	sor.u32 $0x40, s20;
	_ =	swait.ge [sflag:s5], s16  }
0x2e: {  	s20 =	sadd.s32 $0x8400, s20;
	s16 =	ssub.s32 $0x0, s16;
	[sflag:s5] =	ssyncset.done $0x0  }
0x2f: {  	p0 =	por $0x0, $0x0;
	[sflag:s5] =	ssyncadd.s32 s16;
	s16 =	sor.u32 $0x8000, s19  }
.LBB1_3:
0x30: {  	v1 =	vld [tilespmem:s17+$0xFFFFFFD0]  }
0x31: {  	v2 =	vld [tilespmem:s17+$0x430]  }
0x32: {  	s24 =	sshll.u32 s23, $0xB;
	v4 =	vld [tilespmem:s17+$0xFFFFFFE0]  }
0x33: {  	v7 =	vld [tilespmem:s17+$0xFFFFFFF0];
	v0 =	vmov s24  }
0x34: {  	v8 =	vld [tilespmem:s17+$0x0]  }
0x35: {  	s30 =	sand.u32 $0x300, s21;
	v9 =	vld [tilespmem:s17+$0x10]  }
0x36: {  	s25 =	sand.u32 $0x80, s21;
	v10 =	vld [tilespmem:s17+$0x20];
	s24 =	sadd.s32 s30, s19  }
0x37: {  	v11 =	vld [tilespmem:s17+$0x30];
	s24 =	sadd.s32 s25, s24;
	s25 =	simm.s32 $0x1;
	[tilespmem:s18+$0x60] =	vst v2  }
0x38: {  	s31 =	sshll.u32 s22, $0x2;
	s25 =	simm.s32 @!p0 $0x0;
	[tilespmem:s18+$0xFFFFFC00] =	vst v1;
	v3 =	vld.idx.msk [tilespmem:v0+s24+$0x400 ss:$0x1], $0xffff  }
0x39: {  	v6 =	vld [tilespmem:s17+$0x3D0];
	s25 =	sshll.u32 s25, $0x9;
	[tilespmem:s18+$0xFFFFFC10] =	vst v4;
	s24 =	sand.u32 $0xFFFFFC00, s31  }
0x3a: {  	v5 =	vld [tilespmem:s17+$0x3E0];
	[tilespmem:s18+$0xFFFFFC20] =	vst v7;
	s24 =	sor.u32 s25, s24  }
0x3b: {  	[tilespmem:s18+$0xFFFFFC30] =	vst v8;
	v4 =	vld [tilespmem:s17+$0x400];
	s24 =	sshrl.u32 s24, $0x2  }
0x3c: {  	[tilespmem:s18+$0xFFFFFC40] =	vst v9;
	v1 =	vld [tilespmem:s17+$0x410];
	s24 =	sadd.s32 s24, s20  }
0x3d: {  	[tilespmem:s24+$0x0] =	vst v3;
	v3 =	vld [tilespmem:s17+$0x3F0]  }
0x3e: {  	s28 =	simm.s32 $0x80;
	s27 =	simm.s32 $0x100;
	[tilespmem:s18+$0xFFFFFC50] =	vst v10;
	v2 =	vld [tilespmem:s17+$0x420]  }
0x3f: {  	s26 =	smov.u32 s18;
	s29 =	sand.u32 $0x300, s28;
	v7 =	vld [tilespmem:s17+$0xFFFFFFC0];
	[tilespmem:s18+$0xFFFFFC60] =	vst v11;
	s25 =	sadd.s32 $0x80, s17  }
.LBB1_4:
0x40: {  	p1 =	sne.s32 s27, $0x380;
	v8 =	vld [tilespmem:s25+$0xFFFFFFD0];
	s28 =	sand.u32 $0x80, s28;
	s29 =	sadd.s32 s29, s19;
	[tilespmem:s26+$0x0] =	vst v6  }
0x41: {  	s29 =	sadd.s32 s28, s29;
	v6 =	vld [tilespmem:s25+$0x430];
	[tilespmem:s26+$0x10] =	vst v5;
	s28 =	smov.u32 s27  }
0x42: {  	v5 =	vld.idx.msk [tilespmem:v0+s29+$0x400 ss:$0x1], $0xffff;
	[tilespmem:s26+$0x20] =	vst v3  }
0x43: {  	v3 =	vld [tilespmem:s25+$0xFFFFFFE0];
	[tilespmem:s26+$0x30] =	vst v4  }
0x44: {  	v4 =	vld [tilespmem:s25+$0xFFFFFFF0];
	[tilespmem:s26+$0xFFFFFBF0] =	vst v7  }
0x45: {  	v7 =	vld [tilespmem:s25+$0x0];
	[tilespmem:s26+$0x40] =	vst v1  }
0x46: {  	v1 =	vld [tilespmem:s25+$0x10];
	[tilespmem:s26+$0x50] =	vst v2;
	s26 =	sadd.s32 $0x800, s26  }
0x47: {  	s24 =	sadd.s32 $0x800, s24;
	v2 =	vld [tilespmem:s25+$0x20];
	[tilespmem:s26+$0x60] =	vst v6  }
0x48: {  	v9 =	vld [tilespmem:s25+$0x30];
	[tilespmem:s24+$0x0] =	vst v5  }
0x49: {  	[tilespmem:s26+$0xFFFFFC00] =	vst v8;
	v6 =	vld [tilespmem:s25+$0x3D0]  }
0x4a: {  	[tilespmem:s26+$0xFFFFFC10] =	vst v3;
	v5 =	vld [tilespmem:s25+$0x3E0]  }
.Ltmp3:
0x4b: {  	[tilespmem:s26+$0xFFFFFC20] =	vst v4;
	v3 =	vld [tilespmem:s25+$0x3F0];
	(pc) =	sbr.rel @p1 .LBB1_4-.Ltmp3, $4  }
0x4c: {  	[tilespmem:s26+$0xFFFFFC30] =	vst v7;
	v4 =	vld [tilespmem:s25+$0x400]  }
0x4d: {  	[tilespmem:s26+$0xFFFFFC40] =	vst v1;
	v1 =	vld [tilespmem:s25+$0x410]  }
0x4e: {  	[tilespmem:s26+$0xFFFFFC50] =	vst v2;
	v2 =	vld [tilespmem:s25+$0x420]  }
0x4f: {  	s27 =	sadd.s32 $0x80, s27;
	s29 =	sand.u32 $0x300, s28;
	v7 =	vld [tilespmem:s25+$0xFFFFFFC0];
	[tilespmem:s26+$0xFFFFFC60] =	vst v9;
	s25 =	sadd.s32 $0x80, s25  }
0x50: {  	[tilespmem:s26+$0x0] =	vst v6  }
0x51: {  	[tilespmem:s26+$0x10] =	vst v5  }
0x52: {  	v49 =	vld [tilespmem:s25+$0x430];
	[tilespmem:s26+$0x20] =	vst v3  }
0x53: {  	v50 =	vld [tilespmem:s25+$0xFFFFFFD0];
	[tilespmem:s26+$0x30] =	vst v4  }
0x54: {  	v51 =	vld [tilespmem:s25+$0xFFFFFFE0];
	[tilespmem:s26+$0x40] =	vst v1  }
0x55: {  	v52 =	vld [tilespmem:s25+$0xFFFFFFF0];
	[tilespmem:s26+$0x50] =	vst v2  }
0x56: {  	s31 =	sadd.s32 $0x800, s26;
	v53 =	vld [tilespmem:s25+$0x0];
	[tilespmem:s26+$0xFFFFFBF0] =	vst v7  }
0x57: {  	v54 =	vld [tilespmem:s25+$0x10];
	[tilespmem:s31+$0x60] =	vst v49  }
0x58: {  	v55 =	vld [tilespmem:s25+$0x20];
	[tilespmem:s31+$0xFFFFFC00] =	vst v50  }
0x59: {  	v56 =	vld [tilespmem:s25+$0x30];
	[tilespmem:s31+$0xFFFFFC10] =	vst v51  }
0x5a: {  	v57 =	vld [tilespmem:s25+$0x3D0];
	[tilespmem:s31+$0xFFFFFC20] =	vst v52  }
0x5b: {  	v58 =	vld [tilespmem:s25+$0x3E0];
	[tilespmem:s31+$0xFFFFFC30] =	vst v53  }
0x5c: {  	v59 =	vld [tilespmem:s25+$0x3F0];
	[tilespmem:s31+$0xFFFFFC40] =	vst v54  }
0x5d: {  	v60 =	vld [tilespmem:s25+$0x400];
	[tilespmem:s31+$0xFFFFFC50] =	vst v55  }
0x5e: {  	v61 =	vld [tilespmem:s25+$0xFFFFFFC0];
	[tilespmem:s31+$0xFFFFFC60] =	vst v56  }
0x5f: {  	s27 =	sand.u32 $0x80, s28;
	s30 =	sadd.s32 s29, s19;
	v62 =	vld [tilespmem:s25+$0x410];
	[tilespmem:s31+$0x0] =	vst v57  }
0x60: {  	v63 =	vld [tilespmem:s25+$0x420];
	s23 =	sadd.s32 $0x1, s23;
	s27 =	sadd.s32 s27, s30;
	[tilespmem:s31+$0x10] =	vst v58  }
0x61: {  	p1 =	sne.s32 s23, $0x8;
	v0 =	vld.idx.msk [tilespmem:v0+s27+$0x400 ss:$0x1], $0xffff;
	[tilespmem:s31+$0x20] =	vst v59  }
.Ltmp4:
0x62: {  	[tilespmem:s31+$0x30] =	vst v60;
	(pc) =	sbr.rel @p1 .LBB1_3-.Ltmp4, $4  }
0x63: {  	[tilespmem:s31+$0xFFFFFBF0] =	vst v61  }
0x64: {  	[tilespmem:s31+$0x40] =	vst v62  }
0x65: {  	s24 =	sadd.s32 $0x800, s24;
	s17 =	sadd.s32 $0x800, s17;
	[tilespmem:s31+$0x50] =	vst v63  }
0x66: {  	s22 =	sadd.s32 $0x80, s22;
	p0 =	por !p0, !p0;
	s18 =	sadd.s32 $0x80, s18;
	[tilespmem:s24+$0x0] =	vst v0  }
0x67: {  	s17 =	sshll.u32 s14, $0xA  }
0x68: {  	s15 =	sshll.u32 s15, $0x3;
	s17 =	sand.u32 $0xFFFFE000, s17  }
0x69: {  	s15 =	sor.u32 s15, s17  }
0x6a: {  	s15 =	sshrl.u32 s15, $0xA  }
0x6b: {  	s30 =	smulhi.u32 $0x3F80FF, s15;
	_ =	sdelay $0x1  }
0x6c: {  	s17 =	smul.u32 $0x408, s30  }
.Ltmp5:
0x6d: {  	s31 =	sshll.u32 s14, $0x4;
	(pc) =	sbr.rel .LBB1_7-.Ltmp5, $4  }
0x6e: {  	s14 =	sand.u32 $0x70, s31;
	s15 =	ssub.s32 s15, s17  }
0x6f: {  	s14 =	sadd.s32 s3, s14;
	s15 =	sshll.u32 s15, $0x7  }
0x70: {  	s14 =	sadd.s32 s15, s14  }
0x71: {  	[hbm4b:s14+s9] =	stream.strided.scatter [tilespmem:s16], [sflag:$0x2], $0x4000, s10, s9, $0x38;
	[tilespmem:$0x10000] =	vst v63  }
.LBB1_8:
0x72: {  	_ =	sfence.sel $0x180000  }
0x73: {  	s1 =	simm.s32 $0x1;
	[bflag:$0x0] =	sbarrier.arrive $0xFFFF  }
0x74: {  	s31 =	simm.s32 $0x2;
	[sflag:s1] =	ssyncpa.u1 $0x1  }
0x75: {  	[sflag:s31] =	ssyncpa.u1 $0x1  }
0x76: {  	p0 =	sne.s32 s0, $0x0;
	_ =	strace $0x90000047  }
0x77: {  	s0 =	sadd.s32 @!p0 $0x100000, s2;
	[bflag:$0x2] =	sbarrier.arrive $0xFFFF  }
0x78: {  	[sflag:s0] =	ssyncadd.tile.s32 @!p0 $0x1;
	_ =	shalt  }
.Lfunc_end1:
_tile_overlayer_lowered:
.L_overlay_start_2:
0x79: {  	(tag) =	ssettag $0x2  }
0x7a: {  	s0 =	rddreg [dreg:$0x0];
	s2 =	stileid.u32  }
0x7b: {  	s1 =	rddreg [dreg:$0x1];
	p0 =	sne.s32 s2, $0x0  }
0x7c: {  	s3 =	rddreg [dreg:$0x2];
	[bflag:$0x3] =	sbarrier.arrive $0xFFFF;
	s2 =	simm.s32 @!p0 $0x1C01  }
0x7d: {  	[timem:s3], [sflag:s2] =	dma.local @!p0 [hbm:s0], s1  }
0x7e: {  	s0 =	simm.s32 @!p0 $0x1  }
0x7f: {  	_ =	swait.ge @!p0 [sflag:s0], s1  }
0x80: {  	s1 =	ssub.s32 @!p0 $0x0, s1;
	[sflag:s0] =	ssyncset.done @!p0 $0x0  }
0x81: {  	[sflag:s0] =	ssyncadd.s32 @!p0 s1  }
0x82: {  	[bflag:$0x3] =	sbarrier.arrive $0xFFFF  }
0x83: {  	_ =	shalt  }

</sc_bundles>
